<compile_context>
chip_gen: v7x
topology: tpu7x:2x2x1
jax: 0.10.2.dev20260603
libtpu: 0.0.44.dev20260713+nightly
codegen_flags: <defaults>
</compile_context>

<pallas_src>
import functools

import jax
import jax.numpy as jnp
from jax import lax
from jax.experimental import pallas as pl
from jax.experimental.pallas import tpu as pltpu
from jax.experimental.pallas import tpu_sc as plsc

N = 10000
E = 320000
D = 128

NC = 2
NS = 16
NW = NC * NS
WINE = 128
NWIN = 80
CH = 20
NCH = NWIN // CH
EP = NW * NWIN * WINE
NP = 10112
RPT = NP // NS

_sc_mesh = plsc.VectorSubcoreMesh(core_axis_name="c", subcore_axis_name="s")


@functools.partial(
    pl.kernel,
    out_type=[jax.ShapeDtypeStruct((NP, D), jnp.float32),
              jax.ShapeDtypeStruct((NP, D), jnp.float32)],
    mesh=_sc_mesh,
    scratch_types=[
        pltpu.VMEM((2, CH, WINE), jnp.int32),
        pltpu.VMEM((2, CH, WINE), jnp.int32),
        pltpu.VMEM((2, WINE, D), jnp.float32),
        pltpu.VMEM_SHARED((NP, D), jnp.float32),
        pltpu.SemaphoreType.DMA((2,)),
        pltpu.SemaphoreType.DMA((2,)),
    ],
)
def _sc_edge_agg(h_hbm, src_hbm, dst_hbm, zeros_hbm, out0_hbm, out1_hbm,
                 src_v, dst_v, rows_v, agg_sh, gsem, isem):
    c = lax.axis_index("c")
    s = lax.axis_index("s")
    wid = c * NS + s
    src_w = src_hbm.at[wid]
    dst_w = dst_hbm.at[wid]

    def idx_descs(ch, p):
        return (pltpu.make_async_copy(src_w.at[ch], src_v.at[p], isem.at[p]),
                pltpu.make_async_copy(dst_w.at[ch], dst_v.at[p], isem.at[p]))

    def gd(p, w, b):
        return pltpu.make_async_copy(
            h_hbm.at[src_v.at[p].at[w]], rows_v.at[b], gsem.at[b])

    for d in idx_descs(0, 0):
        d.start()
    for d in idx_descs(1, 1):
        d.start()

    for d in idx_descs(0, 0):
        d.wait()
    gd(0, 0, 0).start()
    gd(0, 1, 1).start()

    pltpu.sync_copy(zeros_hbm.at[pl.ds(s * RPT, RPT)],
                    agg_sh.at[pl.ds(s * RPT, RPT)])
    plsc.subcore_barrier()

    def body(w, carry):
        b = lax.rem(w, 2)
        ch = lax.div(w, CH)
        p = lax.rem(ch, 2)
        wc = lax.rem(w, CH)
        gd(p, wc, b).wait()

        @pl.when(w + 2 < NWIN)
        def _():
            w2 = w + 2
            p2 = lax.rem(lax.div(w2, CH), 2)
            wc2 = lax.rem(w2, CH)

            @pl.when(wc2 == 0)
            def _():
                for d in idx_descs(lax.div(w2, CH), p2):
                    d.wait()

            gd(p2, wc2, lax.rem(w2, 2)).start()

        pltpu.sync_copy(rows_v.at[b], agg_sh.at[dst_v.at[p].at[wc]],
                        add=True)

        @pl.when((wc == 0) & (w >= CH) & (ch + 1 < NCH))
        def _():
            for d in idx_descs(ch + 1, lax.rem(ch + 1, 2)):
                d.start()

        return carry

    lax.fori_loop(0, NWIN, body, 0)

    plsc.subcore_barrier()

    @pl.when(c == 0)
    def _():
        pltpu.sync_copy(agg_sh.at[pl.ds(s * RPT, RPT)],
                        out0_hbm.at[pl.ds(s * RPT, RPT)])

    @pl.when(c == 1)
    def _():
        pltpu.sync_copy(agg_sh.at[pl.ds(s * RPT, RPT)],
                        out1_hbm.at[pl.ds(s * RPT, RPT)])


_ROWS_BLK = 5000
_GRID = N // _ROWS_BLK


def _mlp_body(eps_ref, h_ref, a0_ref, a1_ref, w1_ref, b1_ref, w2_ref, b2_ref,
              o_ref):
    z = h_ref[...] * (1.0 + eps_ref[0]) + a0_ref[...] + a1_ref[...]
    y = jnp.dot(z, w1_ref[...], preferred_element_type=jnp.float32)
    y = jnp.maximum(y + b1_ref[...], 0.0)
    o = jnp.dot(y, w2_ref[...], preferred_element_type=jnp.float32)
    o_ref[...] = jnp.maximum(o + b2_ref[...], 0.0)


_row_spec = pl.BlockSpec((_ROWS_BLK, D), lambda i: (i, 0))
_full_spec = pl.BlockSpec((D, D), lambda i: (0, 0))
_bias_spec = pl.BlockSpec((1, D), lambda i: (0, 0))

_mlp_call = pl.pallas_call(
    _mlp_body,
    grid=(_GRID,),
    in_specs=[
        pl.BlockSpec(memory_space=pltpu.SMEM),
        _row_spec, _row_spec, _row_spec,
        _full_spec, _bias_spec, _full_spec, _bias_spec,
    ],
    out_specs=_row_spec,
    out_shape=jax.ShapeDtypeStruct((N, D), jnp.float32),
)


def _mlp_final_body(eps_ref, h2_ref, a0_ref, a1_ref, w1_ref, b1_ref, w2_ref,
                    b2_ref, x_ref, h1_ref, wf1_ref, bf1_ref, wf2_ref, bf2_ref,
                    o_ref):
    z = h2_ref[...] * (1.0 + eps_ref[0]) + a0_ref[...] + a1_ref[...]
    y = jnp.dot(z, w1_ref[...], preferred_element_type=jnp.float32)
    y = jnp.maximum(y + b1_ref[...], 0.0)
    h3 = jnp.dot(y, w2_ref[...], preferred_element_type=jnp.float32)
    h3 = jnp.maximum(h3 + b2_ref[...], 0.0)
    acc = jnp.dot(x_ref[...], wf1_ref[0:D, :],
                  preferred_element_type=jnp.float32)
    acc += jnp.dot(h1_ref[...], wf1_ref[D:2 * D, :],
                   preferred_element_type=jnp.float32)
    acc += jnp.dot(h2_ref[...], wf1_ref[2 * D:3 * D, :],
                   preferred_element_type=jnp.float32)
    acc += jnp.dot(h3, wf1_ref[3 * D:4 * D, :],
                   preferred_element_type=jnp.float32)
    yf = jnp.maximum(acc + bf1_ref[...], 0.0)
    o_ref[...] = jnp.dot(yf, wf2_ref[...],
                         preferred_element_type=jnp.float32) + bf2_ref[...]


_mlp_final_call = pl.pallas_call(
    _mlp_final_body,
    grid=(_GRID,),
    in_specs=[
        pl.BlockSpec(memory_space=pltpu.SMEM),
        _row_spec, _row_spec, _row_spec,
        _full_spec, _bias_spec, _full_spec, _bias_spec,
        _row_spec, _row_spec,
        pl.BlockSpec((4 * D, D), lambda i: (0, 0)),
        _bias_spec,
        _full_spec,
        _bias_spec,
    ],
    out_specs=_row_spec,
    out_shape=jax.ShapeDtypeStruct((N, D), jnp.float32),
)


def kernel(x, edge_index, eps0, W1_0, b1_0, W2_0, b2_0, eps1, W1_1, b1_1,
           W2_1, b2_1, eps2, W1_2, b1_2, W2_2, b2_2, Wf1, bf1, Wf2, bf2):
    pad = EP - E
    pad_src = (jnp.arange(pad, dtype=jnp.int32) * 13) % N
    pad_dst = N + jnp.arange(pad, dtype=jnp.int32) % (NP - N)
    src = jnp.concatenate([edge_index[0], pad_src]).reshape(NW, NCH, CH, WINE)
    dst = jnp.concatenate([edge_index[1], pad_dst]).reshape(NW, NCH, CH, WINE)
    zeros = jnp.zeros((NP, D), jnp.float32)

    params = [
        (eps0, W1_0, b1_0, W2_0, b2_0),
        (eps1, W1_1, b1_1, W2_1, b2_1),
        (eps2, W1_2, b1_2, W2_2, b2_2),
    ]

    h = x
    feats = [x]
    for eps, W1, b1, W2, b2 in params[:2]:
        p0, p1 = _sc_edge_agg(h, src, dst, zeros)
        h = _mlp_call(eps.reshape(1), h, p0, p1,
                      W1, b1.reshape(1, D), W2, b2.reshape(1, D))
        feats.append(h)

    p0, p1 = _sc_edge_agg(h, src, dst, zeros)
    return _mlp_final_call(eps2.reshape(1), h, p0, p1,
                           W1_2, b1_2.reshape(1, D), W2_2, b2_2.reshape(1, D),
                           feats[0], feats[1],
                           Wf1, bf1.reshape(1, D), Wf2, bf2.reshape(1, D))

# --- scband reference (transcript-rebuilt; emitter-appended) ---
"""Pipeline reference for scband-gin-jk-15925738734176 (READ-ONLY COPY).

The authoritative reference and input builder live on the scoring server;
editing this copy changes nothing except your own understanding.
"""

import jax, jax.numpy as jnp
import numpy as np

N = 10000
E = 320000
D = 128
H = 128
OUT = 128


def _init_linear(k, fan_in, fan_out):
    kw, kb = jax.random.split(k)
    lim = 1.0 / np.sqrt(fan_in)
    W = jax.random.uniform(kw, (fan_in, fan_out), jnp.float32, -lim, lim)
    b = jax.random.uniform(kb, (fan_out,), jnp.float32, -lim, lim)
    return W, b


def setup_inputs(seed: int = 0):
    key = jax.random.key(seed)
    ks = jax.random.split(key, 16)
    inp = {}
    inp["x"] = jax.random.normal(ks[0], (N, D), dtype=jnp.float32)
    inp["edge_index"] = jax.random.randint(ks[1], (2, E), 0, N, dtype=jnp.int32)
    dims = [D, H, H, H]
    ki = 2
    for l in range(3):
        inp["eps%d" % l] = jnp.zeros((), jnp.float32)
        W1, b1 = _init_linear(ks[ki], dims[l], dims[l + 1]); ki += 1
        W2, b2 = _init_linear(ks[ki], dims[l + 1], dims[l + 1]); ki += 1
        inp["W1_%d" % l] = W1; inp["b1_%d" % l] = b1
        inp["W2_%d" % l] = W2; inp["b2_%d" % l] = b2
    Wf1, bf1 = _init_linear(ks[ki], D + 3 * H, H); ki += 1
    Wf2, bf2 = _init_linear(ks[ki], H, OUT)
    inp["Wf1"] = Wf1; inp["bf1"] = bf1
    inp["Wf2"] = Wf2; inp["bf2"] = bf2
    return inp


def reference(x, edge_index, eps0, W1_0, b1_0, W2_0, b2_0, eps1, W1_1, b1_1, W2_1, b2_1, eps2, W1_2, b1_2, W2_2, b2_2, Wf1, bf1, Wf2, bf2):
    src = edge_index[0]
    dst = edge_index[1]
    params = [
        (eps0, W1_0, b1_0, W2_0, b2_0),
        (eps1, W1_1, b1_1, W2_1, b2_1),
        (eps2, W1_2, b1_2, W2_2, b2_2),
    ]
    h = x
    feats = [x]
    for eps, W1, b1, W2, b2 in params:
        # DGL GINConv, aggregator_type='sum': agg[v] = sum_{(u,v) in E} h[u]
        agg = jnp.zeros((N, h.shape[1]), h.dtype).at[dst].add(h[src])
        z = (1.0 + eps) * h + agg
        # MLP(num_layers=2, final_nonlinear=True, bn=False)
        z = jax.nn.relu(z @ W1 + b1)
        h = jax.nn.relu(z @ W2 + b2)
        feats.append(h)
    # jumping knowledge: concat all hop features
    hc = jnp.concatenate(feats, axis=1)
    # final MLP(num_layers=2, final_nonlinear=False)
    o = jax.nn.relu(hc @ Wf1 + bf1)
    return o @ Wf2 + bf2

if __name__ == "__main__":
    import jax
    _d = setup_inputs()
    print(jax.jit(kernel)(*tuple(_d.values())))

</pallas_src>

<mosaic_0001>
#map = affine_map<(d0, d1) -> (0, 0)>
#map1 = affine_map<(d0, d1) -> (0, 0, 0, 0)>
module attributes {stable_mosaic.version = 14 : i64} {
  func.func @_sc_edge_agg(%arg0: i32, %arg1: i32, %arg2: memref<10000x128xf32, #tpu.memory_space<hbm>>, %arg3: memref<32x4x20x128xi32, #tpu.memory_space<hbm>>, %arg4: memref<32x4x20x128xi32, #tpu.memory_space<hbm>>, %arg5: memref<10112x128xf32, #tpu.memory_space<hbm>>, %arg6: memref<10112x128xf32, #tpu.memory_space<hbm>>, %arg7: memref<10112x128xf32, #tpu.memory_space<hbm>>, %arg8: memref<2x20x128xi32, #tpu.memory_space<vmem>>, %arg9: memref<2x20x128xi32, #tpu.memory_space<vmem>>, %arg10: memref<2x128x128xf32, #tpu.memory_space<vmem>>, %arg11: memref<10112x128xf32, #tpu.memory_space<vmem_shared>>, %arg12: memref<2x!tpu.dma_semaphore, #tpu.memory_space<semaphore_mem>>, %arg13: memref<2x!tpu.dma_semaphore, #tpu.memory_space<semaphore_mem>>) attributes {dimension_semantics = [#tpu.dimension_semantics<core_parallel>, #tpu.dimension_semantics<subcore_parallel>], iteration_bounds = array<i64: 2, 16>, scalar_prefetch = 0 : i64, scratch_operands = 6 : i64, tpu.core_type = #tpu.core_type<sc_vector_subcore>, window_params = [{transform_indices = #map}, {transform_indices = #map1}, {transform_indices = #map1}, {transform_indices = #map}, {transform_indices = #map}, {transform_indices = #map}]} {
    %mul3A = arith.constant 16 : i32
    %mul3A_0 = arith.muli %arg0, %mul3A : i32
    %add3A = arith.addi %mul3A_0, %arg1 : i32
    %dma_start3A = arith.constant 0 : i32
    %dma_start3A_1 = arith.constant 0 : i32
    %dma_start3A_2 = arith.constant 0 : i32
    %dma_start3A_3 = arith.constant 0 : i32
    %dma_start3A_4 = arith.constant 0 : i32
    %dma_start3A_5 = tpu.memref_slice %arg8[%dma_start3A_1, %dma_start3A_3, %dma_start3A_4] : memref<2x20x128xi32, #tpu.memory_space<vmem>> -> memref<1x20x128xi32, #tpu.memory_space<vmem>>
    %dma_start3A_6 = tpu.memref_squeeze %dma_start3A_5 : memref<1x20x128xi32, #tpu.memory_space<vmem>> -> memref<20x128xi32, #tpu.memory_space<vmem>>
    %dma_start3A_7 = arith.constant 0 : i32
    %dma_start3A_8 = arith.constant 0 : i32
    %dma_start3A_9 = arith.constant 0 : i32
    %dma_start3A_10 = tpu.memref_slice %arg3[%add3A, %dma_start3A_7, %dma_start3A_8, %dma_start3A_9] : memref<32x4x20x128xi32, #tpu.memory_space<hbm>> -> memref<1x4x20x128xi32, #tpu.memory_space<hbm>>
    %dma_start3A_11 = tpu.memref_squeeze %dma_start3A_10 : memref<1x4x20x128xi32, #tpu.memory_space<hbm>> -> memref<4x20x128xi32, #tpu.memory_space<hbm>>
    %dma_start3A_12 = arith.constant 0 : i32
    %dma_start3A_13 = arith.constant 0 : i32
    %dma_start3A_14 = tpu.memref_slice %dma_start3A_11[%dma_start3A, %dma_start3A_12, %dma_start3A_13] : memref<4x20x128xi32, #tpu.memory_space<hbm>> -> memref<1x20x128xi32, #tpu.memory_space<hbm>>
    %dma_start3A_15 = tpu.memref_squeeze %dma_start3A_14 : memref<1x20x128xi32, #tpu.memory_space<hbm>> -> memref<20x128xi32, #tpu.memory_space<hbm>>
    %dma_start3A_16 = tpu.memref_slice %arg13[%dma_start3A_2] : memref<2x!tpu.dma_semaphore, #tpu.memory_space<semaphore_mem>> -> memref<1x!tpu.dma_semaphore, #tpu.memory_space<semaphore_mem>>
    %dma_start3A_17 = tpu.memref_squeeze %dma_start3A_16 : memref<1x!tpu.dma_semaphore, #tpu.memory_space<semaphore_mem>> -> memref<!tpu.dma_semaphore, #tpu.memory_space<semaphore_mem>>
    %dma_start3A_18 = arith.constant 0 : i32
    %dma_start3A_19 = arith.constant 0 : i32
    %dma_start3A_20 = tpu.memref_slice %arg8[%dma_start3A_1, %dma_start3A_18, %dma_start3A_19] : memref<2x20x128xi32, #tpu.memory_space<vmem>> -> memref<1x20x128xi32, #tpu.memory_space<vmem>>
    %dma_start3A_21 = tpu.memref_squeeze %dma_start3A_20 : memref<1x20x128xi32, #tpu.memory_space<vmem>> -> memref<20x128xi32, #tpu.memory_space<vmem>>
    %dma_start3A_22 = arith.constant 0 : i32
    %dma_start3A_23 = arith.constant 0 : i32
    %dma_start3A_24 = arith.constant 0 : i32
    %dma_start3A_25 = tpu.memref_slice %arg3[%add3A, %dma_start3A_22, %dma_start3A_23, %dma_start3A_24] : memref<32x4x20x128xi32, #tpu.memory_space<hbm>> -> memref<1x4x20x128xi32, #tpu.memory_space<hbm>>
    %dma_start3A_26 = tpu.memref_squeeze %dma_start3A_25 : memref<1x4x20x128xi32, #tpu.memory_space<hbm>> -> memref<4x20x128xi32, #tpu.memory_space<hbm>>
    %dma_start3A_27 = arith.constant 0 : i32
    %dma_start3A_28 = arith.constant 0 : i32
    %dma_start3A_29 = tpu.memref_slice %dma_start3A_26[%dma_start3A, %dma_start3A_27, %dma_start3A_28] : memref<4x20x128xi32, #tpu.memory_space<hbm>> -> memref<1x20x128xi32, #tpu.memory_space<hbm>>
    %dma_start3A_30 = tpu.memref_squeeze %dma_start3A_29 : memref<1x20x128xi32, #tpu.memory_space<hbm>> -> memref<20x128xi32, #tpu.memory_space<hbm>>
    tpu.enqueue_dma source(%dma_start3A_30 : memref<20x128xi32, #tpu.memory_space<hbm>>) target(%dma_start3A_21 : memref<20x128xi32, #tpu.memory_space<vmem>>) target_semaphore(%dma_start3A_17 : memref<!tpu.dma_semaphore, #tpu.memory_space<semaphore_mem>>)
    %dma_start3A_31 = arith.constant 0 : i32
    %dma_start3A_32 = arith.constant 0 : i32
    %dma_start3A_33 = arith.constant 0 : i32
    %dma_start3A_34 = arith.constant 0 : i32
    %dma_start3A_35 = arith.constant 0 : i32
    %dma_start3A_36 = tpu.memref_slice %arg9[%dma_start3A_32, %dma_start3A_34, %dma_start3A_35] : memref<2x20x128xi32, #tpu.memory_space<vmem>> -> memref<1x20x128xi32, #tpu.memory_space<vmem>>
    %dma_start3A_37 = tpu.memref_squeeze %dma_start3A_36 : memref<1x20x128xi32, #tpu.memory_space<vmem>> -> memref<20x128xi32, #tpu.memory_space<vmem>>
    %dma_start3A_38 = arith.constant 0 : i32
    %dma_start3A_39 = arith.constant 0 : i32
    %dma_start3A_40 = arith.constant 0 : i32
    %dma_start3A_41 = tpu.memref_slice %arg4[%add3A, %dma_start3A_38, %dma_start3A_39, %dma_start3A_40] : memref<32x4x20x128xi32, #tpu.memory_space<hbm>> -> memref<1x4x20x128xi32, #tpu.memory_space<hbm>>
    %dma_start3A_42 = tpu.memref_squeeze %dma_start3A_41 : memref<1x4x20x128xi32, #tpu.memory_space<hbm>> -> memref<4x20x128xi32, #tpu.memory_space<hbm>>
    %dma_start3A_43 = arith.constant 0 : i32
    %dma_start3A_44 = arith.constant 0 : i32
    %dma_start3A_45 = tpu.memref_slice %dma_start3A_42[%dma_start3A_31, %dma_start3A_43, %dma_start3A_44] : memref<4x20x128xi32, #tpu.memory_space<hbm>> -> memref<1x20x128xi32, #tpu.memory_space<hbm>>
    %dma_start3A_46 = tpu.memref_squeeze %dma_start3A_45 : memref<1x20x128xi32, #tpu.memory_space<hbm>> -> memref<20x128xi32, #tpu.memory_space<hbm>>
    %dma_start3A_47 = tpu.memref_slice %arg13[%dma_start3A_33] : memref<2x!tpu.dma_semaphore, #tpu.memory_space<semaphore_mem>> -> memref<1x!tpu.dma_semaphore, #tpu.memory_space<semaphore_mem>>
    %dma_start3A_48 = tpu.memref_squeeze %dma_start3A_47 : memref<1x!tpu.dma_semaphore, #tpu.memory_space<semaphore_mem>> -> memref<!tpu.dma_semaphore, #tpu.memory_space<semaphore_mem>>
    %dma_start3A_49 = arith.constant 0 : i32
    %dma_start3A_50 = arith.constant 0 : i32
    %dma_start3A_51 = tpu.memref_slice %arg9[%dma_start3A_32, %dma_start3A_49, %dma_start3A_50] : memref<2x20x128xi32, #tpu.memory_space<vmem>> -> memref<1x20x128xi32, #tpu.memory_space<vmem>>
    %dma_start3A_52 = tpu.memref_squeeze %dma_start3A_51 : memref<1x20x128xi32, #tpu.memory_space<vmem>> -> memref<20x128xi32, #tpu.memory_space<vmem>>
    %dma_start3A_53 = arith.constant 0 : i32
    %dma_start3A_54 = arith.constant 0 : i32
    %dma_start3A_55 = arith.constant 0 : i32
    %dma_start3A_56 = tpu.memref_slice %arg4[%add3A, %dma_start3A_53, %dma_start3A_54, %dma_start3A_55] : memref<32x4x20x128xi32, #tpu.memory_space<hbm>> -> memref<1x4x20x128xi32, #tpu.memory_space<hbm>>
    %dma_start3A_57 = tpu.memref_squeeze %dma_start3A_56 : memref<1x4x20x128xi32, #tpu.memory_space<hbm>> -> memref<4x20x128xi32, #tpu.memory_space<hbm>>
    %dma_start3A_58 = arith.constant 0 : i32
    %dma_start3A_59 = arith.constant 0 : i32
    %dma_start3A_60 = tpu.memref_slice %dma_start3A_57[%dma_start3A_31, %dma_start3A_58, %dma_start3A_59] : memref<4x20x128xi32, #tpu.memory_space<hbm>> -> memref<1x20x128xi32, #tpu.memory_space<hbm>>
    %dma_start3A_61 = tpu.memref_squeeze %dma_start3A_60 : memref<1x20x128xi32, #tpu.memory_space<hbm>> -> memref<20x128xi32, #tpu.memory_space<hbm>>
    tpu.enqueue_dma source(%dma_start3A_61 : memref<20x128xi32, #tpu.memory_space<hbm>>) target(%dma_start3A_52 : memref<20x128xi32, #tpu.memory_space<vmem>>) target_semaphore(%dma_start3A_48 : memref<!tpu.dma_semaphore, #tpu.memory_space<semaphore_mem>>)
    %dma_start3A_62 = arith.constant 1 : i32
    %dma_start3A_63 = arith.constant 1 : i32
    %dma_start3A_64 = arith.constant 1 : i32
    %dma_start3A_65 = arith.constant 0 : i32
    %dma_start3A_66 = arith.constant 0 : i32
    %dma_start3A_67 = tpu.memref_slice %arg8[%dma_start3A_63, %dma_start3A_65, %dma_start3A_66] : memref<2x20x128xi32, #tpu.memory_space<vmem>> -> memref<1x20x128xi32, #tpu.memory_space<vmem>>
    %dma_start3A_68 = tpu.memref_squeeze %dma_start3A_67 : memref<1x20x128xi32, #tpu.memory_space<vmem>> -> memref<20x128xi32, #tpu.memory_space<vmem>>
    %dma_start3A_69 = arith.constant 0 : i32
    %dma_start3A_70 = arith.constant 0 : i32
    %dma_start3A_71 = arith.constant 0 : i32
    %dma_start3A_72 = tpu.memref_slice %arg3[%add3A, %dma_start3A_69, %dma_start3A_70, %dma_start3A_71] : memref<32x4x20x128xi32, #tpu.memory_space<hbm>> -> memref<1x4x20x128xi32, #tpu.memory_space<hbm>>
    %dma_start3A_73 = tpu.memref_squeeze %dma_start3A_72 : memref<1x4x20x128xi32, #tpu.memory_space<hbm>> -> memref<4x20x128xi32, #tpu.memory_space<hbm>>
    %dma_start3A_74 = arith.constant 0 : i32
    %dma_start3A_75 = arith.constant 0 : i32
    %dma_start3A_76 = tpu.memref_slice %dma_start3A_73[%dma_start3A_62, %dma_start3A_74, %dma_start3A_75] : memref<4x20x128xi32, #tpu.memory_space<hbm>> -> memref<1x20x128xi32, #tpu.memory_space<hbm>>
    %dma_start3A_77 = tpu.memref_squeeze %dma_start3A_76 : memref<1x20x128xi32, #tpu.memory_space<hbm>> -> memref<20x128xi32, #tpu.memory_space<hbm>>
    %dma_start3A_78 = tpu.memref_slice %arg13[%dma_start3A_64] : memref<2x!tpu.dma_semaphore, #tpu.memory_space<semaphore_mem>> -> memref<1x!tpu.dma_semaphore, #tpu.memory_space<semaphore_mem>>
    %dma_start3A_79 = tpu.memref_squeeze %dma_start3A_78 : memref<1x!tpu.dma_semaphore, #tpu.memory_space<semaphore_mem>> -> memref<!tpu.dma_semaphore, #tpu.memory_space<semaphore_mem>>
    %dma_start3A_80 = arith.constant 0 : i32
    %dma_start3A_81 = arith.constant 0 : i32
    %dma_start3A_82 = tpu.memref_slice %arg8[%dma_start3A_63, %dma_start3A_80, %dma_start3A_81] : memref<2x20x128xi32, #tpu.memory_space<vmem>> -> memref<1x20x128xi32, #tpu.memory_space<vmem>>
    %dma_start3A_83 = tpu.memref_squeeze %dma_start3A_82 : memref<1x20x128xi32, #tpu.memory_space<vmem>> -> memref<20x128xi32, #tpu.memory_space<vmem>>
    %dma_start3A_84 = arith.constant 0 : i32
    %dma_start3A_85 = arith.constant 0 : i32
    %dma_start3A_86 = arith.constant 0 : i32
    %dma_start3A_87 = tpu.memref_slice %arg3[%add3A, %dma_start3A_84, %dma_start3A_85, %dma_start3A_86] : memref<32x4x20x128xi32, #tpu.memory_space<hbm>> -> memref<1x4x20x128xi32, #tpu.memory_space<hbm>>
    %dma_start3A_88 = tpu.memref_squeeze %dma_start3A_87 : memref<1x4x20x128xi32, #tpu.memory_space<hbm>> -> memref<4x20x128xi32, #tpu.memory_space<hbm>>
    %dma_start3A_89 = arith.constant 0 : i32
    %dma_start3A_90 = arith.constant 0 : i32
    %dma_start3A_91 = tpu.memref_slice %dma_start3A_88[%dma_start3A_62, %dma_start3A_89, %dma_start3A_90] : memref<4x20x128xi32, #tpu.memory_space<hbm>> -> memref<1x20x128xi32, #tpu.memory_space<hbm>>
    %dma_start3A_92 = tpu.memref_squeeze %dma_start3A_91 : memref<1x20x128xi32, #tpu.memory_space<hbm>> -> memref<20x128xi32, #tpu.memory_space<hbm>>
    tpu.enqueue_dma source(%dma_start3A_92 : memref<20x128xi32, #tpu.memory_space<hbm>>) target(%dma_start3A_83 : memref<20x128xi32, #tpu.memory_space<vmem>>) target_semaphore(%dma_start3A_79 : memref<!tpu.dma_semaphore, #tpu.memory_space<semaphore_mem>>)
    %dma_start3A_93 = arith.constant 1 : i32
    %dma_start3A_94 = arith.constant 1 : i32
    %dma_start3A_95 = arith.constant 1 : i32
    %dma_start3A_96 = arith.constant 0 : i32
    %dma_start3A_97 = arith.constant 0 : i32
    %dma_start3A_98 = tpu.memref_slice %arg9[%dma_start3A_94, %dma_start3A_96, %dma_start3A_97] : memref<2x20x128xi32, #tpu.memory_space<vmem>> -> memref<1x20x128xi32, #tpu.memory_space<vmem>>
    %dma_start3A_99 = tpu.memref_squeeze %dma_start3A_98 : memref<1x20x128xi32, #tpu.memory_space<vmem>> -> memref<20x128xi32, #tpu.memory_space<vmem>>
    %dma_start3A_100 = arith.constant 0 : i32
    %dma_start3A_101 = arith.constant 0 : i32
    %dma_start3A_102 = arith.constant 0 : i32
    %dma_start3A_103 = tpu.memref_slice %arg4[%add3A, %dma_start3A_100, %dma_start3A_101, %dma_start3A_102] : memref<32x4x20x128xi32, #tpu.memory_space<hbm>> -> memref<1x4x20x128xi32, #tpu.memory_space<hbm>>
    %dma_start3A_104 = tpu.memref_squeeze %dma_start3A_103 : memref<1x4x20x128xi32, #tpu.memory_space<hbm>> -> memref<4x20x128xi32, #tpu.memory_space<hbm>>
    %dma_start3A_105 = arith.constant 0 : i32
    %dma_start3A_106 = arith.constant 0 : i32
    %dma_start3A_107 = tpu.memref_slice %dma_start3A_104[%dma_start3A_93, %dma_start3A_105, %dma_start3A_106] : memref<4x20x128xi32, #tpu.memory_space<hbm>> -> memref<1x20x128xi32, #tpu.memory_space<hbm>>
    %dma_start3A_108 = tpu.memref_squeeze %dma_start3A_107 : memref<1x20x128xi32, #tpu.memory_space<hbm>> -> memref<20x128xi32, #tpu.memory_space<hbm>>
    %dma_start3A_109 = tpu.memref_slice %arg13[%dma_start3A_95] : memref<2x!tpu.dma_semaphore, #tpu.memory_space<semaphore_mem>> -> memref<1x!tpu.dma_semaphore, #tpu.memory_space<semaphore_mem>>
    %dma_start3A_110 = tpu.memref_squeeze %dma_start3A_109 : memref<1x!tpu.dma_semaphore, #tpu.memory_space<semaphore_mem>> -> memref<!tpu.dma_semaphore, #tpu.memory_space<semaphore_mem>>
    %dma_start3A_111 = arith.constant 0 : i32
    %dma_start3A_112 = arith.constant 0 : i32
    %dma_start3A_113 = tpu.memref_slice %arg9[%dma_start3A_94, %dma_start3A_111, %dma_start3A_112] : memref<2x20x128xi32, #tpu.memory_space<vmem>> -> memref<1x20x128xi32, #tpu.memory_space<vmem>>
    %dma_start3A_114 = tpu.memref_squeeze %dma_start3A_113 : memref<1x20x128xi32, #tpu.memory_space<vmem>> -> memref<20x128xi32, #tpu.memory_space<vmem>>
    %dma_start3A_115 = arith.constant 0 : i32
    %dma_start3A_116 = arith.constant 0 : i32
    %dma_start3A_117 = arith.constant 0 : i32
    %dma_start3A_118 = tpu.memref_slice %arg4[%add3A, %dma_start3A_115, %dma_start3A_116, %dma_start3A_117] : memref<32x4x20x128xi32, #tpu.memory_space<hbm>> -> memref<1x4x20x128xi32, #tpu.memory_space<hbm>>
    %dma_start3A_119 = tpu.memref_squeeze %dma_start3A_118 : memref<1x4x20x128xi32, #tpu.memory_space<hbm>> -> memref<4x20x128xi32, #tpu.memory_space<hbm>>
    %dma_start3A_120 = arith.constant 0 : i32
    %dma_start3A_121 = arith.constant 0 : i32
    %dma_start3A_122 = tpu.memref_slice %dma_start3A_119[%dma_start3A_93, %dma_start3A_120, %dma_start3A_121] : memref<4x20x128xi32, #tpu.memory_space<hbm>> -> memref<1x20x128xi32, #tpu.memory_space<hbm>>
    %dma_start3A_123 = tpu.memref_squeeze %dma_start3A_122 : memref<1x20x128xi32, #tpu.memory_space<hbm>> -> memref<20x128xi32, #tpu.memory_space<hbm>>
    tpu.enqueue_dma source(%dma_start3A_123 : memref<20x128xi32, #tpu.memory_space<hbm>>) target(%dma_start3A_114 : memref<20x128xi32, #tpu.memory_space<vmem>>) target_semaphore(%dma_start3A_110 : memref<!tpu.dma_semaphore, #tpu.memory_space<semaphore_mem>>)
    %dma_wait3A = arith.constant 0 : i32
    %dma_wait3A_124 = arith.constant 0 : i32
    %dma_wait3A_125 = arith.constant 0 : i32
    %dma_wait3A_126 = arith.constant 0 : i32
    %dma_wait3A_127 = arith.constant 0 : i32
    %dma_wait3A_128 = tpu.memref_slice %arg8[%dma_wait3A_124, %dma_wait3A_126, %dma_wait3A_127] : memref<2x20x128xi32, #tpu.memory_space<vmem>> -> memref<1x20x128xi32, #tpu.memory_space<vmem>>
    %dma_wait3A_129 = tpu.memref_squeeze %dma_wait3A_128 : memref<1x20x128xi32, #tpu.memory_space<vmem>> -> memref<20x128xi32, #tpu.memory_space<vmem>>
    %dma_wait3A_130 = arith.constant 0 : i32
    %dma_wait3A_131 = arith.constant 0 : i32
    %dma_wait3A_132 = arith.constant 0 : i32
    %dma_wait3A_133 = tpu.memref_slice %arg3[%add3A, %dma_wait3A_130, %dma_wait3A_131, %dma_wait3A_132] : memref<32x4x20x128xi32, #tpu.memory_space<hbm>> -> memref<1x4x20x128xi32, #tpu.memory_space<hbm>>
    %dma_wait3A_134 = tpu.memref_squeeze %dma_wait3A_133 : memref<1x4x20x128xi32, #tpu.memory_space<hbm>> -> memref<4x20x128xi32, #tpu.memory_space<hbm>>
    %dma_wait3A_135 = arith.constant 0 : i32
    %dma_wait3A_136 = arith.constant 0 : i32
    %dma_wait3A_137 = tpu.memref_slice %dma_wait3A_134[%dma_wait3A, %dma_wait3A_135, %dma_wait3A_136] : memref<4x20x128xi32, #tpu.memory_space<hbm>> -> memref<1x20x128xi32, #tpu.memory_space<hbm>>
    %dma_wait3A_138 = tpu.memref_squeeze %dma_wait3A_137 : memref<1x20x128xi32, #tpu.memory_space<hbm>> -> memref<20x128xi32, #tpu.memory_space<hbm>>
    %dma_wait3A_139 = tpu.memref_slice %arg13[%dma_wait3A_125] : memref<2x!tpu.dma_semaphore, #tpu.memory_space<semaphore_mem>> -> memref<1x!tpu.dma_semaphore, #tpu.memory_space<semaphore_mem>>
    %dma_wait3A_140 = tpu.memref_squeeze %dma_wait3A_139 : memref<1x!tpu.dma_semaphore, #tpu.memory_space<semaphore_mem>> -> memref<!tpu.dma_semaphore, #tpu.memory_space<semaphore_mem>>
    %dma_wait3A_141 = arith.constant 0 : i32
    %dma_wait3A_142 = arith.constant 0 : i32
    %dma_wait3A_143 = tpu.memref_slice %arg8[%dma_wait3A_124, %dma_wait3A_141, %dma_wait3A_142] : memref<2x20x128xi32, #tpu.memory_space<vmem>> -> memref<1x20x128xi32, #tpu.memory_space<vmem>>
    %dma_wait3A_144 = tpu.memref_squeeze %dma_wait3A_143 : memref<1x20x128xi32, #tpu.memory_space<vmem>> -> memref<20x128xi32, #tpu.memory_space<vmem>>
    %dma_wait3A_145 = arith.constant 0 : i32
    %dma_wait3A_146 = arith.constant 0 : i32
    %dma_wait3A_147 = arith.constant 0 : i32
    %dma_wait3A_148 = tpu.memref_slice %arg3[%add3A, %dma_wait3A_145, %dma_wait3A_146, %dma_wait3A_147] : memref<32x4x20x128xi32, #tpu.memory_space<hbm>> -> memref<1x4x20x128xi32, #tpu.memory_space<hbm>>
    %dma_wait3A_149 = tpu.memref_squeeze %dma_wait3A_148 : memref<1x4x20x128xi32, #tpu.memory_space<hbm>> -> memref<4x20x128xi32, #tpu.memory_space<hbm>>
    %dma_wait3A_150 = arith.constant 0 : i32
    %dma_wait3A_151 = arith.constant 0 : i32
    %dma_wait3A_152 = tpu.memref_slice %dma_wait3A_149[%dma_wait3A, %dma_wait3A_150, %dma_wait3A_151] : memref<4x20x128xi32, #tpu.memory_space<hbm>> -> memref<1x20x128xi32, #tpu.memory_space<hbm>>
    %dma_wait3A_153 = tpu.memref_squeeze %dma_wait3A_152 : memref<1x20x128xi32, #tpu.memory_space<hbm>> -> memref<20x128xi32, #tpu.memory_space<hbm>>
    tpu.wait_dma2 semaphore(%dma_wait3A_140 : memref<!tpu.dma_semaphore, #tpu.memory_space<semaphore_mem>>) src(%dma_wait3A_153 : memref<20x128xi32, #tpu.memory_space<hbm>>) dst(%dma_wait3A_144 : memref<20x128xi32, #tpu.memory_space<vmem>>)
    %dma_wait3A_154 = arith.constant 0 : i32
    %dma_wait3A_155 = arith.constant 0 : i32
    %dma_wait3A_156 = arith.constant 0 : i32
    %dma_wait3A_157 = arith.constant 0 : i32
    %dma_wait3A_158 = arith.constant 0 : i32
    %dma_wait3A_159 = tpu.memref_slice %arg9[%dma_wait3A_155, %dma_wait3A_157, %dma_wait3A_158] : memref<2x20x128xi32, #tpu.memory_space<vmem>> -> memref<1x20x128xi32, #tpu.memory_space<vmem>>
    %dma_wait3A_160 = tpu.memref_squeeze %dma_wait3A_159 : memref<1x20x128xi32, #tpu.memory_space<vmem>> -> memref<20x128xi32, #tpu.memory_space<vmem>>
    %dma_wait3A_161 = arith.constant 0 : i32
    %dma_wait3A_162 = arith.constant 0 : i32
    %dma_wait3A_163 = arith.constant 0 : i32
    %dma_wait3A_164 = tpu.memref_slice %arg4[%add3A, %dma_wait3A_161, %dma_wait3A_162, %dma_wait3A_163] : memref<32x4x20x128xi32, #tpu.memory_space<hbm>> -> memref<1x4x20x128xi32, #tpu.memory_space<hbm>>
    %dma_wait3A_165 = tpu.memref_squeeze %dma_wait3A_164 : memref<1x4x20x128xi32, #tpu.memory_space<hbm>> -> memref<4x20x128xi32, #tpu.memory_space<hbm>>
    %dma_wait3A_166 = arith.constant 0 : i32
    %dma_wait3A_167 = arith.constant 0 : i32
    %dma_wait3A_168 = tpu.memref_slice %dma_wait3A_165[%dma_wait3A_154, %dma_wait3A_166, %dma_wait3A_167] : memref<4x20x128xi32, #tpu.memory_space<hbm>> -> memref<1x20x128xi32, #tpu.memory_space<hbm>>
    %dma_wait3A_169 = tpu.memref_squeeze %dma_wait3A_168 : memref<1x20x128xi32, #tpu.memory_space<hbm>> -> memref<20x128xi32, #tpu.memory_space<hbm>>
    %dma_wait3A_170 = tpu.memref_slice %arg13[%dma_wait3A_156] : memref<2x!tpu.dma_semaphore, #tpu.memory_space<semaphore_mem>> -> memref<1x!tpu.dma_semaphore, #tpu.memory_space<semaphore_mem>>
    %dma_wait3A_171 = tpu.memref_squeeze %dma_wait3A_170 : memref<1x!tpu.dma_semaphore, #tpu.memory_space<semaphore_mem>> -> memref<!tpu.dma_semaphore, #tpu.memory_space<semaphore_mem>>
    %dma_wait3A_172 = arith.constant 0 : i32
    %dma_wait3A_173 = arith.constant 0 : i32
    %dma_wait3A_174 = tpu.memref_slice %arg9[%dma_wait3A_155, %dma_wait3A_172, %dma_wait3A_173] : memref<2x20x128xi32, #tpu.memory_space<vmem>> -> memref<1x20x128xi32, #tpu.memory_space<vmem>>
    %dma_wait3A_175 = tpu.memref_squeeze %dma_wait3A_174 : memref<1x20x128xi32, #tpu.memory_space<vmem>> -> memref<20x128xi32, #tpu.memory_space<vmem>>
    %dma_wait3A_176 = arith.constant 0 : i32
    %dma_wait3A_177 = arith.constant 0 : i32
    %dma_wait3A_178 = arith.constant 0 : i32
    %dma_wait3A_179 = tpu.memref_slice %arg4[%add3A, %dma_wait3A_176, %dma_wait3A_177, %dma_wait3A_178] : memref<32x4x20x128xi32, #tpu.memory_space<hbm>> -> memref<1x4x20x128xi32, #tpu.memory_space<hbm>>
    %dma_wait3A_180 = tpu.memref_squeeze %dma_wait3A_179 : memref<1x4x20x128xi32, #tpu.memory_space<hbm>> -> memref<4x20x128xi32, #tpu.memory_space<hbm>>
    %dma_wait3A_181 = arith.constant 0 : i32
    %dma_wait3A_182 = arith.constant 0 : i32
    %dma_wait3A_183 = tpu.memref_slice %dma_wait3A_180[%dma_wait3A_154, %dma_wait3A_181, %dma_wait3A_182] : memref<4x20x128xi32, #tpu.memory_space<hbm>> -> memref<1x20x128xi32, #tpu.memory_space<hbm>>
    %dma_wait3A_184 = tpu.memref_squeeze %dma_wait3A_183 : memref<1x20x128xi32, #tpu.memory_space<hbm>> -> memref<20x128xi32, #tpu.memory_space<hbm>>
    tpu.wait_dma2 semaphore(%dma_wait3A_171 : memref<!tpu.dma_semaphore, #tpu.memory_space<semaphore_mem>>) src(%dma_wait3A_184 : memref<20x128xi32, #tpu.memory_space<hbm>>) dst(%dma_wait3A_175 : memref<20x128xi32, #tpu.memory_space<vmem>>)
    %dma_start3A_185 = arith.constant 0 : i32
    %dma_start3A_186 = arith.constant 0 : i32
    %dma_start3A_187 = arith.constant 0 : i32
    %dma_start3A_188 = arith.constant 0 : i32
    %dma_start3A_189 = arith.constant 0 : i32
    %dma_start3A_190 = arith.constant 0 : i32
    %dma_start3A_191 = tpu.memref_slice %arg10[%dma_start3A_187, %dma_start3A_189, %dma_start3A_190] : memref<2x128x128xf32, #tpu.memory_space<vmem>> -> memref<1x128x128xf32, #tpu.memory_space<vmem>>
    %dma_start3A_192 = tpu.memref_squeeze %dma_start3A_191 : memref<1x128x128xf32, #tpu.memory_space<vmem>> -> memref<128x128xf32, #tpu.memory_space<vmem>>
    %dma_start3A_193 = arith.constant 0 : i32
    %dma_start3A_194 = arith.constant 0 : i32
    %dma_start3A_195 = tpu.memref_slice %arg8[%dma_start3A_185, %dma_start3A_193, %dma_start3A_194] : memref<2x20x128xi32, #tpu.memory_space<vmem>> -> memref<1x20x128xi32, #tpu.memory_space<vmem>>
    %dma_start3A_196 = tpu.memref_squeeze %dma_start3A_195 : memref<1x20x128xi32, #tpu.memory_space<vmem>> -> memref<20x128xi32, #tpu.memory_space<vmem>>
    %dma_start3A_197 = arith.constant 0 : i32
    %dma_start3A_198 = tpu.memref_slice %dma_start3A_196[%dma_start3A_186, %dma_start3A_197] : memref<20x128xi32, #tpu.memory_space<vmem>> -> memref<1x128xi32, #tpu.memory_space<vmem>>
    %dma_start3A_199 = tpu.memref_squeeze %dma_start3A_198 : memref<1x128xi32, #tpu.memory_space<vmem>> -> memref<128xi32, #tpu.memory_space<vmem>>
    %dma_start3A_200 = arith.constant 0 : i32
    %dma_start3A_201 = arith.constant 0 : i32
    %dma_start3A_202 = tpu.memref_slice %arg2[%dma_start3A_200, %dma_start3A_201] : memref<10000x128xf32, #tpu.memory_space<hbm>> -> memref<10000x128xf32, #tpu.memory_space<hbm>>
    %dma_start3A_203 = tpu.memref_slice %arg12[%dma_start3A_188] : memref<2x!tpu.dma_semaphore, #tpu.memory_space<semaphore_mem>> -> memref<1x!tpu.dma_semaphore, #tpu.memory_space<semaphore_mem>>
    %dma_start3A_204 = tpu.memref_squeeze %dma_start3A_203 : memref<1x!tpu.dma_semaphore, #tpu.memory_space<semaphore_mem>> -> memref<!tpu.dma_semaphore, #tpu.memory_space<semaphore_mem>>
    tpu.enqueue_indirect_dma source(%dma_start3A_202 : memref<10000x128xf32, #tpu.memory_space<hbm>>) target(%dma_start3A_192 : memref<128x128xf32, #tpu.memory_space<vmem>>) offsets(%dma_start3A_199 : memref<128xi32, #tpu.memory_space<vmem>>) semaphore(%dma_start3A_204 : memref<!tpu.dma_semaphore, #tpu.memory_space<semaphore_mem>>)
    %dma_start3A_205 = arith.constant 0 : i32
    %dma_start3A_206 = arith.constant 1 : i32
    %dma_start3A_207 = arith.constant 1 : i32
    %dma_start3A_208 = arith.constant 1 : i32
    %dma_start3A_209 = arith.constant 0 : i32
    %dma_start3A_210 = arith.constant 0 : i32
    %dma_start3A_211 = tpu.memref_slice %arg10[%dma_start3A_207, %dma_start3A_209, %dma_start3A_210] : memref<2x128x128xf32, #tpu.memory_space<vmem>> -> memref<1x128x128xf32, #tpu.memory_space<vmem>>
    %dma_start3A_212 = tpu.memref_squeeze %dma_start3A_211 : memref<1x128x128xf32, #tpu.memory_space<vmem>> -> memref<128x128xf32, #tpu.memory_space<vmem>>
    %dma_start3A_213 = arith.constant 0 : i32
    %dma_start3A_214 = arith.constant 0 : i32
    %dma_start3A_215 = tpu.memref_slice %arg8[%dma_start3A_205, %dma_start3A_213, %dma_start3A_214] : memref<2x20x128xi32, #tpu.memory_space<vmem>> -> memref<1x20x128xi32, #tpu.memory_space<vmem>>
    %dma_start3A_216 = tpu.memref_squeeze %dma_start3A_215 : memref<1x20x128xi32, #tpu.memory_space<vmem>> -> memref<20x128xi32, #tpu.memory_space<vmem>>
    %dma_start3A_217 = arith.constant 0 : i32
    %dma_start3A_218 = tpu.memref_slice %dma_start3A_216[%dma_start3A_206, %dma_start3A_217] : memref<20x128xi32, #tpu.memory_space<vmem>> -> memref<1x128xi32, #tpu.memory_space<vmem>>
    %dma_start3A_219 = tpu.memref_squeeze %dma_start3A_218 : memref<1x128xi32, #tpu.memory_space<vmem>> -> memref<128xi32, #tpu.memory_space<vmem>>
    %dma_start3A_220 = arith.constant 0 : i32
    %dma_start3A_221 = arith.constant 0 : i32
    %dma_start3A_222 = tpu.memref_slice %arg2[%dma_start3A_220, %dma_start3A_221] : memref<10000x128xf32, #tpu.memory_space<hbm>> -> memref<10000x128xf32, #tpu.memory_space<hbm>>
    %dma_start3A_223 = tpu.memref_slice %arg12[%dma_start3A_208] : memref<2x!tpu.dma_semaphore, #tpu.memory_space<semaphore_mem>> -> memref<1x!tpu.dma_semaphore, #tpu.memory_space<semaphore_mem>>
    %dma_start3A_224 = tpu.memref_squeeze %dma_start3A_223 : memref<1x!tpu.dma_semaphore, #tpu.memory_space<semaphore_mem>> -> memref<!tpu.dma_semaphore, #tpu.memory_space<semaphore_mem>>
    tpu.enqueue_indirect_dma source(%dma_start3A_222 : memref<10000x128xf32, #tpu.memory_space<hbm>>) target(%dma_start3A_212 : memref<128x128xf32, #tpu.memory_space<vmem>>) offsets(%dma_start3A_219 : memref<128xi32, #tpu.memory_space<vmem>>) semaphore(%dma_start3A_224 : memref<!tpu.dma_semaphore, #tpu.memory_space<semaphore_mem>>)
    %mul3A_225 = arith.constant 632 : i32
    %mul3A_226 = arith.muli %arg1, %mul3A_225 : i32
    %mul3A_227 = arith.constant 632 : i32
    %mul3A_228 = arith.muli %arg1, %mul3A_227 : i32
    "tpu.region"() ({
      %run_scoped3A = tpu.sem_alloc : memref<!tpu.dma_semaphore, #tpu.memory_space<semaphore_mem>>
      %dma_start3A_242 = arith.constant 0 : i32
      %dma_start3A_243 = tpu.memref_slice %arg11[%mul3A_228, %dma_start3A_242] : memref<10112x128xf32, #tpu.memory_space<vmem_shared>> -> memref<632x128xf32, #tpu.memory_space<vmem_shared>>
      %dma_start3A_244 = arith.constant 0 : i32
      %dma_start3A_245 = tpu.memref_slice %arg5[%mul3A_226, %dma_start3A_244] : memref<10112x128xf32, #tpu.memory_space<hbm>> -> memref<632x128xf32, #tpu.memory_space<hbm>>
      tpu.enqueue_dma source(%dma_start3A_245 : memref<632x128xf32, #tpu.memory_space<hbm>>) target(%dma_start3A_243 : memref<632x128xf32, #tpu.memory_space<vmem_shared>>) target_semaphore(%run_scoped3A : memref<!tpu.dma_semaphore, #tpu.memory_space<semaphore_mem>>)
      %dma_wait3A_246 = arith.constant 0 : i32
      %dma_wait3A_247 = tpu.memref_slice %arg11[%mul3A_228, %dma_wait3A_246] : memref<10112x128xf32, #tpu.memory_space<vmem_shared>> -> memref<632x128xf32, #tpu.memory_space<vmem_shared>>
      %dma_wait3A_248 = arith.constant 0 : i32
      %dma_wait3A_249 = tpu.memref_slice %arg5[%mul3A_226, %dma_wait3A_248] : memref<10112x128xf32, #tpu.memory_space<hbm>> -> memref<632x128xf32, #tpu.memory_space<hbm>>
      tpu.wait_dma2 semaphore(%run_scoped3A : memref<!tpu.dma_semaphore, #tpu.memory_space<semaphore_mem>>) src(%dma_wait3A_249 : memref<632x128xf32, #tpu.memory_space<hbm>>) dst(%dma_wait3A_247 : memref<632x128xf32, #tpu.memory_space<vmem_shared>>)
      tpu.yield
    }) : () -> ()
    %barrier3A = arith.constant 0 : index
    tpu.barrier barrier_id(%barrier3A)
    %scan3A = arith.constant 0 : i32
    %scan3A_229 = arith.constant 0 : i32
    %scan3A_230 = arith.constant 80 : i32
    %scan3A_231 = arith.addi %scan3A_229, %scan3A_230 : i32
    %scan3A_232 = arith.constant 1 : i32
    scf.for %scan3A_242 = %scan3A_229 to %scan3A_231 step %scan3A_232  : i32 {
      %rem3A = arith.constant 2 : i32
      %rem3A_243 = arith.remsi %scan3A_242, %rem3A : i32
      %div3A = arith.constant 20 : i32
      %div3A_244 = arith.divsi %scan3A_242, %div3A : i32
      %rem3A_245 = arith.constant 2 : i32
      %rem3A_246 = arith.remsi %div3A_244, %rem3A_245 : i32
      %rem3A_247 = arith.constant 20 : i32
      %rem3A_248 = arith.remsi %scan3A_242, %rem3A_247 : i32
      %dma_wait3A_249 = arith.constant 0 : i32
      %dma_wait3A_250 = arith.constant 0 : i32
      %dma_wait3A_251 = tpu.memref_slice %arg10[%rem3A_243, %dma_wait3A_249, %dma_wait3A_250] : memref<2x128x128xf32, #tpu.memory_space<vmem>> -> memref<1x128x128xf32, #tpu.memory_space<vmem>>
      %dma_wait3A_252 = tpu.memref_squeeze %dma_wait3A_251 : memref<1x128x128xf32, #tpu.memory_space<vmem>> -> memref<128x128xf32, #tpu.memory_space<vmem>>
      %dma_wait3A_253 = arith.constant 0 : i32
      %dma_wait3A_254 = arith.constant 0 : i32
      %dma_wait3A_255 = tpu.memref_slice %arg8[%rem3A_246, %dma_wait3A_253, %dma_wait3A_254] : memref<2x20x128xi32, #tpu.memory_space<vmem>> -> memref<1x20x128xi32, #tpu.memory_space<vmem>>
      %dma_wait3A_256 = tpu.memref_squeeze %dma_wait3A_255 : memref<1x20x128xi32, #tpu.memory_space<vmem>> -> memref<20x128xi32, #tpu.memory_space<vmem>>
      %dma_wait3A_257 = arith.constant 0 : i32
      %dma_wait3A_258 = tpu.memref_slice %dma_wait3A_256[%rem3A_248, %dma_wait3A_257] : memref<20x128xi32, #tpu.memory_space<vmem>> -> memref<1x128xi32, #tpu.memory_space<vmem>>
      %dma_wait3A_259 = tpu.memref_squeeze %dma_wait3A_258 : memref<1x128xi32, #tpu.memory_space<vmem>> -> memref<128xi32, #tpu.memory_space<vmem>>
      %dma_wait3A_260 = arith.constant 0 : i32
      %dma_wait3A_261 = arith.constant 0 : i32
      %dma_wait3A_262 = tpu.memref_slice %arg2[%dma_wait3A_260, %dma_wait3A_261] : memref<10000x128xf32, #tpu.memory_space<hbm>> -> memref<10000x128xf32, #tpu.memory_space<hbm>>
      %dma_wait3A_263 = tpu.memref_slice %arg12[%rem3A_243] : memref<2x!tpu.dma_semaphore, #tpu.memory_space<semaphore_mem>> -> memref<1x!tpu.dma_semaphore, #tpu.memory_space<semaphore_mem>>
      %dma_wait3A_264 = tpu.memref_squeeze %dma_wait3A_263 : memref<1x!tpu.dma_semaphore, #tpu.memory_space<semaphore_mem>> -> memref<!tpu.dma_semaphore, #tpu.memory_space<semaphore_mem>>
      tpu.wait_indirect_dma semaphore(%dma_wait3A_264 : memref<!tpu.dma_semaphore, #tpu.memory_space<semaphore_mem>>) src(%dma_wait3A_262 : memref<10000x128xf32, #tpu.memory_space<hbm>>) dst(%dma_wait3A_252 : memref<128x128xf32, #tpu.memory_space<vmem>>)
      %add3A_265 = arith.constant 2 : i32
      %add3A_266 = arith.addi %scan3A_242, %add3A_265 : i32
      %lt3A = arith.constant 80 : i32
      %lt3A_267 = arith.cmpi slt, %add3A_266, %lt3A : i32
      %convert_element_type3A_268 = arith.extui %lt3A_267 : i1 to i32
      %cond3A_269 = arith.constant 0 : i32
      %cond3A_270 = arith.cmpi ne, %convert_element_type3A_268, %cond3A_269 : i32
      scf.if %cond3A_270 {
        %add3A_282 = arith.constant 2 : i32
        %add3A_283 = arith.addi %scan3A_242, %add3A_282 : i32
        %div3A_284 = arith.constant 20 : i32
        %div3A_285 = arith.divsi %add3A_283, %div3A_284 : i32
        %rem3A_286 = arith.constant 2 : i32
        %rem3A_287 = arith.remsi %div3A_285, %rem3A_286 : i32
        %rem3A_288 = arith.constant 20 : i32
        %rem3A_289 = arith.remsi %add3A_283, %rem3A_288 : i32
        %eq3A_290 = arith.constant 0 : i32
        %eq3A_291 = arith.cmpi eq, %rem3A_289, %eq3A_290 : i32
        %convert_element_type3A_292 = arith.extui %eq3A_291 : i1 to i32
        %cond3A_293 = arith.constant 0 : i32
        %cond3A_294 = arith.cmpi ne, %convert_element_type3A_292, %cond3A_293 : i32
        scf.if %cond3A_294 {
          %div3A_313 = arith.constant 20 : i32
          %div3A_314 = arith.divsi %add3A_283, %div3A_313 : i32
          %dma_wait3A_315 = arith.constant 0 : i32
          %dma_wait3A_316 = arith.constant 0 : i32
          %dma_wait3A_317 = tpu.memref_slice %arg8[%rem3A_287, %dma_wait3A_315, %dma_wait3A_316] : memref<2x20x128xi32, #tpu.memory_space<vmem>> -> memref<1x20x128xi32, #tpu.memory_space<vmem>>
          %dma_wait3A_318 = tpu.memref_squeeze %dma_wait3A_317 : memref<1x20x128xi32, #tpu.memory_space<vmem>> -> memref<20x128xi32, #tpu.memory_space<vmem>>
          %dma_wait3A_319 = arith.constant 0 : i32
          %dma_wait3A_320 = arith.constant 0 : i32
          %dma_wait3A_321 = arith.constant 0 : i32
          %dma_wait3A_322 = tpu.memref_slice %arg3[%add3A, %dma_wait3A_319, %dma_wait3A_320, %dma_wait3A_321] : memref<32x4x20x128xi32, #tpu.memory_space<hbm>> -> memref<1x4x20x128xi32, #tpu.memory_space<hbm>>
          %dma_wait3A_323 = tpu.memref_squeeze %dma_wait3A_322 : memref<1x4x20x128xi32, #tpu.memory_space<hbm>> -> memref<4x20x128xi32, #tpu.memory_space<hbm>>
          %dma_wait3A_324 = arith.constant 0 : i32
          %dma_wait3A_325 = arith.constant 0 : i32
          %dma_wait3A_326 = tpu.memref_slice %dma_wait3A_323[%div3A_314, %dma_wait3A_324, %dma_wait3A_325] : memref<4x20x128xi32, #tpu.memory_space<hbm>> -> memref<1x20x128xi32, #tpu.memory_space<hbm>>
          %dma_wait3A_327 = tpu.memref_squeeze %dma_wait3A_326 : memref<1x20x128xi32, #tpu.memory_space<hbm>> -> memref<20x128xi32, #tpu.memory_space<hbm>>
          %dma_wait3A_328 = tpu.memref_slice %arg13[%rem3A_287] : memref<2x!tpu.dma_semaphore, #tpu.memory_space<semaphore_mem>> -> memref<1x!tpu.dma_semaphore, #tpu.memory_space<semaphore_mem>>
          %dma_wait3A_329 = tpu.memref_squeeze %dma_wait3A_328 : memref<1x!tpu.dma_semaphore, #tpu.memory_space<semaphore_mem>> -> memref<!tpu.dma_semaphore, #tpu.memory_space<semaphore_mem>>
          %dma_wait3A_330 = arith.constant 0 : i32
          %dma_wait3A_331 = arith.constant 0 : i32
          %dma_wait3A_332 = tpu.memref_slice %arg8[%rem3A_287, %dma_wait3A_330, %dma_wait3A_331] : memref<2x20x128xi32, #tpu.memory_space<vmem>> -> memref<1x20x128xi32, #tpu.memory_space<vmem>>
          %dma_wait3A_333 = tpu.memref_squeeze %dma_wait3A_332 : memref<1x20x128xi32, #tpu.memory_space<vmem>> -> memref<20x128xi32, #tpu.memory_space<vmem>>
          %dma_wait3A_334 = arith.constant 0 : i32
          %dma_wait3A_335 = arith.constant 0 : i32
          %dma_wait3A_336 = arith.constant 0 : i32
          %dma_wait3A_337 = tpu.memref_slice %arg3[%add3A, %dma_wait3A_334, %dma_wait3A_335, %dma_wait3A_336] : memref<32x4x20x128xi32, #tpu.memory_space<hbm>> -> memref<1x4x20x128xi32, #tpu.memory_space<hbm>>
          %dma_wait3A_338 = tpu.memref_squeeze %dma_wait3A_337 : memref<1x4x20x128xi32, #tpu.memory_space<hbm>> -> memref<4x20x128xi32, #tpu.memory_space<hbm>>
          %dma_wait3A_339 = arith.constant 0 : i32
          %dma_wait3A_340 = arith.constant 0 : i32
          %dma_wait3A_341 = tpu.memref_slice %dma_wait3A_338[%div3A_314, %dma_wait3A_339, %dma_wait3A_340] : memref<4x20x128xi32, #tpu.memory_space<hbm>> -> memref<1x20x128xi32, #tpu.memory_space<hbm>>
          %dma_wait3A_342 = tpu.memref_squeeze %dma_wait3A_341 : memref<1x20x128xi32, #tpu.memory_space<hbm>> -> memref<20x128xi32, #tpu.memory_space<hbm>>
          tpu.wait_dma2 semaphore(%dma_wait3A_329 : memref<!tpu.dma_semaphore, #tpu.memory_space<semaphore_mem>>) src(%dma_wait3A_342 : memref<20x128xi32, #tpu.memory_space<hbm>>) dst(%dma_wait3A_333 : memref<20x128xi32, #tpu.memory_space<vmem>>)
          %dma_wait3A_343 = arith.constant 0 : i32
          %dma_wait3A_344 = arith.constant 0 : i32
          %dma_wait3A_345 = tpu.memref_slice %arg9[%rem3A_287, %dma_wait3A_343, %dma_wait3A_344] : memref<2x20x128xi32, #tpu.memory_space<vmem>> -> memref<1x20x128xi32, #tpu.memory_space<vmem>>
          %dma_wait3A_346 = tpu.memref_squeeze %dma_wait3A_345 : memref<1x20x128xi32, #tpu.memory_space<vmem>> -> memref<20x128xi32, #tpu.memory_space<vmem>>
          %dma_wait3A_347 = arith.constant 0 : i32
          %dma_wait3A_348 = arith.constant 0 : i32
          %dma_wait3A_349 = arith.constant 0 : i32
          %dma_wait3A_350 = tpu.memref_slice %arg4[%add3A, %dma_wait3A_347, %dma_wait3A_348, %dma_wait3A_349] : memref<32x4x20x128xi32, #tpu.memory_space<hbm>> -> memref<1x4x20x128xi32, #tpu.memory_space<hbm>>
          %dma_wait3A_351 = tpu.memref_squeeze %dma_wait3A_350 : memref<1x4x20x128xi32, #tpu.memory_space<hbm>> -> memref<4x20x128xi32, #tpu.memory_space<hbm>>
          %dma_wait3A_352 = arith.constant 0 : i32
          %dma_wait3A_353 = arith.constant 0 : i32
          %dma_wait3A_354 = tpu.memref_slice %dma_wait3A_351[%div3A_314, %dma_wait3A_352, %dma_wait3A_353] : memref<4x20x128xi32, #tpu.memory_space<hbm>> -> memref<1x20x128xi32, #tpu.memory_space<hbm>>
          %dma_wait3A_355 = tpu.memref_squeeze %dma_wait3A_354 : memref<1x20x128xi32, #tpu.memory_space<hbm>> -> memref<20x128xi32, #tpu.memory_space<hbm>>
          %dma_wait3A_356 = tpu.memref_slice %arg13[%rem3A_287] : memref<2x!tpu.dma_semaphore, #tpu.memory_space<semaphore_mem>> -> memref<1x!tpu.dma_semaphore, #tpu.memory_space<semaphore_mem>>
          %dma_wait3A_357 = tpu.memref_squeeze %dma_wait3A_356 : memref<1x!tpu.dma_semaphore, #tpu.memory_space<semaphore_mem>> -> memref<!tpu.dma_semaphore, #tpu.memory_space<semaphore_mem>>
          %dma_wait3A_358 = arith.constant 0 : i32
          %dma_wait3A_359 = arith.constant 0 : i32
          %dma_wait3A_360 = tpu.memref_slice %arg9[%rem3A_287, %dma_wait3A_358, %dma_wait3A_359] : memref<2x20x128xi32, #tpu.memory_space<vmem>> -> memref<1x20x128xi32, #tpu.memory_space<vmem>>
          %dma_wait3A_361 = tpu.memref_squeeze %dma_wait3A_360 : memref<1x20x128xi32, #tpu.memory_space<vmem>> -> memref<20x128xi32, #tpu.memory_space<vmem>>
          %dma_wait3A_362 = arith.constant 0 : i32
          %dma_wait3A_363 = arith.constant 0 : i32
          %dma_wait3A_364 = arith.constant 0 : i32
          %dma_wait3A_365 = tpu.memref_slice %arg4[%add3A, %dma_wait3A_362, %dma_wait3A_363, %dma_wait3A_364] : memref<32x4x20x128xi32, #tpu.memory_space<hbm>> -> memref<1x4x20x128xi32, #tpu.memory_space<hbm>>
          %dma_wait3A_366 = tpu.memref_squeeze %dma_wait3A_365 : memref<1x4x20x128xi32, #tpu.memory_space<hbm>> -> memref<4x20x128xi32, #tpu.memory_space<hbm>>
          %dma_wait3A_367 = arith.constant 0 : i32
          %dma_wait3A_368 = arith.constant 0 : i32
          %dma_wait3A_369 = tpu.memref_slice %dma_wait3A_366[%div3A_314, %dma_wait3A_367, %dma_wait3A_368] : memref<4x20x128xi32, #tpu.memory_space<hbm>> -> memref<1x20x128xi32, #tpu.memory_space<hbm>>
          %dma_wait3A_370 = tpu.memref_squeeze %dma_wait3A_369 : memref<1x20x128xi32, #tpu.memory_space<hbm>> -> memref<20x128xi32, #tpu.memory_space<hbm>>
          tpu.wait_dma2 semaphore(%dma_wait3A_357 : memref<!tpu.dma_semaphore, #tpu.memory_space<semaphore_mem>>) src(%dma_wait3A_370 : memref<20x128xi32, #tpu.memory_space<hbm>>) dst(%dma_wait3A_361 : memref<20x128xi32, #tpu.memory_space<vmem>>)
        } else {
        }
        %rem3A_295 = arith.constant 2 : i32
        %rem3A_296 = arith.remsi %add3A_283, %rem3A_295 : i32
        %dma_start3A_297 = arith.constant 0 : i32
        %dma_start3A_298 = arith.constant 0 : i32
        %dma_start3A_299 = tpu.memref_slice %arg10[%rem3A_296, %dma_start3A_297, %dma_start3A_298] : memref<2x128x128xf32, #tpu.memory_space<vmem>> -> memref<1x128x128xf32, #tpu.memory_space<vmem>>
        %dma_start3A_300 = tpu.memref_squeeze %dma_start3A_299 : memref<1x128x128xf32, #tpu.memory_space<vmem>> -> memref<128x128xf32, #tpu.memory_space<vmem>>
        %dma_start3A_301 = arith.constant 0 : i32
        %dma_start3A_302 = arith.constant 0 : i32
        %dma_start3A_303 = tpu.memref_slice %arg8[%rem3A_287, %dma_start3A_301, %dma_start3A_302] : memref<2x20x128xi32, #tpu.memory_space<vmem>> -> memref<1x20x128xi32, #tpu.memory_space<vmem>>
        %dma_start3A_304 = tpu.memref_squeeze %dma_start3A_303 : memref<1x20x128xi32, #tpu.memory_space<vmem>> -> memref<20x128xi32, #tpu.memory_space<vmem>>
        %dma_start3A_305 = arith.constant 0 : i32
        %dma_start3A_306 = tpu.memref_slice %dma_start3A_304[%rem3A_289, %dma_start3A_305] : memref<20x128xi32, #tpu.memory_space<vmem>> -> memref<1x128xi32, #tpu.memory_space<vmem>>
        %dma_start3A_307 = tpu.memref_squeeze %dma_start3A_306 : memref<1x128xi32, #tpu.memory_space<vmem>> -> memref<128xi32, #tpu.memory_space<vmem>>
        %dma_start3A_308 = arith.constant 0 : i32
        %dma_start3A_309 = arith.constant 0 : i32
        %dma_start3A_310 = tpu.memref_slice %arg2[%dma_start3A_308, %dma_start3A_309] : memref<10000x128xf32, #tpu.memory_space<hbm>> -> memref<10000x128xf32, #tpu.memory_space<hbm>>
        %dma_start3A_311 = tpu.memref_slice %arg12[%rem3A_296] : memref<2x!tpu.dma_semaphore, #tpu.memory_space<semaphore_mem>> -> memref<1x!tpu.dma_semaphore, #tpu.memory_space<semaphore_mem>>
        %dma_start3A_312 = tpu.memref_squeeze %dma_start3A_311 : memref<1x!tpu.dma_semaphore, #tpu.memory_space<semaphore_mem>> -> memref<!tpu.dma_semaphore, #tpu.memory_space<semaphore_mem>>
        tpu.enqueue_indirect_dma source(%dma_start3A_310 : memref<10000x128xf32, #tpu.memory_space<hbm>>) target(%dma_start3A_300 : memref<128x128xf32, #tpu.memory_space<vmem>>) offsets(%dma_start3A_307 : memref<128xi32, #tpu.memory_space<vmem>>) semaphore(%dma_start3A_312 : memref<!tpu.dma_semaphore, #tpu.memory_space<semaphore_mem>>)
      } else {
      }
      "tpu.region"() ({
        %run_scoped3A = tpu.sem_alloc : memref<!tpu.dma_semaphore, #tpu.memory_space<semaphore_mem>>
        %dma_start3A_282 = arith.constant 0 : i32
        %dma_start3A_283 = arith.constant 0 : i32
        %dma_start3A_284 = tpu.memref_slice %arg10[%rem3A_243, %dma_start3A_282, %dma_start3A_283] : memref<2x128x128xf32, #tpu.memory_space<vmem>> -> memref<1x128x128xf32, #tpu.memory_space<vmem>>
        %dma_start3A_285 = tpu.memref_squeeze %dma_start3A_284 : memref<1x128x128xf32, #tpu.memory_space<vmem>> -> memref<128x128xf32, #tpu.memory_space<vmem>>
        %dma_start3A_286 = arith.constant 0 : i32
        %dma_start3A_287 = arith.constant 0 : i32
        %dma_start3A_288 = tpu.memref_slice %arg9[%rem3A_246, %dma_start3A_286, %dma_start3A_287] : memref<2x20x128xi32, #tpu.memory_space<vmem>> -> memref<1x20x128xi32, #tpu.memory_space<vmem>>
        %dma_start3A_289 = tpu.memref_squeeze %dma_start3A_288 : memref<1x20x128xi32, #tpu.memory_space<vmem>> -> memref<20x128xi32, #tpu.memory_space<vmem>>
        %dma_start3A_290 = arith.constant 0 : i32
        %dma_start3A_291 = tpu.memref_slice %dma_start3A_289[%rem3A_248, %dma_start3A_290] : memref<20x128xi32, #tpu.memory_space<vmem>> -> memref<1x128xi32, #tpu.memory_space<vmem>>
        %dma_start3A_292 = tpu.memref_squeeze %dma_start3A_291 : memref<1x128xi32, #tpu.memory_space<vmem>> -> memref<128xi32, #tpu.memory_space<vmem>>
        %dma_start3A_293 = arith.constant 0 : i32
        %dma_start3A_294 = arith.constant 0 : i32
        %dma_start3A_295 = tpu.memref_slice %arg11[%dma_start3A_293, %dma_start3A_294] : memref<10112x128xf32, #tpu.memory_space<vmem_shared>> -> memref<10112x128xf32, #tpu.memory_space<vmem_shared>>
        tpu.enqueue_indirect_dma source(%dma_start3A_285 : memref<128x128xf32, #tpu.memory_space<vmem>>) target(%dma_start3A_295 : memref<10112x128xf32, #tpu.memory_space<vmem_shared>>) offsets(%dma_start3A_292 : memref<128xi32, #tpu.memory_space<vmem>>) semaphore(%run_scoped3A : memref<!tpu.dma_semaphore, #tpu.memory_space<semaphore_mem>>) {add = true}
        %dma_wait3A_296 = arith.constant 0 : i32
        %dma_wait3A_297 = arith.constant 0 : i32
        %dma_wait3A_298 = tpu.memref_slice %arg10[%rem3A_243, %dma_wait3A_296, %dma_wait3A_297] : memref<2x128x128xf32, #tpu.memory_space<vmem>> -> memref<1x128x128xf32, #tpu.memory_space<vmem>>
        %dma_wait3A_299 = tpu.memref_squeeze %dma_wait3A_298 : memref<1x128x128xf32, #tpu.memory_space<vmem>> -> memref<128x128xf32, #tpu.memory_space<vmem>>
        %dma_wait3A_300 = arith.constant 0 : i32
        %dma_wait3A_301 = arith.constant 0 : i32
        %dma_wait3A_302 = tpu.memref_slice %arg9[%rem3A_246, %dma_wait3A_300, %dma_wait3A_301] : memref<2x20x128xi32, #tpu.memory_space<vmem>> -> memref<1x20x128xi32, #tpu.memory_space<vmem>>
        %dma_wait3A_303 = tpu.memref_squeeze %dma_wait3A_302 : memref<1x20x128xi32, #tpu.memory_space<vmem>> -> memref<20x128xi32, #tpu.memory_space<vmem>>
        %dma_wait3A_304 = arith.constant 0 : i32
        %dma_wait3A_305 = tpu.memref_slice %dma_wait3A_303[%rem3A_248, %dma_wait3A_304] : memref<20x128xi32, #tpu.memory_space<vmem>> -> memref<1x128xi32, #tpu.memory_space<vmem>>
        %dma_wait3A_306 = tpu.memref_squeeze %dma_wait3A_305 : memref<1x128xi32, #tpu.memory_space<vmem>> -> memref<128xi32, #tpu.memory_space<vmem>>
        %dma_wait3A_307 = arith.constant 0 : i32
        %dma_wait3A_308 = arith.constant 0 : i32
        %dma_wait3A_309 = tpu.memref_slice %arg11[%dma_wait3A_307, %dma_wait3A_308] : memref<10112x128xf32, #tpu.memory_space<vmem_shared>> -> memref<10112x128xf32, #tpu.memory_space<vmem_shared>>
        tpu.wait_indirect_dma semaphore(%run_scoped3A : memref<!tpu.dma_semaphore, #tpu.memory_space<semaphore_mem>>) src(%dma_wait3A_299 : memref<128x128xf32, #tpu.memory_space<vmem>>) dst(%dma_wait3A_309 : memref<10112x128xf32, #tpu.memory_space<vmem_shared>>)
        tpu.yield
      }) : () -> ()
      %eq3A_271 = arith.constant 0 : i32
      %eq3A_272 = arith.cmpi eq, %rem3A_248, %eq3A_271 : i32
      %ge3A = arith.constant 20 : i32
      %ge3A_273 = arith.cmpi sge, %scan3A_242, %ge3A : i32
      %and3A = arith.andi %eq3A_272, %ge3A_273 : i1
      %add3A_274 = arith.constant 1 : i32
      %add3A_275 = arith.addi %div3A_244, %add3A_274 : i32
      %lt3A_276 = arith.constant 4 : i32
      %lt3A_277 = arith.cmpi slt, %add3A_275, %lt3A_276 : i32
      %and3A_278 = arith.andi %and3A, %lt3A_277 : i1
      %convert_element_type3A_279 = arith.extui %and3A_278 : i1 to i32
      %cond3A_280 = arith.constant 0 : i32
      %cond3A_281 = arith.cmpi ne, %convert_element_type3A_279, %cond3A_280 : i32
      scf.if %cond3A_281 {
        %add3A_282 = arith.constant 1 : i32
        %add3A_283 = arith.addi %div3A_244, %add3A_282 : i32
        %add3A_284 = arith.constant 1 : i32
        %add3A_285 = arith.addi %div3A_244, %add3A_284 : i32
        %rem3A_286 = arith.constant 2 : i32
        %rem3A_287 = arith.remsi %add3A_285, %rem3A_286 : i32
        %dma_start3A_288 = arith.constant 0 : i32
        %dma_start3A_289 = arith.constant 0 : i32
        %dma_start3A_290 = tpu.memref_slice %arg8[%rem3A_287, %dma_start3A_288, %dma_start3A_289] : memref<2x20x128xi32, #tpu.memory_space<vmem>> -> memref<1x20x128xi32, #tpu.memory_space<vmem>>
        %dma_start3A_291 = tpu.memref_squeeze %dma_start3A_290 : memref<1x20x128xi32, #tpu.memory_space<vmem>> -> memref<20x128xi32, #tpu.memory_space<vmem>>
        %dma_start3A_292 = arith.constant 0 : i32
        %dma_start3A_293 = arith.constant 0 : i32
        %dma_start3A_294 = arith.constant 0 : i32
        %dma_start3A_295 = tpu.memref_slice %arg3[%add3A, %dma_start3A_292, %dma_start3A_293, %dma_start3A_294] : memref<32x4x20x128xi32, #tpu.memory_space<hbm>> -> memref<1x4x20x128xi32, #tpu.memory_space<hbm>>
        %dma_start3A_296 = tpu.memref_squeeze %dma_start3A_295 : memref<1x4x20x128xi32, #tpu.memory_space<hbm>> -> memref<4x20x128xi32, #tpu.memory_space<hbm>>
        %dma_start3A_297 = arith.constant 0 : i32
        %dma_start3A_298 = arith.constant 0 : i32
        %dma_start3A_299 = tpu.memref_slice %dma_start3A_296[%add3A_283, %dma_start3A_297, %dma_start3A_298] : memref<4x20x128xi32, #tpu.memory_space<hbm>> -> memref<1x20x128xi32, #tpu.memory_space<hbm>>
        %dma_start3A_300 = tpu.memref_squeeze %dma_start3A_299 : memref<1x20x128xi32, #tpu.memory_space<hbm>> -> memref<20x128xi32, #tpu.memory_space<hbm>>
        %dma_start3A_301 = tpu.memref_slice %arg13[%rem3A_287] : memref<2x!tpu.dma_semaphore, #tpu.memory_space<semaphore_mem>> -> memref<1x!tpu.dma_semaphore, #tpu.memory_space<semaphore_mem>>
        %dma_start3A_302 = tpu.memref_squeeze %dma_start3A_301 : memref<1x!tpu.dma_semaphore, #tpu.memory_space<semaphore_mem>> -> memref<!tpu.dma_semaphore, #tpu.memory_space<semaphore_mem>>
        %dma_start3A_303 = arith.constant 0 : i32
        %dma_start3A_304 = arith.constant 0 : i32
        %dma_start3A_305 = tpu.memref_slice %arg8[%rem3A_287, %dma_start3A_303, %dma_start3A_304] : memref<2x20x128xi32, #tpu.memory_space<vmem>> -> memref<1x20x128xi32, #tpu.memory_space<vmem>>
        %dma_start3A_306 = tpu.memref_squeeze %dma_start3A_305 : memref<1x20x128xi32, #tpu.memory_space<vmem>> -> memref<20x128xi32, #tpu.memory_space<vmem>>
        %dma_start3A_307 = arith.constant 0 : i32
        %dma_start3A_308 = arith.constant 0 : i32
        %dma_start3A_309 = arith.constant 0 : i32
        %dma_start3A_310 = tpu.memref_slice %arg3[%add3A, %dma_start3A_307, %dma_start3A_308, %dma_start3A_309] : memref<32x4x20x128xi32, #tpu.memory_space<hbm>> -> memref<1x4x20x128xi32, #tpu.memory_space<hbm>>
        %dma_start3A_311 = tpu.memref_squeeze %dma_start3A_310 : memref<1x4x20x128xi32, #tpu.memory_space<hbm>> -> memref<4x20x128xi32, #tpu.memory_space<hbm>>
        %dma_start3A_312 = arith.constant 0 : i32
        %dma_start3A_313 = arith.constant 0 : i32
        %dma_start3A_314 = tpu.memref_slice %dma_start3A_311[%add3A_283, %dma_start3A_312, %dma_start3A_313] : memref<4x20x128xi32, #tpu.memory_space<hbm>> -> memref<1x20x128xi32, #tpu.memory_space<hbm>>
        %dma_start3A_315 = tpu.memref_squeeze %dma_start3A_314 : memref<1x20x128xi32, #tpu.memory_space<hbm>> -> memref<20x128xi32, #tpu.memory_space<hbm>>
        tpu.enqueue_dma source(%dma_start3A_315 : memref<20x128xi32, #tpu.memory_space<hbm>>) target(%dma_start3A_306 : memref<20x128xi32, #tpu.memory_space<vmem>>) target_semaphore(%dma_start3A_302 : memref<!tpu.dma_semaphore, #tpu.memory_space<semaphore_mem>>)
        %dma_start3A_316 = arith.constant 0 : i32
        %dma_start3A_317 = arith.constant 0 : i32
        %dma_start3A_318 = tpu.memref_slice %arg9[%rem3A_287, %dma_start3A_316, %dma_start3A_317] : memref<2x20x128xi32, #tpu.memory_space<vmem>> -> memref<1x20x128xi32, #tpu.memory_space<vmem>>
        %dma_start3A_319 = tpu.memref_squeeze %dma_start3A_318 : memref<1x20x128xi32, #tpu.memory_space<vmem>> -> memref<20x128xi32, #tpu.memory_space<vmem>>
        %dma_start3A_320 = arith.constant 0 : i32
        %dma_start3A_321 = arith.constant 0 : i32
        %dma_start3A_322 = arith.constant 0 : i32
        %dma_start3A_323 = tpu.memref_slice %arg4[%add3A, %dma_start3A_320, %dma_start3A_321, %dma_start3A_322] : memref<32x4x20x128xi32, #tpu.memory_space<hbm>> -> memref<1x4x20x128xi32, #tpu.memory_space<hbm>>
        %dma_start3A_324 = tpu.memref_squeeze %dma_start3A_323 : memref<1x4x20x128xi32, #tpu.memory_space<hbm>> -> memref<4x20x128xi32, #tpu.memory_space<hbm>>
        %dma_start3A_325 = arith.constant 0 : i32
        %dma_start3A_326 = arith.constant 0 : i32
        %dma_start3A_327 = tpu.memref_slice %dma_start3A_324[%add3A_283, %dma_start3A_325, %dma_start3A_326] : memref<4x20x128xi32, #tpu.memory_space<hbm>> -> memref<1x20x128xi32, #tpu.memory_space<hbm>>
        %dma_start3A_328 = tpu.memref_squeeze %dma_start3A_327 : memref<1x20x128xi32, #tpu.memory_space<hbm>> -> memref<20x128xi32, #tpu.memory_space<hbm>>
        %dma_start3A_329 = tpu.memref_slice %arg13[%rem3A_287] : memref<2x!tpu.dma_semaphore, #tpu.memory_space<semaphore_mem>> -> memref<1x!tpu.dma_semaphore, #tpu.memory_space<semaphore_mem>>
        %dma_start3A_330 = tpu.memref_squeeze %dma_start3A_329 : memref<1x!tpu.dma_semaphore, #tpu.memory_space<semaphore_mem>> -> memref<!tpu.dma_semaphore, #tpu.memory_space<semaphore_mem>>
        %dma_start3A_331 = arith.constant 0 : i32
        %dma_start3A_332 = arith.constant 0 : i32
        %dma_start3A_333 = tpu.memref_slice %arg9[%rem3A_287, %dma_start3A_331, %dma_start3A_332] : memref<2x20x128xi32, #tpu.memory_space<vmem>> -> memref<1x20x128xi32, #tpu.memory_space<vmem>>
        %dma_start3A_334 = tpu.memref_squeeze %dma_start3A_333 : memref<1x20x128xi32, #tpu.memory_space<vmem>> -> memref<20x128xi32, #tpu.memory_space<vmem>>
        %dma_start3A_335 = arith.constant 0 : i32
        %dma_start3A_336 = arith.constant 0 : i32
        %dma_start3A_337 = arith.constant 0 : i32
        %dma_start3A_338 = tpu.memref_slice %arg4[%add3A, %dma_start3A_335, %dma_start3A_336, %dma_start3A_337] : memref<32x4x20x128xi32, #tpu.memory_space<hbm>> -> memref<1x4x20x128xi32, #tpu.memory_space<hbm>>
        %dma_start3A_339 = tpu.memref_squeeze %dma_start3A_338 : memref<1x4x20x128xi32, #tpu.memory_space<hbm>> -> memref<4x20x128xi32, #tpu.memory_space<hbm>>
        %dma_start3A_340 = arith.constant 0 : i32
        %dma_start3A_341 = arith.constant 0 : i32
        %dma_start3A_342 = tpu.memref_slice %dma_start3A_339[%add3A_283, %dma_start3A_340, %dma_start3A_341] : memref<4x20x128xi32, #tpu.memory_space<hbm>> -> memref<1x20x128xi32, #tpu.memory_space<hbm>>
        %dma_start3A_343 = tpu.memref_squeeze %dma_start3A_342 : memref<1x20x128xi32, #tpu.memory_space<hbm>> -> memref<20x128xi32, #tpu.memory_space<hbm>>
        tpu.enqueue_dma source(%dma_start3A_343 : memref<20x128xi32, #tpu.memory_space<hbm>>) target(%dma_start3A_334 : memref<20x128xi32, #tpu.memory_space<vmem>>) target_semaphore(%dma_start3A_330 : memref<!tpu.dma_semaphore, #tpu.memory_space<semaphore_mem>>)
      } else {
      }
    }
    %scan3A_233 = arith.constant 80 : i32
    %barrier3A_234 = arith.constant 0 : index
    tpu.barrier barrier_id(%barrier3A_234)
    %eq3A = arith.constant 0 : i32
    %eq3A_235 = arith.cmpi eq, %arg0, %eq3A : i32
    %convert_element_type3A = arith.extui %eq3A_235 : i1 to i32
    %cond3A = arith.constant 0 : i32
    %cond3A_236 = arith.cmpi ne, %convert_element_type3A, %cond3A : i32
    scf.if %cond3A_236 {
      %mul3A_242 = arith.constant 632 : i32
      %mul3A_243 = arith.muli %arg1, %mul3A_242 : i32
      %mul3A_244 = arith.constant 632 : i32
      %mul3A_245 = arith.muli %arg1, %mul3A_244 : i32
      "tpu.region"() ({
        %run_scoped3A = tpu.sem_alloc : memref<!tpu.dma_semaphore, #tpu.memory_space<semaphore_mem>>
        %dma_start3A_246 = arith.constant 0 : i32
        %dma_start3A_247 = tpu.memref_slice %arg6[%mul3A_245, %dma_start3A_246] : memref<10112x128xf32, #tpu.memory_space<hbm>> -> memref<632x128xf32, #tpu.memory_space<hbm>>
        %dma_start3A_248 = arith.constant 0 : i32
        %dma_start3A_249 = tpu.memref_slice %arg11[%mul3A_243, %dma_start3A_248] : memref<10112x128xf32, #tpu.memory_space<vmem_shared>> -> memref<632x128xf32, #tpu.memory_space<vmem_shared>>
        tpu.enqueue_dma source(%dma_start3A_249 : memref<632x128xf32, #tpu.memory_space<vmem_shared>>) target(%dma_start3A_247 : memref<632x128xf32, #tpu.memory_space<hbm>>) target_semaphore(%run_scoped3A : memref<!tpu.dma_semaphore, #tpu.memory_space<semaphore_mem>>)
        %dma_wait3A_250 = arith.constant 0 : i32
        %dma_wait3A_251 = tpu.memref_slice %arg6[%mul3A_245, %dma_wait3A_250] : memref<10112x128xf32, #tpu.memory_space<hbm>> -> memref<632x128xf32, #tpu.memory_space<hbm>>
        %dma_wait3A_252 = arith.constant 0 : i32
        %dma_wait3A_253 = tpu.memref_slice %arg11[%mul3A_243, %dma_wait3A_252] : memref<10112x128xf32, #tpu.memory_space<vmem_shared>> -> memref<632x128xf32, #tpu.memory_space<vmem_shared>>
        tpu.wait_dma2 semaphore(%run_scoped3A : memref<!tpu.dma_semaphore, #tpu.memory_space<semaphore_mem>>) src(%dma_wait3A_253 : memref<632x128xf32, #tpu.memory_space<vmem_shared>>) dst(%dma_wait3A_251 : memref<632x128xf32, #tpu.memory_space<hbm>>)
        tpu.yield
      }) : () -> ()
    } else {
    }
    %eq3A_237 = arith.constant 1 : i32
    %eq3A_238 = arith.cmpi eq, %arg0, %eq3A_237 : i32
    %convert_element_type3A_239 = arith.extui %eq3A_238 : i1 to i32
    %cond3A_240 = arith.constant 0 : i32
    %cond3A_241 = arith.cmpi ne, %convert_element_type3A_239, %cond3A_240 : i32
    scf.if %cond3A_241 {
      %mul3A_242 = arith.constant 632 : i32
      %mul3A_243 = arith.muli %arg1, %mul3A_242 : i32
      %mul3A_244 = arith.constant 632 : i32
      %mul3A_245 = arith.muli %arg1, %mul3A_244 : i32
      "tpu.region"() ({
        %run_scoped3A = tpu.sem_alloc : memref<!tpu.dma_semaphore, #tpu.memory_space<semaphore_mem>>
        %dma_start3A_246 = arith.constant 0 : i32
        %dma_start3A_247 = tpu.memref_slice %arg7[%mul3A_245, %dma_start3A_246] : memref<10112x128xf32, #tpu.memory_space<hbm>> -> memref<632x128xf32, #tpu.memory_space<hbm>>
        %dma_start3A_248 = arith.constant 0 : i32
        %dma_start3A_249 = tpu.memref_slice %arg11[%mul3A_243, %dma_start3A_248] : memref<10112x128xf32, #tpu.memory_space<vmem_shared>> -> memref<632x128xf32, #tpu.memory_space<vmem_shared>>
        tpu.enqueue_dma source(%dma_start3A_249 : memref<632x128xf32, #tpu.memory_space<vmem_shared>>) target(%dma_start3A_247 : memref<632x128xf32, #tpu.memory_space<hbm>>) target_semaphore(%run_scoped3A : memref<!tpu.dma_semaphore, #tpu.memory_space<semaphore_mem>>)
        %dma_wait3A_250 = arith.constant 0 : i32
        %dma_wait3A_251 = tpu.memref_slice %arg7[%mul3A_245, %dma_wait3A_250] : memref<10112x128xf32, #tpu.memory_space<hbm>> -> memref<632x128xf32, #tpu.memory_space<hbm>>
        %dma_wait3A_252 = arith.constant 0 : i32
        %dma_wait3A_253 = tpu.memref_slice %arg11[%mul3A_243, %dma_wait3A_252] : memref<10112x128xf32, #tpu.memory_space<vmem_shared>> -> memref<632x128xf32, #tpu.memory_space<vmem_shared>>
        tpu.wait_dma2 semaphore(%run_scoped3A : memref<!tpu.dma_semaphore, #tpu.memory_space<semaphore_mem>>) src(%dma_wait3A_253 : memref<632x128xf32, #tpu.memory_space<vmem_shared>>) dst(%dma_wait3A_251 : memref<632x128xf32, #tpu.memory_space<hbm>>)
        tpu.yield
      }) : () -> ()
    } else {
    }
    return
  }
}

#map = affine_map<(d0, d1) -> (0, 0)>
#map1 = affine_map<(d0, d1) -> (0, 0, 0, 0)>
module attributes {stable_mosaic.version = 14 : i64} {
  func.func @_sc_edge_agg(%arg0: i32, %arg1: i32, %arg2: memref<10000x128xf32, #tpu.memory_space<hbm>>, %arg3: memref<32x4x20x128xi32, #tpu.memory_space<hbm>>, %arg4: memref<32x4x20x128xi32, #tpu.memory_space<hbm>>, %arg5: memref<10112x128xf32, #tpu.memory_space<hbm>>, %arg6: memref<10112x128xf32, #tpu.memory_space<hbm>>, %arg7: memref<10112x128xf32, #tpu.memory_space<hbm>>, %arg8: memref<2x20x128xi32, #tpu.memory_space<vmem>>, %arg9: memref<2x20x128xi32, #tpu.memory_space<vmem>>, %arg10: memref<2x128x128xf32, #tpu.memory_space<vmem>>, %arg11: memref<10112x128xf32, #tpu.memory_space<vmem_shared>>, %arg12: memref<2x!tpu.dma_semaphore, #tpu.memory_space<semaphore_mem>>, %arg13: memref<2x!tpu.dma_semaphore, #tpu.memory_space<semaphore_mem>>) attributes {dimension_semantics = [#tpu.dimension_semantics<core_parallel>, #tpu.dimension_semantics<subcore_parallel>], iteration_bounds = array<i64: 2, 16>, scalar_prefetch = 0 : i64, scratch_operands = 6 : i64, tpu.core_type = #tpu.core_type<sc_vector_subcore>, window_params = [{transform_indices = #map}, {transform_indices = #map1}, {transform_indices = #map1}, {transform_indices = #map}, {transform_indices = #map}, {transform_indices = #map}]} {
    %mul3A = arith.constant 16 : i32
    %mul3A_0 = arith.muli %arg0, %mul3A : i32
    %add3A = arith.addi %mul3A_0, %arg1 : i32
    %dma_start3A = arith.constant 0 : i32
    %dma_start3A_1 = arith.constant 0 : i32
    %dma_start3A_2 = arith.constant 0 : i32
    %dma_start3A_3 = arith.constant 0 : i32
    %dma_start3A_4 = arith.constant 0 : i32
    %dma_start3A_5 = tpu.memref_slice %arg8[%dma_start3A_1, %dma_start3A_3, %dma_start3A_4] : memref<2x20x128xi32, #tpu.memory_space<vmem>> -> memref<1x20x128xi32, #tpu.memory_space<vmem>>
    %dma_start3A_6 = tpu.memref_squeeze %dma_start3A_5 : memref<1x20x128xi32, #tpu.memory_space<vmem>> -> memref<20x128xi32, #tpu.memory_space<vmem>>
    %dma_start3A_7 = arith.constant 0 : i32
    %dma_start3A_8 = arith.constant 0 : i32
    %dma_start3A_9 = arith.constant 0 : i32
    %dma_start3A_10 = tpu.memref_slice %arg3[%add3A, %dma_start3A_7, %dma_start3A_8, %dma_start3A_9] : memref<32x4x20x128xi32, #tpu.memory_space<hbm>> -> memref<1x4x20x128xi32, #tpu.memory_space<hbm>>
    %dma_start3A_11 = tpu.memref_squeeze %dma_start3A_10 : memref<1x4x20x128xi32, #tpu.memory_space<hbm>> -> memref<4x20x128xi32, #tpu.memory_space<hbm>>
    %dma_start3A_12 = arith.constant 0 : i32
    %dma_start3A_13 = arith.constant 0 : i32
    %dma_start3A_14 = tpu.memref_slice %dma_start3A_11[%dma_start3A, %dma_start3A_12, %dma_start3A_13] : memref<4x20x128xi32, #tpu.memory_space<hbm>> -> memref<1x20x128xi32, #tpu.memory_space<hbm>>
    %dma_start3A_15 = tpu.memref_squeeze %dma_start3A_14 : memref<1x20x128xi32, #tpu.memory_space<hbm>> -> memref<20x128xi32, #tpu.memory_space<hbm>>
    %dma_start3A_16 = tpu.memref_slice %arg13[%dma_start3A_2] : memref<2x!tpu.dma_semaphore, #tpu.memory_space<semaphore_mem>> -> memref<1x!tpu.dma_semaphore, #tpu.memory_space<semaphore_mem>>
    %dma_start3A_17 = tpu.memref_squeeze %dma_start3A_16 : memref<1x!tpu.dma_semaphore, #tpu.memory_space<semaphore_mem>> -> memref<!tpu.dma_semaphore, #tpu.memory_space<semaphore_mem>>
    %dma_start3A_18 = arith.constant 0 : i32
    %dma_start3A_19 = arith.constant 0 : i32
    %dma_start3A_20 = tpu.memref_slice %arg8[%dma_start3A_1, %dma_start3A_18, %dma_start3A_19] : memref<2x20x128xi32, #tpu.memory_space<vmem>> -> memref<1x20x128xi32, #tpu.memory_space<vmem>>
    %dma_start3A_21 = tpu.memref_squeeze %dma_start3A_20 : memref<1x20x128xi32, #tpu.memory_space<vmem>> -> memref<20x128xi32, #tpu.memory_space<vmem>>
    %dma_start3A_22 = arith.constant 0 : i32
    %dma_start3A_23 = arith.constant 0 : i32
    %dma_start3A_24 = arith.constant 0 : i32
    %dma_start3A_25 = tpu.memref_slice %arg3[%add3A, %dma_start3A_22, %dma_start3A_23, %dma_start3A_24] : memref<32x4x20x128xi32, #tpu.memory_space<hbm>> -> memref<1x4x20x128xi32, #tpu.memory_space<hbm>>
    %dma_start3A_26 = tpu.memref_squeeze %dma_start3A_25 : memref<1x4x20x128xi32, #tpu.memory_space<hbm>> -> memref<4x20x128xi32, #tpu.memory_space<hbm>>
    %dma_start3A_27 = arith.constant 0 : i32
    %dma_start3A_28 = arith.constant 0 : i32
    %dma_start3A_29 = tpu.memref_slice %dma_start3A_26[%dma_start3A, %dma_start3A_27, %dma_start3A_28] : memref<4x20x128xi32, #tpu.memory_space<hbm>> -> memref<1x20x128xi32, #tpu.memory_space<hbm>>
    %dma_start3A_30 = tpu.memref_squeeze %dma_start3A_29 : memref<1x20x128xi32, #tpu.memory_space<hbm>> -> memref<20x128xi32, #tpu.memory_space<hbm>>
    tpu.enqueue_dma source(%dma_start3A_30 : memref<20x128xi32, #tpu.memory_space<hbm>>) target(%dma_start3A_21 : memref<20x128xi32, #tpu.memory_space<vmem>>) target_semaphore(%dma_start3A_17 : memref<!tpu.dma_semaphore, #tpu.memory_space<semaphore_mem>>)
    %dma_start3A_31 = arith.constant 0 : i32
    %dma_start3A_32 = arith.constant 0 : i32
    %dma_start3A_33 = arith.constant 0 : i32
    %dma_start3A_34 = arith.constant 0 : i32
    %dma_start3A_35 = arith.constant 0 : i32
    %dma_start3A_36 = tpu.memref_slice %arg9[%dma_start3A_32, %dma_start3A_34, %dma_start3A_35] : memref<2x20x128xi32, #tpu.memory_space<vmem>> -> memref<1x20x128xi32, #tpu.memory_space<vmem>>
    %dma_start3A_37 = tpu.memref_squeeze %dma_start3A_36 : memref<1x20x128xi32, #tpu.memory_space<vmem>> -> memref<20x128xi32, #tpu.memory_space<vmem>>
    %dma_start3A_38 = arith.constant 0 : i32
    %dma_start3A_39 = arith.constant 0 : i32
    %dma_start3A_40 = arith.constant 0 : i32
    %dma_start3A_41 = tpu.memref_slice %arg4[%add3A, %dma_start3A_38, %dma_start3A_39, %dma_start3A_40] : memref<32x4x20x128xi32, #tpu.memory_space<hbm>> -> memref<1x4x20x128xi32, #tpu.memory_space<hbm>>
    %dma_start3A_42 = tpu.memref_squeeze %dma_start3A_41 : memref<1x4x20x128xi32, #tpu.memory_space<hbm>> -> memref<4x20x128xi32, #tpu.memory_space<hbm>>
    %dma_start3A_43 = arith.constant 0 : i32
    %dma_start3A_44 = arith.constant 0 : i32
    %dma_start3A_45 = tpu.memref_slice %dma_start3A_42[%dma_start3A_31, %dma_start3A_43, %dma_start3A_44] : memref<4x20x128xi32, #tpu.memory_space<hbm>> -> memref<1x20x128xi32, #tpu.memory_space<hbm>>
    %dma_start3A_46 = tpu.memref_squeeze %dma_start3A_45 : memref<1x20x128xi32, #tpu.memory_space<hbm>> -> memref<20x128xi32, #tpu.memory_space<hbm>>
    %dma_start3A_47 = tpu.memref_slice %arg13[%dma_start3A_33] : memref<2x!tpu.dma_semaphore, #tpu.memory_space<semaphore_mem>> -> memref<1x!tpu.dma_semaphore, #tpu.memory_space<semaphore_mem>>
    %dma_start3A_48 = tpu.memref_squeeze %dma_start3A_47 : memref<1x!tpu.dma_semaphore, #tpu.memory_space<semaphore_mem>> -> memref<!tpu.dma_semaphore, #tpu.memory_space<semaphore_mem>>
    %dma_start3A_49 = arith.constant 0 : i32
    %dma_start3A_50 = arith.constant 0 : i32
    %dma_start3A_51 = tpu.memref_slice %arg9[%dma_start3A_32, %dma_start3A_49, %dma_start3A_50] : memref<2x20x128xi32, #tpu.memory_space<vmem>> -> memref<1x20x128xi32, #tpu.memory_space<vmem>>
    %dma_start3A_52 = tpu.memref_squeeze %dma_start3A_51 : memref<1x20x128xi32, #tpu.memory_space<vmem>> -> memref<20x128xi32, #tpu.memory_space<vmem>>
    %dma_start3A_53 = arith.constant 0 : i32
    %dma_start3A_54 = arith.constant 0 : i32
    %dma_start3A_55 = arith.constant 0 : i32
    %dma_start3A_56 = tpu.memref_slice %arg4[%add3A, %dma_start3A_53, %dma_start3A_54, %dma_start3A_55] : memref<32x4x20x128xi32, #tpu.memory_space<hbm>> -> memref<1x4x20x128xi32, #tpu.memory_space<hbm>>
    %dma_start3A_57 = tpu.memref_squeeze %dma_start3A_56 : memref<1x4x20x128xi32, #tpu.memory_space<hbm>> -> memref<4x20x128xi32, #tpu.memory_space<hbm>>
    %dma_start3A_58 = arith.constant 0 : i32
    %dma_start3A_59 = arith.constant 0 : i32
    %dma_start3A_60 = tpu.memref_slice %dma_start3A_57[%dma_start3A_31, %dma_start3A_58, %dma_start3A_59] : memref<4x20x128xi32, #tpu.memory_space<hbm>> -> memref<1x20x128xi32, #tpu.memory_space<hbm>>
    %dma_start3A_61 = tpu.memref_squeeze %dma_start3A_60 : memref<1x20x128xi32, #tpu.memory_space<hbm>> -> memref<20x128xi32, #tpu.memory_space<hbm>>
    tpu.enqueue_dma source(%dma_start3A_61 : memref<20x128xi32, #tpu.memory_space<hbm>>) target(%dma_start3A_52 : memref<20x128xi32, #tpu.memory_space<vmem>>) target_semaphore(%dma_start3A_48 : memref<!tpu.dma_semaphore, #tpu.memory_space<semaphore_mem>>)
    %dma_start3A_62 = arith.constant 1 : i32
    %dma_start3A_63 = arith.constant 1 : i32
    %dma_start3A_64 = arith.constant 1 : i32
    %dma_start3A_65 = arith.constant 0 : i32
    %dma_start3A_66 = arith.constant 0 : i32
    %dma_start3A_67 = tpu.memref_slice %arg8[%dma_start3A_63, %dma_start3A_65, %dma_start3A_66] : memref<2x20x128xi32, #tpu.memory_space<vmem>> -> memref<1x20x128xi32, #tpu.memory_space<vmem>>
    %dma_start3A_68 = tpu.memref_squeeze %dma_start3A_67 : memref<1x20x128xi32, #tpu.memory_space<vmem>> -> memref<20x128xi32, #tpu.memory_space<vmem>>
    %dma_start3A_69 = arith.constant 0 : i32
    %dma_start3A_70 = arith.constant 0 : i32
    %dma_start3A_71 = arith.constant 0 : i32
    %dma_start3A_72 = tpu.memref_slice %arg3[%add3A, %dma_start3A_69, %dma_start3A_70, %dma_start3A_71] : memref<32x4x20x128xi32, #tpu.memory_space<hbm>> -> memref<1x4x20x128xi32, #tpu.memory_space<hbm>>
    %dma_start3A_73 = tpu.memref_squeeze %dma_start3A_72 : memref<1x4x20x128xi32, #tpu.memory_space<hbm>> -> memref<4x20x128xi32, #tpu.memory_space<hbm>>
    %dma_start3A_74 = arith.constant 0 : i32
    %dma_start3A_75 = arith.constant 0 : i32
    %dma_start3A_76 = tpu.memref_slice %dma_start3A_73[%dma_start3A_62, %dma_start3A_74, %dma_start3A_75] : memref<4x20x128xi32, #tpu.memory_space<hbm>> -> memref<1x20x128xi32, #tpu.memory_space<hbm>>
    %dma_start3A_77 = tpu.memref_squeeze %dma_start3A_76 : memref<1x20x128xi32, #tpu.memory_space<hbm>> -> memref<20x128xi32, #tpu.memory_space<hbm>>
    %dma_start3A_78 = tpu.memref_slice %arg13[%dma_start3A_64] : memref<2x!tpu.dma_semaphore, #tpu.memory_space<semaphore_mem>> -> memref<1x!tpu.dma_semaphore, #tpu.memory_space<semaphore_mem>>
    %dma_start3A_79 = tpu.memref_squeeze %dma_start3A_78 : memref<1x!tpu.dma_semaphore, #tpu.memory_space<semaphore_mem>> -> memref<!tpu.dma_semaphore, #tpu.memory_space<semaphore_mem>>
    %dma_start3A_80 = arith.constant 0 : i32
    %dma_start3A_81 = arith.constant 0 : i32
    %dma_start3A_82 = tpu.memref_slice %arg8[%dma_start3A_63, %dma_start3A_80, %dma_start3A_81] : memref<2x20x128xi32, #tpu.memory_space<vmem>> -> memref<1x20x128xi32, #tpu.memory_space<vmem>>
    %dma_start3A_83 = tpu.memref_squeeze %dma_start3A_82 : memref<1x20x128xi32, #tpu.memory_space<vmem>> -> memref<20x128xi32, #tpu.memory_space<vmem>>
    %dma_start3A_84 = arith.constant 0 : i32
    %dma_start3A_85 = arith.constant 0 : i32
    %dma_start3A_86 = arith.constant 0 : i32
    %dma_start3A_87 = tpu.memref_slice %arg3[%add3A, %dma_start3A_84, %dma_start3A_85, %dma_start3A_86] : memref<32x4x20x128xi32, #tpu.memory_space<hbm>> -> memref<1x4x20x128xi32, #tpu.memory_space<hbm>>
    %dma_start3A_88 = tpu.memref_squeeze %dma_start3A_87 : memref<1x4x20x128xi32, #tpu.memory_space<hbm>> -> memref<4x20x128xi32, #tpu.memory_space<hbm>>
    %dma_start3A_89 = arith.constant 0 : i32
    %dma_start3A_90 = arith.constant 0 : i32
    %dma_start3A_91 = tpu.memref_slice %dma_start3A_88[%dma_start3A_62, %dma_start3A_89, %dma_start3A_90] : memref<4x20x128xi32, #tpu.memory_space<hbm>> -> memref<1x20x128xi32, #tpu.memory_space<hbm>>
    %dma_start3A_92 = tpu.memref_squeeze %dma_start3A_91 : memref<1x20x128xi32, #tpu.memory_space<hbm>> -> memref<20x128xi32, #tpu.memory_space<hbm>>
    tpu.enqueue_dma source(%dma_start3A_92 : memref<20x128xi32, #tpu.memory_space<hbm>>) target(%dma_start3A_83 : memref<20x128xi32, #tpu.memory_space<vmem>>) target_semaphore(%dma_start3A_79 : memref<!tpu.dma_semaphore, #tpu.memory_space<semaphore_mem>>)
    %dma_start3A_93 = arith.constant 1 : i32
    %dma_start3A_94 = arith.constant 1 : i32
    %dma_start3A_95 = arith.constant 1 : i32
    %dma_start3A_96 = arith.constant 0 : i32
    %dma_start3A_97 = arith.constant 0 : i32
    %dma_start3A_98 = tpu.memref_slice %arg9[%dma_start3A_94, %dma_start3A_96, %dma_start3A_97] : memref<2x20x128xi32, #tpu.memory_space<vmem>> -> memref<1x20x128xi32, #tpu.memory_space<vmem>>
    %dma_start3A_99 = tpu.memref_squeeze %dma_start3A_98 : memref<1x20x128xi32, #tpu.memory_space<vmem>> -> memref<20x128xi32, #tpu.memory_space<vmem>>
    %dma_start3A_100 = arith.constant 0 : i32
    %dma_start3A_101 = arith.constant 0 : i32
    %dma_start3A_102 = arith.constant 0 : i32
    %dma_start3A_103 = tpu.memref_slice %arg4[%add3A, %dma_start3A_100, %dma_start3A_101, %dma_start3A_102] : memref<32x4x20x128xi32, #tpu.memory_space<hbm>> -> memref<1x4x20x128xi32, #tpu.memory_space<hbm>>
    %dma_start3A_104 = tpu.memref_squeeze %dma_start3A_103 : memref<1x4x20x128xi32, #tpu.memory_space<hbm>> -> memref<4x20x128xi32, #tpu.memory_space<hbm>>
    %dma_start3A_105 = arith.constant 0 : i32
    %dma_start3A_106 = arith.constant 0 : i32
    %dma_start3A_107 = tpu.memref_slice %dma_start3A_104[%dma_start3A_93, %dma_start3A_105, %dma_start3A_106] : memref<4x20x128xi32, #tpu.memory_space<hbm>> -> memref<1x20x128xi32, #tpu.memory_space<hbm>>
    %dma_start3A_108 = tpu.memref_squeeze %dma_start3A_107 : memref<1x20x128xi32, #tpu.memory_space<hbm>> -> memref<20x128xi32, #tpu.memory_space<hbm>>
    %dma_start3A_109 = tpu.memref_slice %arg13[%dma_start3A_95] : memref<2x!tpu.dma_semaphore, #tpu.memory_space<semaphore_mem>> -> memref<1x!tpu.dma_semaphore, #tpu.memory_space<semaphore_mem>>
    %dma_start3A_110 = tpu.memref_squeeze %dma_start3A_109 : memref<1x!tpu.dma_semaphore, #tpu.memory_space<semaphore_mem>> -> memref<!tpu.dma_semaphore, #tpu.memory_space<semaphore_mem>>
    %dma_start3A_111 = arith.constant 0 : i32
    %dma_start3A_112 = arith.constant 0 : i32
    %dma_start3A_113 = tpu.memref_slice %arg9[%dma_start3A_94, %dma_start3A_111, %dma_start3A_112] : memref<2x20x128xi32, #tpu.memory_space<vmem>> -> memref<1x20x128xi32, #tpu.memory_space<vmem>>
    %dma_start3A_114 = tpu.memref_squeeze %dma_start3A_113 : memref<1x20x128xi32, #tpu.memory_space<vmem>> -> memref<20x128xi32, #tpu.memory_space<vmem>>
    %dma_start3A_115 = arith.constant 0 : i32
    %dma_start3A_116 = arith.constant 0 : i32
    %dma_start3A_117 = arith.constant 0 : i32
    %dma_start3A_118 = tpu.memref_slice %arg4[%add3A, %dma_start3A_115, %dma_start3A_116, %dma_start3A_117] : memref<32x4x20x128xi32, #tpu.memory_space<hbm>> -> memref<1x4x20x128xi32, #tpu.memory_space<hbm>>
    %dma_start3A_119 = tpu.memref_squeeze %dma_start3A_118 : memref<1x4x20x128xi32, #tpu.memory_space<hbm>> -> memref<4x20x128xi32, #tpu.memory_space<hbm>>
    %dma_start3A_120 = arith.constant 0 : i32
    %dma_start3A_121 = arith.constant 0 : i32
    %dma_start3A_122 = tpu.memref_slice %dma_start3A_119[%dma_start3A_93, %dma_start3A_120, %dma_start3A_121] : memref<4x20x128xi32, #tpu.memory_space<hbm>> -> memref<1x20x128xi32, #tpu.memory_space<hbm>>
    %dma_start3A_123 = tpu.memref_squeeze %dma_start3A_122 : memref<1x20x128xi32, #tpu.memory_space<hbm>> -> memref<20x128xi32, #tpu.memory_space<hbm>>
    tpu.enqueue_dma source(%dma_start3A_123 : memref<20x128xi32, #tpu.memory_space<hbm>>) target(%dma_start3A_114 : memref<20x128xi32, #tpu.memory_space<vmem>>) target_semaphore(%dma_start3A_110 : memref<!tpu.dma_semaphore, #tpu.memory_space<semaphore_mem>>)
    %dma_wait3A = arith.constant 0 : i32
    %dma_wait3A_124 = arith.constant 0 : i32
    %dma_wait3A_125 = arith.constant 0 : i32
    %dma_wait3A_126 = arith.constant 0 : i32
    %dma_wait3A_127 = arith.constant 0 : i32
    %dma_wait3A_128 = tpu.memref_slice %arg8[%dma_wait3A_124, %dma_wait3A_126, %dma_wait3A_127] : memref<2x20x128xi32, #tpu.memory_space<vmem>> -> memref<1x20x128xi32, #tpu.memory_space<vmem>>
    %dma_wait3A_129 = tpu.memref_squeeze %dma_wait3A_128 : memref<1x20x128xi32, #tpu.memory_space<vmem>> -> memref<20x128xi32, #tpu.memory_space<vmem>>
    %dma_wait3A_130 = arith.constant 0 : i32
    %dma_wait3A_131 = arith.constant 0 : i32
    %dma_wait3A_132 = arith.constant 0 : i32
    %dma_wait3A_133 = tpu.memref_slice %arg3[%add3A, %dma_wait3A_130, %dma_wait3A_131, %dma_wait3A_132] : memref<32x4x20x128xi32, #tpu.memory_space<hbm>> -> memref<1x4x20x128xi32, #tpu.memory_space<hbm>>
    %dma_wait3A_134 = tpu.memref_squeeze %dma_wait3A_133 : memref<1x4x20x128xi32, #tpu.memory_space<hbm>> -> memref<4x20x128xi32, #tpu.memory_space<hbm>>
    %dma_wait3A_135 = arith.constant 0 : i32
    %dma_wait3A_136 = arith.constant 0 : i32
    %dma_wait3A_137 = tpu.memref_slice %dma_wait3A_134[%dma_wait3A, %dma_wait3A_135, %dma_wait3A_136] : memref<4x20x128xi32, #tpu.memory_space<hbm>> -> memref<1x20x128xi32, #tpu.memory_space<hbm>>
    %dma_wait3A_138 = tpu.memref_squeeze %dma_wait3A_137 : memref<1x20x128xi32, #tpu.memory_space<hbm>> -> memref<20x128xi32, #tpu.memory_space<hbm>>
    %dma_wait3A_139 = tpu.memref_slice %arg13[%dma_wait3A_125] : memref<2x!tpu.dma_semaphore, #tpu.memory_space<semaphore_mem>> -> memref<1x!tpu.dma_semaphore, #tpu.memory_space<semaphore_mem>>
    %dma_wait3A_140 = tpu.memref_squeeze %dma_wait3A_139 : memref<1x!tpu.dma_semaphore, #tpu.memory_space<semaphore_mem>> -> memref<!tpu.dma_semaphore, #tpu.memory_space<semaphore_mem>>
    %dma_wait3A_141 = arith.constant 0 : i32
    %dma_wait3A_142 = arith.constant 0 : i32
    %dma_wait3A_143 = tpu.memref_slice %arg8[%dma_wait3A_124, %dma_wait3A_141, %dma_wait3A_142] : memref<2x20x128xi32, #tpu.memory_space<vmem>> -> memref<1x20x128xi32, #tpu.memory_space<vmem>>
    %dma_wait3A_144 = tpu.memref_squeeze %dma_wait3A_143 : memref<1x20x128xi32, #tpu.memory_space<vmem>> -> memref<20x128xi32, #tpu.memory_space<vmem>>
    %dma_wait3A_145 = arith.constant 0 : i32
    %dma_wait3A_146 = arith.constant 0 : i32
    %dma_wait3A_147 = arith.constant 0 : i32
    %dma_wait3A_148 = tpu.memref_slice %arg3[%add3A, %dma_wait3A_145, %dma_wait3A_146, %dma_wait3A_147] : memref<32x4x20x128xi32, #tpu.memory_space<hbm>> -> memref<1x4x20x128xi32, #tpu.memory_space<hbm>>
    %dma_wait3A_149 = tpu.memref_squeeze %dma_wait3A_148 : memref<1x4x20x128xi32, #tpu.memory_space<hbm>> -> memref<4x20x128xi32, #tpu.memory_space<hbm>>
    %dma_wait3A_150 = arith.constant 0 : i32
    %dma_wait3A_151 = arith.constant 0 : i32
    %dma_wait3A_152 = tpu.memref_slice %dma_wait3A_149[%dma_wait3A, %dma_wait3A_150, %dma_wait3A_151] : memref<4x20x128xi32, #tpu.memory_space<hbm>> -> memref<1x20x128xi32, #tpu.memory_space<hbm>>
    %dma_wait3A_153 = tpu.memref_squeeze %dma_wait3A_152 : memref<1x20x128xi32, #tpu.memory_space<hbm>> -> memref<20x128xi32, #tpu.memory_space<hbm>>
    tpu.wait_dma2 semaphore(%dma_wait3A_140 : memref<!tpu.dma_semaphore, #tpu.memory_space<semaphore_mem>>) src(%dma_wait3A_153 : memref<20x128xi32, #tpu.memory_space<hbm>>) dst(%dma_wait3A_144 : memref<20x128xi32, #tpu.memory_space<vmem>>)
    %dma_wait3A_154 = arith.constant 0 : i32
    %dma_wait3A_155 = arith.constant 0 : i32
    %dma_wait3A_156 = arith.constant 0 : i32
    %dma_wait3A_157 = arith.constant 0 : i32
    %dma_wait3A_158 = arith.constant 0 : i32
    %dma_wait3A_159 = tpu.memref_slice %arg9[%dma_wait3A_155, %dma_wait3A_157, %dma_wait3A_158] : memref<2x20x128xi32, #tpu.memory_space<vmem>> -> memref<1x20x128xi32, #tpu.memory_space<vmem>>
    %dma_wait3A_160 = tpu.memref_squeeze %dma_wait3A_159 : memref<1x20x128xi32, #tpu.memory_space<vmem>> -> memref<20x128xi32, #tpu.memory_space<vmem>>
    %dma_wait3A_161 = arith.constant 0 : i32
    %dma_wait3A_162 = arith.constant 0 : i32
    %dma_wait3A_163 = arith.constant 0 : i32
    %dma_wait3A_164 = tpu.memref_slice %arg4[%add3A, %dma_wait3A_161, %dma_wait3A_162, %dma_wait3A_163] : memref<32x4x20x128xi32, #tpu.memory_space<hbm>> -> memref<1x4x20x128xi32, #tpu.memory_space<hbm>>
    %dma_wait3A_165 = tpu.memref_squeeze %dma_wait3A_164 : memref<1x4x20x128xi32, #tpu.memory_space<hbm>> -> memref<4x20x128xi32, #tpu.memory_space<hbm>>
    %dma_wait3A_166 = arith.constant 0 : i32
    %dma_wait3A_167 = arith.constant 0 : i32
    %dma_wait3A_168 = tpu.memref_slice %dma_wait3A_165[%dma_wait3A_154, %dma_wait3A_166, %dma_wait3A_167] : memref<4x20x128xi32, #tpu.memory_space<hbm>> -> memref<1x20x128xi32, #tpu.memory_space<hbm>>
    %dma_wait3A_169 = tpu.memref_squeeze %dma_wait3A_168 : memref<1x20x128xi32, #tpu.memory_space<hbm>> -> memref<20x128xi32, #tpu.memory_space<hbm>>
    %dma_wait3A_170 = tpu.memref_slice %arg13[%dma_wait3A_156] : memref<2x!tpu.dma_semaphore, #tpu.memory_space<semaphore_mem>> -> memref<1x!tpu.dma_semaphore, #tpu.memory_space<semaphore_mem>>
    %dma_wait3A_171 = tpu.memref_squeeze %dma_wait3A_170 : memref<1x!tpu.dma_semaphore, #tpu.memory_space<semaphore_mem>> -> memref<!tpu.dma_semaphore, #tpu.memory_space<semaphore_mem>>
    %dma_wait3A_172 = arith.constant 0 : i32
    %dma_wait3A_173 = arith.constant 0 : i32
    %dma_wait3A_174 = tpu.memref_slice %arg9[%dma_wait3A_155, %dma_wait3A_172, %dma_wait3A_173] : memref<2x20x128xi32, #tpu.memory_space<vmem>> -> memref<1x20x128xi32, #tpu.memory_space<vmem>>
    %dma_wait3A_175 = tpu.memref_squeeze %dma_wait3A_174 : memref<1x20x128xi32, #tpu.memory_space<vmem>> -> memref<20x128xi32, #tpu.memory_space<vmem>>
    %dma_wait3A_176 = arith.constant 0 : i32
    %dma_wait3A_177 = arith.constant 0 : i32
    %dma_wait3A_178 = arith.constant 0 : i32
    %dma_wait3A_179 = tpu.memref_slice %arg4[%add3A, %dma_wait3A_176, %dma_wait3A_177, %dma_wait3A_178] : memref<32x4x20x128xi32, #tpu.memory_space<hbm>> -> memref<1x4x20x128xi32, #tpu.memory_space<hbm>>
    %dma_wait3A_180 = tpu.memref_squeeze %dma_wait3A_179 : memref<1x4x20x128xi32, #tpu.memory_space<hbm>> -> memref<4x20x128xi32, #tpu.memory_space<hbm>>
    %dma_wait3A_181 = arith.constant 0 : i32
    %dma_wait3A_182 = arith.constant 0 : i32
    %dma_wait3A_183 = tpu.memref_slice %dma_wait3A_180[%dma_wait3A_154, %dma_wait3A_181, %dma_wait3A_182] : memref<4x20x128xi32, #tpu.memory_space<hbm>> -> memref<1x20x128xi32, #tpu.memory_space<hbm>>
    %dma_wait3A_184 = tpu.memref_squeeze %dma_wait3A_183 : memref<1x20x128xi32, #tpu.memory_space<hbm>> -> memref<20x128xi32, #tpu.memory_space<hbm>>
    tpu.wait_dma2 semaphore(%dma_wait3A_171 : memref<!tpu.dma_semaphore, #tpu.memory_space<semaphore_mem>>) src(%dma_wait3A_184 : memref<20x128xi32, #tpu.memory_space<hbm>>) dst(%dma_wait3A_175 : memref<20x128xi32, #tpu.memory_space<vmem>>)
    %dma_start3A_185 = arith.constant 0 : i32
    %dma_start3A_186 = arith.constant 0 : i32
    %dma_start3A_187 = arith.constant 0 : i32
    %dma_start3A_188 = arith.constant 0 : i32
    %dma_start3A_189 = arith.constant 0 : i32
    %dma_start3A_190 = arith.constant 0 : i32
    %dma_start3A_191 = tpu.memref_slice %arg10[%dma_start3A_187, %dma_start3A_189, %dma_start3A_190] : memref<2x128x128xf32, #tpu.memory_space<vmem>> -> memref<1x128x128xf32, #tpu.memory_space<vmem>>
    %dma_start3A_192 = tpu.memref_squeeze %dma_start3A_191 : memref<1x128x128xf32, #tpu.memory_space<vmem>> -> memref<128x128xf32, #tpu.memory_space<vmem>>
    %dma_start3A_193 = arith.constant 0 : i32
    %dma_start3A_194 = arith.constant 0 : i32
    %dma_start3A_195 = tpu.memref_slice %arg8[%dma_start3A_185, %dma_start3A_193, %dma_start3A_194] : memref<2x20x128xi32, #tpu.memory_space<vmem>> -> memref<1x20x128xi32, #tpu.memory_space<vmem>>
    %dma_start3A_196 = tpu.memref_squeeze %dma_start3A_195 : memref<1x20x128xi32, #tpu.memory_space<vmem>> -> memref<20x128xi32, #tpu.memory_space<vmem>>
    %dma_start3A_197 = arith.constant 0 : i32
    %dma_start3A_198 = tpu.memref_slice %dma_start3A_196[%dma_start3A_186, %dma_start3A_197] : memref<20x128xi32, #tpu.memory_space<vmem>> -> memref<1x128xi32, #tpu.memory_space<vmem>>
    %dma_start3A_199 = tpu.memref_squeeze %dma_start3A_198 : memref<1x128xi32, #tpu.memory_space<vmem>> -> memref<128xi32, #tpu.memory_space<vmem>>
    %dma_start3A_200 = arith.constant 0 : i32
    %dma_start3A_201 = arith.constant 0 : i32
    %dma_start3A_202 = tpu.memref_slice %arg2[%dma_start3A_200, %dma_start3A_201] : memref<10000x128xf32, #tpu.memory_space<hbm>> -> memref<10000x128xf32, #tpu.memory_space<hbm>>
    %dma_start3A_203 = tpu.memref_slice %arg12[%dma_start3A_188] : memref<2x!tpu.dma_semaphore, #tpu.memory_space<semaphore_mem>> -> memref<1x!tpu.dma_semaphore, #tpu.memory_space<semaphore_mem>>
    %dma_start3A_204 = tpu.memref_squeeze %dma_start3A_203 : memref<1x!tpu.dma_semaphore, #tpu.memory_space<semaphore_mem>> -> memref<!tpu.dma_semaphore, #tpu.memory_space<semaphore_mem>>
    tpu.enqueue_indirect_dma source(%dma_start3A_202 : memref<10000x128xf32, #tpu.memory_space<hbm>>) target(%dma_start3A_192 : memref<128x128xf32, #tpu.memory_space<vmem>>) offsets(%dma_start3A_199 : memref<128xi32, #tpu.memory_space<vmem>>) semaphore(%dma_start3A_204 : memref<!tpu.dma_semaphore, #tpu.memory_space<semaphore_mem>>)
    %dma_start3A_205 = arith.constant 0 : i32
    %dma_start3A_206 = arith.constant 1 : i32
    %dma_start3A_207 = arith.constant 1 : i32
    %dma_start3A_208 = arith.constant 1 : i32
    %dma_start3A_209 = arith.constant 0 : i32
    %dma_start3A_210 = arith.constant 0 : i32
    %dma_start3A_211 = tpu.memref_slice %arg10[%dma_start3A_207, %dma_start3A_209, %dma_start3A_210] : memref<2x128x128xf32, #tpu.memory_space<vmem>> -> memref<1x128x128xf32, #tpu.memory_space<vmem>>
    %dma_start3A_212 = tpu.memref_squeeze %dma_start3A_211 : memref<1x128x128xf32, #tpu.memory_space<vmem>> -> memref<128x128xf32, #tpu.memory_space<vmem>>
    %dma_start3A_213 = arith.constant 0 : i32
    %dma_start3A_214 = arith.constant 0 : i32
    %dma_start3A_215 = tpu.memref_slice %arg8[%dma_start3A_205, %dma_start3A_213, %dma_start3A_214] : memref<2x20x128xi32, #tpu.memory_space<vmem>> -> memref<1x20x128xi32, #tpu.memory_space<vmem>>
    %dma_start3A_216 = tpu.memref_squeeze %dma_start3A_215 : memref<1x20x128xi32, #tpu.memory_space<vmem>> -> memref<20x128xi32, #tpu.memory_space<vmem>>
    %dma_start3A_217 = arith.constant 0 : i32
    %dma_start3A_218 = tpu.memref_slice %dma_start3A_216[%dma_start3A_206, %dma_start3A_217] : memref<20x128xi32, #tpu.memory_space<vmem>> -> memref<1x128xi32, #tpu.memory_space<vmem>>
    %dma_start3A_219 = tpu.memref_squeeze %dma_start3A_218 : memref<1x128xi32, #tpu.memory_space<vmem>> -> memref<128xi32, #tpu.memory_space<vmem>>
    %dma_start3A_220 = arith.constant 0 : i32
    %dma_start3A_221 = arith.constant 0 : i32
    %dma_start3A_222 = tpu.memref_slice %arg2[%dma_start3A_220, %dma_start3A_221] : memref<10000x128xf32, #tpu.memory_space<hbm>> -> memref<10000x128xf32, #tpu.memory_space<hbm>>
    %dma_start3A_223 = tpu.memref_slice %arg12[%dma_start3A_208] : memref<2x!tpu.dma_semaphore, #tpu.memory_space<semaphore_mem>> -> memref<1x!tpu.dma_semaphore, #tpu.memory_space<semaphore_mem>>
    %dma_start3A_224 = tpu.memref_squeeze %dma_start3A_223 : memref<1x!tpu.dma_semaphore, #tpu.memory_space<semaphore_mem>> -> memref<!tpu.dma_semaphore, #tpu.memory_space<semaphore_mem>>
    tpu.enqueue_indirect_dma source(%dma_start3A_222 : memref<10000x128xf32, #tpu.memory_space<hbm>>) target(%dma_start3A_212 : memref<128x128xf32, #tpu.memory_space<vmem>>) offsets(%dma_start3A_219 : memref<128xi32, #tpu.memory_space<vmem>>) semaphore(%dma_start3A_224 : memref<!tpu.dma_semaphore, #tpu.memory_space<semaphore_mem>>)
    %mul3A_225 = arith.constant 632 : i32
    %mul3A_226 = arith.muli %arg1, %mul3A_225 : i32
    %mul3A_227 = arith.constant 632 : i32
    %mul3A_228 = arith.muli %arg1, %mul3A_227 : i32
    "tpu.region"() ({
      %run_scoped3A = tpu.sem_alloc : memref<!tpu.dma_semaphore, #tpu.memory_space<semaphore_mem>>
      %dma_start3A_242 = arith.constant 0 : i32
      %dma_start3A_243 = tpu.memref_slice %arg11[%mul3A_228, %dma_start3A_242] : memref<10112x128xf32, #tpu.memory_space<vmem_shared>> -> memref<632x128xf32, #tpu.memory_space<vmem_shared>>
      %dma_start3A_244 = arith.constant 0 : i32
      %dma_start3A_245 = tpu.memref_slice %arg5[%mul3A_226, %dma_start3A_244] : memref<10112x128xf32, #tpu.memory_space<hbm>> -> memref<632x128xf32, #tpu.memory_space<hbm>>
      tpu.enqueue_dma source(%dma_start3A_245 : memref<632x128xf32, #tpu.memory_space<hbm>>) target(%dma_start3A_243 : memref<632x128xf32, #tpu.memory_space<vmem_shared>>) target_semaphore(%run_scoped3A : memref<!tpu.dma_semaphore, #tpu.memory_space<semaphore_mem>>)
      %dma_wait3A_246 = arith.constant 0 : i32
      %dma_wait3A_247 = tpu.memref_slice %arg11[%mul3A_228, %dma_wait3A_246] : memref<10112x128xf32, #tpu.memory_space<vmem_shared>> -> memref<632x128xf32, #tpu.memory_space<vmem_shared>>
      %dma_wait3A_248 = arith.constant 0 : i32
      %dma_wait3A_249 = tpu.memref_slice %arg5[%mul3A_226, %dma_wait3A_248] : memref<10112x128xf32, #tpu.memory_space<hbm>> -> memref<632x128xf32, #tpu.memory_space<hbm>>
      tpu.wait_dma2 semaphore(%run_scoped3A : memref<!tpu.dma_semaphore, #tpu.memory_space<semaphore_mem>>) src(%dma_wait3A_249 : memref<632x128xf32, #tpu.memory_space<hbm>>) dst(%dma_wait3A_247 : memref<632x128xf32, #tpu.memory_space<vmem_shared>>)
      tpu.yield
    }) : () -> ()
    %barrier3A = arith.constant 0 : index
    tpu.barrier barrier_id(%barrier3A)
    %scan3A = arith.constant 0 : i32
    %scan3A_229 = arith.constant 0 : i32
    %scan3A_230 = arith.constant 80 : i32
    %scan3A_231 = arith.addi %scan3A_229, %scan3A_230 : i32
    %scan3A_232 = arith.constant 1 : i32
    scf.for %scan3A_242 = %scan3A_229 to %scan3A_231 step %scan3A_232  : i32 {
      %rem3A = arith.constant 2 : i32
      %rem3A_243 = arith.remsi %scan3A_242, %rem3A : i32
      %div3A = arith.constant 20 : i32
      %div3A_244 = arith.divsi %scan3A_242, %div3A : i32
      %rem3A_245 = arith.constant 2 : i32
      %rem3A_246 = arith.remsi %div3A_244, %rem3A_245 : i32
      %rem3A_247 = arith.constant 20 : i32
      %rem3A_248 = arith.remsi %scan3A_242, %rem3A_247 : i32
      %dma_wait3A_249 = arith.constant 0 : i32
      %dma_wait3A_250 = arith.constant 0 : i32
      %dma_wait3A_251 = tpu.memref_slice %arg10[%rem3A_243, %dma_wait3A_249, %dma_wait3A_250] : memref<2x128x128xf32, #tpu.memory_space<vmem>> -> memref<1x128x128xf32, #tpu.memory_space<vmem>>
      %dma_wait3A_252 = tpu.memref_squeeze %dma_wait3A_251 : memref<1x128x128xf32, #tpu.memory_space<vmem>> -> memref<128x128xf32, #tpu.memory_space<vmem>>
      %dma_wait3A_253 = arith.constant 0 : i32
      %dma_wait3A_254 = arith.constant 0 : i32
      %dma_wait3A_255 = tpu.memref_slice %arg8[%rem3A_246, %dma_wait3A_253, %dma_wait3A_254] : memref<2x20x128xi32, #tpu.memory_space<vmem>> -> memref<1x20x128xi32, #tpu.memory_space<vmem>>
      %dma_wait3A_256 = tpu.memref_squeeze %dma_wait3A_255 : memref<1x20x128xi32, #tpu.memory_space<vmem>> -> memref<20x128xi32, #tpu.memory_space<vmem>>
      %dma_wait3A_257 = arith.constant 0 : i32
      %dma_wait3A_258 = tpu.memref_slice %dma_wait3A_256[%rem3A_248, %dma_wait3A_257] : memref<20x128xi32, #tpu.memory_space<vmem>> -> memref<1x128xi32, #tpu.memory_space<vmem>>
      %dma_wait3A_259 = tpu.memref_squeeze %dma_wait3A_258 : memref<1x128xi32, #tpu.memory_space<vmem>> -> memref<128xi32, #tpu.memory_space<vmem>>
      %dma_wait3A_260 = arith.constant 0 : i32
      %dma_wait3A_261 = arith.constant 0 : i32
      %dma_wait3A_262 = tpu.memref_slice %arg2[%dma_wait3A_260, %dma_wait3A_261] : memref<10000x128xf32, #tpu.memory_space<hbm>> -> memref<10000x128xf32, #tpu.memory_space<hbm>>
      %dma_wait3A_263 = tpu.memref_slice %arg12[%rem3A_243] : memref<2x!tpu.dma_semaphore, #tpu.memory_space<semaphore_mem>> -> memref<1x!tpu.dma_semaphore, #tpu.memory_space<semaphore_mem>>
      %dma_wait3A_264 = tpu.memref_squeeze %dma_wait3A_263 : memref<1x!tpu.dma_semaphore, #tpu.memory_space<semaphore_mem>> -> memref<!tpu.dma_semaphore, #tpu.memory_space<semaphore_mem>>
      tpu.wait_indirect_dma semaphore(%dma_wait3A_264 : memref<!tpu.dma_semaphore, #tpu.memory_space<semaphore_mem>>) src(%dma_wait3A_262 : memref<10000x128xf32, #tpu.memory_space<hbm>>) dst(%dma_wait3A_252 : memref<128x128xf32, #tpu.memory_space<vmem>>)
      %add3A_265 = arith.constant 2 : i32
      %add3A_266 = arith.addi %scan3A_242, %add3A_265 : i32
      %lt3A = arith.constant 80 : i32
      %lt3A_267 = arith.cmpi slt, %add3A_266, %lt3A : i32
      %convert_element_type3A_268 = arith.extui %lt3A_267 : i1 to i32
      %cond3A_269 = arith.constant 0 : i32
      %cond3A_270 = arith.cmpi ne, %convert_element_type3A_268, %cond3A_269 : i32
      scf.if %cond3A_270 {
        %add3A_282 = arith.constant 2 : i32
        %add3A_283 = arith.addi %scan3A_242, %add3A_282 : i32
        %div3A_284 = arith.constant 20 : i32
        %div3A_285 = arith.divsi %add3A_283, %div3A_284 : i32
        %rem3A_286 = arith.constant 2 : i32
        %rem3A_287 = arith.remsi %div3A_285, %rem3A_286 : i32
        %rem3A_288 = arith.constant 20 : i32
        %rem3A_289 = arith.remsi %add3A_283, %rem3A_288 : i32
        %eq3A_290 = arith.constant 0 : i32
        %eq3A_291 = arith.cmpi eq, %rem3A_289, %eq3A_290 : i32
        %convert_element_type3A_292 = arith.extui %eq3A_291 : i1 to i32
        %cond3A_293 = arith.constant 0 : i32
        %cond3A_294 = arith.cmpi ne, %convert_element_type3A_292, %cond3A_293 : i32
        scf.if %cond3A_294 {
          %div3A_313 = arith.constant 20 : i32
          %div3A_314 = arith.divsi %add3A_283, %div3A_313 : i32
          %dma_wait3A_315 = arith.constant 0 : i32
          %dma_wait3A_316 = arith.constant 0 : i32
          %dma_wait3A_317 = tpu.memref_slice %arg8[%rem3A_287, %dma_wait3A_315, %dma_wait3A_316] : memref<2x20x128xi32, #tpu.memory_space<vmem>> -> memref<1x20x128xi32, #tpu.memory_space<vmem>>
          %dma_wait3A_318 = tpu.memref_squeeze %dma_wait3A_317 : memref<1x20x128xi32, #tpu.memory_space<vmem>> -> memref<20x128xi32, #tpu.memory_space<vmem>>
          %dma_wait3A_319 = arith.constant 0 : i32
          %dma_wait3A_320 = arith.constant 0 : i32
          %dma_wait3A_321 = arith.constant 0 : i32
          %dma_wait3A_322 = tpu.memref_slice %arg3[%add3A, %dma_wait3A_319, %dma_wait3A_320, %dma_wait3A_321] : memref<32x4x20x128xi32, #tpu.memory_space<hbm>> -> memref<1x4x20x128xi32, #tpu.memory_space<hbm>>
          %dma_wait3A_323 = tpu.memref_squeeze %dma_wait3A_322 : memref<1x4x20x128xi32, #tpu.memory_space<hbm>> -> memref<4x20x128xi32, #tpu.memory_space<hbm>>
          %dma_wait3A_324 = arith.constant 0 : i32
          %dma_wait3A_325 = arith.constant 0 : i32
          %dma_wait3A_326 = tpu.memref_slice %dma_wait3A_323[%div3A_314, %dma_wait3A_324, %dma_wait3A_325] : memref<4x20x128xi32, #tpu.memory_space<hbm>> -> memref<1x20x128xi32, #tpu.memory_space<hbm>>
          %dma_wait3A_327 = tpu.memref_squeeze %dma_wait3A_326 : memref<1x20x128xi32, #tpu.memory_space<hbm>> -> memref<20x128xi32, #tpu.memory_space<hbm>>
          %dma_wait3A_328 = tpu.memref_slice %arg13[%rem3A_287] : memref<2x!tpu.dma_semaphore, #tpu.memory_space<semaphore_mem>> -> memref<1x!tpu.dma_semaphore, #tpu.memory_space<semaphore_mem>>
          %dma_wait3A_329 = tpu.memref_squeeze %dma_wait3A_328 : memref<1x!tpu.dma_semaphore, #tpu.memory_space<semaphore_mem>> -> memref<!tpu.dma_semaphore, #tpu.memory_space<semaphore_mem>>
          %dma_wait3A_330 = arith.constant 0 : i32
          %dma_wait3A_331 = arith.constant 0 : i32
          %dma_wait3A_332 = tpu.memref_slice %arg8[%rem3A_287, %dma_wait3A_330, %dma_wait3A_331] : memref<2x20x128xi32, #tpu.memory_space<vmem>> -> memref<1x20x128xi32, #tpu.memory_space<vmem>>
          %dma_wait3A_333 = tpu.memref_squeeze %dma_wait3A_332 : memref<1x20x128xi32, #tpu.memory_space<vmem>> -> memref<20x128xi32, #tpu.memory_space<vmem>>
          %dma_wait3A_334 = arith.constant 0 : i32
          %dma_wait3A_335 = arith.constant 0 : i32
          %dma_wait3A_336 = arith.constant 0 : i32
          %dma_wait3A_337 = tpu.memref_slice %arg3[%add3A, %dma_wait3A_334, %dma_wait3A_335, %dma_wait3A_336] : memref<32x4x20x128xi32, #tpu.memory_space<hbm>> -> memref<1x4x20x128xi32, #tpu.memory_space<hbm>>
          %dma_wait3A_338 = tpu.memref_squeeze %dma_wait3A_337 : memref<1x4x20x128xi32, #tpu.memory_space<hbm>> -> memref<4x20x128xi32, #tpu.memory_space<hbm>>
          %dma_wait3A_339 = arith.constant 0 : i32
          %dma_wait3A_340 = arith.constant 0 : i32
          %dma_wait3A_341 = tpu.memref_slice %dma_wait3A_338[%div3A_314, %dma_wait3A_339, %dma_wait3A_340] : memref<4x20x128xi32, #tpu.memory_space<hbm>> -> memref<1x20x128xi32, #tpu.memory_space<hbm>>
          %dma_wait3A_342 = tpu.memref_squeeze %dma_wait3A_341 : memref<1x20x128xi32, #tpu.memory_space<hbm>> -> memref<20x128xi32, #tpu.memory_space<hbm>>
          tpu.wait_dma2 semaphore(%dma_wait3A_329 : memref<!tpu.dma_semaphore, #tpu.memory_space<semaphore_mem>>) src(%dma_wait3A_342 : memref<20x128xi32, #tpu.memory_space<hbm>>) dst(%dma_wait3A_333 : memref<20x128xi32, #tpu.memory_space<vmem>>)
          %dma_wait3A_343 = arith.constant 0 : i32
          %dma_wait3A_344 = arith.constant 0 : i32
          %dma_wait3A_345 = tpu.memref_slice %arg9[%rem3A_287, %dma_wait3A_343, %dma_wait3A_344] : memref<2x20x128xi32, #tpu.memory_space<vmem>> -> memref<1x20x128xi32, #tpu.memory_space<vmem>>
          %dma_wait3A_346 = tpu.memref_squeeze %dma_wait3A_345 : memref<1x20x128xi32, #tpu.memory_space<vmem>> -> memref<20x128xi32, #tpu.memory_space<vmem>>
          %dma_wait3A_347 = arith.constant 0 : i32
          %dma_wait3A_348 = arith.constant 0 : i32
          %dma_wait3A_349 = arith.constant 0 : i32
          %dma_wait3A_350 = tpu.memref_slice %arg4[%add3A, %dma_wait3A_347, %dma_wait3A_348, %dma_wait3A_349] : memref<32x4x20x128xi32, #tpu.memory_space<hbm>> -> memref<1x4x20x128xi32, #tpu.memory_space<hbm>>
          %dma_wait3A_351 = tpu.memref_squeeze %dma_wait3A_350 : memref<1x4x20x128xi32, #tpu.memory_space<hbm>> -> memref<4x20x128xi32, #tpu.memory_space<hbm>>
          %dma_wait3A_352 = arith.constant 0 : i32
          %dma_wait3A_353 = arith.constant 0 : i32
          %dma_wait3A_354 = tpu.memref_slice %dma_wait3A_351[%div3A_314, %dma_wait3A_352, %dma_wait3A_353] : memref<4x20x128xi32, #tpu.memory_space<hbm>> -> memref<1x20x128xi32, #tpu.memory_space<hbm>>
          %dma_wait3A_355 = tpu.memref_squeeze %dma_wait3A_354 : memref<1x20x128xi32, #tpu.memory_space<hbm>> -> memref<20x128xi32, #tpu.memory_space<hbm>>
          %dma_wait3A_356 = tpu.memref_slice %arg13[%rem3A_287] : memref<2x!tpu.dma_semaphore, #tpu.memory_space<semaphore_mem>> -> memref<1x!tpu.dma_semaphore, #tpu.memory_space<semaphore_mem>>
          %dma_wait3A_357 = tpu.memref_squeeze %dma_wait3A_356 : memref<1x!tpu.dma_semaphore, #tpu.memory_space<semaphore_mem>> -> memref<!tpu.dma_semaphore, #tpu.memory_space<semaphore_mem>>
          %dma_wait3A_358 = arith.constant 0 : i32
          %dma_wait3A_359 = arith.constant 0 : i32
          %dma_wait3A_360 = tpu.memref_slice %arg9[%rem3A_287, %dma_wait3A_358, %dma_wait3A_359] : memref<2x20x128xi32, #tpu.memory_space<vmem>> -> memref<1x20x128xi32, #tpu.memory_space<vmem>>
          %dma_wait3A_361 = tpu.memref_squeeze %dma_wait3A_360 : memref<1x20x128xi32, #tpu.memory_space<vmem>> -> memref<20x128xi32, #tpu.memory_space<vmem>>
          %dma_wait3A_362 = arith.constant 0 : i32
          %dma_wait3A_363 = arith.constant 0 : i32
          %dma_wait3A_364 = arith.constant 0 : i32
          %dma_wait3A_365 = tpu.memref_slice %arg4[%add3A, %dma_wait3A_362, %dma_wait3A_363, %dma_wait3A_364] : memref<32x4x20x128xi32, #tpu.memory_space<hbm>> -> memref<1x4x20x128xi32, #tpu.memory_space<hbm>>
          %dma_wait3A_366 = tpu.memref_squeeze %dma_wait3A_365 : memref<1x4x20x128xi32, #tpu.memory_space<hbm>> -> memref<4x20x128xi32, #tpu.memory_space<hbm>>
          %dma_wait3A_367 = arith.constant 0 : i32
          %dma_wait3A_368 = arith.constant 0 : i32
          %dma_wait3A_369 = tpu.memref_slice %dma_wait3A_366[%div3A_314, %dma_wait3A_367, %dma_wait3A_368] : memref<4x20x128xi32, #tpu.memory_space<hbm>> -> memref<1x20x128xi32, #tpu.memory_space<hbm>>
          %dma_wait3A_370 = tpu.memref_squeeze %dma_wait3A_369 : memref<1x20x128xi32, #tpu.memory_space<hbm>> -> memref<20x128xi32, #tpu.memory_space<hbm>>
          tpu.wait_dma2 semaphore(%dma_wait3A_357 : memref<!tpu.dma_semaphore, #tpu.memory_space<semaphore_mem>>) src(%dma_wait3A_370 : memref<20x128xi32, #tpu.memory_space<hbm>>) dst(%dma_wait3A_361 : memref<20x128xi32, #tpu.memory_space<vmem>>)
        } else {
        }
        %rem3A_295 = arith.constant 2 : i32
        %rem3A_296 = arith.remsi %add3A_283, %rem3A_295 : i32
        %dma_start3A_297 = arith.constant 0 : i32
        %dma_start3A_298 = arith.constant 0 : i32
        %dma_start3A_299 = tpu.memref_slice %arg10[%rem3A_296, %dma_start3A_297, %dma_start3A_298] : memref<2x128x128xf32, #tpu.memory_space<vmem>> -> memref<1x128x128xf32, #tpu.memory_space<vmem>>
        %dma_start3A_300 = tpu.memref_squeeze %dma_start3A_299 : memref<1x128x128xf32, #tpu.memory_space<vmem>> -> memref<128x128xf32, #tpu.memory_space<vmem>>
        %dma_start3A_301 = arith.constant 0 : i32
        %dma_start3A_302 = arith.constant 0 : i32
        %dma_start3A_303 = tpu.memref_slice %arg8[%rem3A_287, %dma_start3A_301, %dma_start3A_302] : memref<2x20x128xi32, #tpu.memory_space<vmem>> -> memref<1x20x128xi32, #tpu.memory_space<vmem>>
        %dma_start3A_304 = tpu.memref_squeeze %dma_start3A_303 : memref<1x20x128xi32, #tpu.memory_space<vmem>> -> memref<20x128xi32, #tpu.memory_space<vmem>>
        %dma_start3A_305 = arith.constant 0 : i32
        %dma_start3A_306 = tpu.memref_slice %dma_start3A_304[%rem3A_289, %dma_start3A_305] : memref<20x128xi32, #tpu.memory_space<vmem>> -> memref<1x128xi32, #tpu.memory_space<vmem>>
        %dma_start3A_307 = tpu.memref_squeeze %dma_start3A_306 : memref<1x128xi32, #tpu.memory_space<vmem>> -> memref<128xi32, #tpu.memory_space<vmem>>
        %dma_start3A_308 = arith.constant 0 : i32
        %dma_start3A_309 = arith.constant 0 : i32
        %dma_start3A_310 = tpu.memref_slice %arg2[%dma_start3A_308, %dma_start3A_309] : memref<10000x128xf32, #tpu.memory_space<hbm>> -> memref<10000x128xf32, #tpu.memory_space<hbm>>
        %dma_start3A_311 = tpu.memref_slice %arg12[%rem3A_296] : memref<2x!tpu.dma_semaphore, #tpu.memory_space<semaphore_mem>> -> memref<1x!tpu.dma_semaphore, #tpu.memory_space<semaphore_mem>>
        %dma_start3A_312 = tpu.memref_squeeze %dma_start3A_311 : memref<1x!tpu.dma_semaphore, #tpu.memory_space<semaphore_mem>> -> memref<!tpu.dma_semaphore, #tpu.memory_space<semaphore_mem>>
        tpu.enqueue_indirect_dma source(%dma_start3A_310 : memref<10000x128xf32, #tpu.memory_space<hbm>>) target(%dma_start3A_300 : memref<128x128xf32, #tpu.memory_space<vmem>>) offsets(%dma_start3A_307 : memref<128xi32, #tpu.memory_space<vmem>>) semaphore(%dma_start3A_312 : memref<!tpu.dma_semaphore, #tpu.memory_space<semaphore_mem>>)
      } else {
      }
      "tpu.region"() ({
        %run_scoped3A = tpu.sem_alloc : memref<!tpu.dma_semaphore, #tpu.memory_space<semaphore_mem>>
        %dma_start3A_282 = arith.constant 0 : i32
        %dma_start3A_283 = arith.constant 0 : i32
        %dma_start3A_284 = tpu.memref_slice %arg10[%rem3A_243, %dma_start3A_282, %dma_start3A_283] : memref<2x128x128xf32, #tpu.memory_space<vmem>> -> memref<1x128x128xf32, #tpu.memory_space<vmem>>
        %dma_start3A_285 = tpu.memref_squeeze %dma_start3A_284 : memref<1x128x128xf32, #tpu.memory_space<vmem>> -> memref<128x128xf32, #tpu.memory_space<vmem>>
        %dma_start3A_286 = arith.constant 0 : i32
        %dma_start3A_287 = arith.constant 0 : i32
        %dma_start3A_288 = tpu.memref_slice %arg9[%rem3A_246, %dma_start3A_286, %dma_start3A_287] : memref<2x20x128xi32, #tpu.memory_space<vmem>> -> memref<1x20x128xi32, #tpu.memory_space<vmem>>
        %dma_start3A_289 = tpu.memref_squeeze %dma_start3A_288 : memref<1x20x128xi32, #tpu.memory_space<vmem>> -> memref<20x128xi32, #tpu.memory_space<vmem>>
        %dma_start3A_290 = arith.constant 0 : i32
        %dma_start3A_291 = tpu.memref_slice %dma_start3A_289[%rem3A_248, %dma_start3A_290] : memref<20x128xi32, #tpu.memory_space<vmem>> -> memref<1x128xi32, #tpu.memory_space<vmem>>
        %dma_start3A_292 = tpu.memref_squeeze %dma_start3A_291 : memref<1x128xi32, #tpu.memory_space<vmem>> -> memref<128xi32, #tpu.memory_space<vmem>>
        %dma_start3A_293 = arith.constant 0 : i32
        %dma_start3A_294 = arith.constant 0 : i32
        %dma_start3A_295 = tpu.memref_slice %arg11[%dma_start3A_293, %dma_start3A_294] : memref<10112x128xf32, #tpu.memory_space<vmem_shared>> -> memref<10112x128xf32, #tpu.memory_space<vmem_shared>>
        tpu.enqueue_indirect_dma source(%dma_start3A_285 : memref<128x128xf32, #tpu.memory_space<vmem>>) target(%dma_start3A_295 : memref<10112x128xf32, #tpu.memory_space<vmem_shared>>) offsets(%dma_start3A_292 : memref<128xi32, #tpu.memory_space<vmem>>) semaphore(%run_scoped3A : memref<!tpu.dma_semaphore, #tpu.memory_space<semaphore_mem>>) {add = true}
        %dma_wait3A_296 = arith.constant 0 : i32
        %dma_wait3A_297 = arith.constant 0 : i32
        %dma_wait3A_298 = tpu.memref_slice %arg10[%rem3A_243, %dma_wait3A_296, %dma_wait3A_297] : memref<2x128x128xf32, #tpu.memory_space<vmem>> -> memref<1x128x128xf32, #tpu.memory_space<vmem>>
        %dma_wait3A_299 = tpu.memref_squeeze %dma_wait3A_298 : memref<1x128x128xf32, #tpu.memory_space<vmem>> -> memref<128x128xf32, #tpu.memory_space<vmem>>
        %dma_wait3A_300 = arith.constant 0 : i32
        %dma_wait3A_301 = arith.constant 0 : i32
        %dma_wait3A_302 = tpu.memref_slice %arg9[%rem3A_246, %dma_wait3A_300, %dma_wait3A_301] : memref<2x20x128xi32, #tpu.memory_space<vmem>> -> memref<1x20x128xi32, #tpu.memory_space<vmem>>
        %dma_wait3A_303 = tpu.memref_squeeze %dma_wait3A_302 : memref<1x20x128xi32, #tpu.memory_space<vmem>> -> memref<20x128xi32, #tpu.memory_space<vmem>>
        %dma_wait3A_304 = arith.constant 0 : i32
        %dma_wait3A_305 = tpu.memref_slice %dma_wait3A_303[%rem3A_248, %dma_wait3A_304] : memref<20x128xi32, #tpu.memory_space<vmem>> -> memref<1x128xi32, #tpu.memory_space<vmem>>
        %dma_wait3A_306 = tpu.memref_squeeze %dma_wait3A_305 : memref<1x128xi32, #tpu.memory_space<vmem>> -> memref<128xi32, #tpu.memory_space<vmem>>
        %dma_wait3A_307 = arith.constant 0 : i32
        %dma_wait3A_308 = arith.constant 0 : i32
        %dma_wait3A_309 = tpu.memref_slice %arg11[%dma_wait3A_307, %dma_wait3A_308] : memref<10112x128xf32, #tpu.memory_space<vmem_shared>> -> memref<10112x128xf32, #tpu.memory_space<vmem_shared>>
        tpu.wait_indirect_dma semaphore(%run_scoped3A : memref<!tpu.dma_semaphore, #tpu.memory_space<semaphore_mem>>) src(%dma_wait3A_299 : memref<128x128xf32, #tpu.memory_space<vmem>>) dst(%dma_wait3A_309 : memref<10112x128xf32, #tpu.memory_space<vmem_shared>>)
        tpu.yield
      }) : () -> ()
      %eq3A_271 = arith.constant 0 : i32
      %eq3A_272 = arith.cmpi eq, %rem3A_248, %eq3A_271 : i32
      %ge3A = arith.constant 20 : i32
      %ge3A_273 = arith.cmpi sge, %scan3A_242, %ge3A : i32
      %and3A = arith.andi %eq3A_272, %ge3A_273 : i1
      %add3A_274 = arith.constant 1 : i32
      %add3A_275 = arith.addi %div3A_244, %add3A_274 : i32
      %lt3A_276 = arith.constant 4 : i32
      %lt3A_277 = arith.cmpi slt, %add3A_275, %lt3A_276 : i32
      %and3A_278 = arith.andi %and3A, %lt3A_277 : i1
      %convert_element_type3A_279 = arith.extui %and3A_278 : i1 to i32
      %cond3A_280 = arith.constant 0 : i32
      %cond3A_281 = arith.cmpi ne, %convert_element_type3A_279, %cond3A_280 : i32
      scf.if %cond3A_281 {
        %add3A_282 = arith.constant 1 : i32
        %add3A_283 = arith.addi %div3A_244, %add3A_282 : i32
        %add3A_284 = arith.constant 1 : i32
        %add3A_285 = arith.addi %div3A_244, %add3A_284 : i32
        %rem3A_286 = arith.constant 2 : i32
        %rem3A_287 = arith.remsi %add3A_285, %rem3A_286 : i32
        %dma_start3A_288 = arith.constant 0 : i32
        %dma_start3A_289 = arith.constant 0 : i32
        %dma_start3A_290 = tpu.memref_slice %arg8[%rem3A_287, %dma_start3A_288, %dma_start3A_289] : memref<2x20x128xi32, #tpu.memory_space<vmem>> -> memref<1x20x128xi32, #tpu.memory_space<vmem>>
        %dma_start3A_291 = tpu.memref_squeeze %dma_start3A_290 : memref<1x20x128xi32, #tpu.memory_space<vmem>> -> memref<20x128xi32, #tpu.memory_space<vmem>>
        %dma_start3A_292 = arith.constant 0 : i32
        %dma_start3A_293 = arith.constant 0 : i32
        %dma_start3A_294 = arith.constant 0 : i32
        %dma_start3A_295 = tpu.memref_slice %arg3[%add3A, %dma_start3A_292, %dma_start3A_293, %dma_start3A_294] : memref<32x4x20x128xi32, #tpu.memory_space<hbm>> -> memref<1x4x20x128xi32, #tpu.memory_space<hbm>>
        %dma_start3A_296 = tpu.memref_squeeze %dma_start3A_295 : memref<1x4x20x128xi32, #tpu.memory_space<hbm>> -> memref<4x20x128xi32, #tpu.memory_space<hbm>>
        %dma_start3A_297 = arith.constant 0 : i32
        %dma_start3A_298 = arith.constant 0 : i32
        %dma_start3A_299 = tpu.memref_slice %dma_start3A_296[%add3A_283, %dma_start3A_297, %dma_start3A_298] : memref<4x20x128xi32, #tpu.memory_space<hbm>> -> memref<1x20x128xi32, #tpu.memory_space<hbm>>
        %dma_start3A_300 = tpu.memref_squeeze %dma_start3A_299 : memref<1x20x128xi32, #tpu.memory_space<hbm>> -> memref<20x128xi32, #tpu.memory_space<hbm>>
        %dma_start3A_301 = tpu.memref_slice %arg13[%rem3A_287] : memref<2x!tpu.dma_semaphore, #tpu.memory_space<semaphore_mem>> -> memref<1x!tpu.dma_semaphore, #tpu.memory_space<semaphore_mem>>
        %dma_start3A_302 = tpu.memref_squeeze %dma_start3A_301 : memref<1x!tpu.dma_semaphore, #tpu.memory_space<semaphore_mem>> -> memref<!tpu.dma_semaphore, #tpu.memory_space<semaphore_mem>>
        %dma_start3A_303 = arith.constant 0 : i32
        %dma_start3A_304 = arith.constant 0 : i32
        %dma_start3A_305 = tpu.memref_slice %arg8[%rem3A_287, %dma_start3A_303, %dma_start3A_304] : memref<2x20x128xi32, #tpu.memory_space<vmem>> -> memref<1x20x128xi32, #tpu.memory_space<vmem>>
        %dma_start3A_306 = tpu.memref_squeeze %dma_start3A_305 : memref<1x20x128xi32, #tpu.memory_space<vmem>> -> memref<20x128xi32, #tpu.memory_space<vmem>>
        %dma_start3A_307 = arith.constant 0 : i32
        %dma_start3A_308 = arith.constant 0 : i32
        %dma_start3A_309 = arith.constant 0 : i32
        %dma_start3A_310 = tpu.memref_slice %arg3[%add3A, %dma_start3A_307, %dma_start3A_308, %dma_start3A_309] : memref<32x4x20x128xi32, #tpu.memory_space<hbm>> -> memref<1x4x20x128xi32, #tpu.memory_space<hbm>>
        %dma_start3A_311 = tpu.memref_squeeze %dma_start3A_310 : memref<1x4x20x128xi32, #tpu.memory_space<hbm>> -> memref<4x20x128xi32, #tpu.memory_space<hbm>>
        %dma_start3A_312 = arith.constant 0 : i32
        %dma_start3A_313 = arith.constant 0 : i32
        %dma_start3A_314 = tpu.memref_slice %dma_start3A_311[%add3A_283, %dma_start3A_312, %dma_start3A_313] : memref<4x20x128xi32, #tpu.memory_space<hbm>> -> memref<1x20x128xi32, #tpu.memory_space<hbm>>
        %dma_start3A_315 = tpu.memref_squeeze %dma_start3A_314 : memref<1x20x128xi32, #tpu.memory_space<hbm>> -> memref<20x128xi32, #tpu.memory_space<hbm>>
        tpu.enqueue_dma source(%dma_start3A_315 : memref<20x128xi32, #tpu.memory_space<hbm>>) target(%dma_start3A_306 : memref<20x128xi32, #tpu.memory_space<vmem>>) target_semaphore(%dma_start3A_302 : memref<!tpu.dma_semaphore, #tpu.memory_space<semaphore_mem>>)
        %dma_start3A_316 = arith.constant 0 : i32
        %dma_start3A_317 = arith.constant 0 : i32
        %dma_start3A_318 = tpu.memref_slice %arg9[%rem3A_287, %dma_start3A_316, %dma_start3A_317] : memref<2x20x128xi32, #tpu.memory_space<vmem>> -> memref<1x20x128xi32, #tpu.memory_space<vmem>>
        %dma_start3A_319 = tpu.memref_squeeze %dma_start3A_318 : memref<1x20x128xi32, #tpu.memory_space<vmem>> -> memref<20x128xi32, #tpu.memory_space<vmem>>
        %dma_start3A_320 = arith.constant 0 : i32
        %dma_start3A_321 = arith.constant 0 : i32
        %dma_start3A_322 = arith.constant 0 : i32
        %dma_start3A_323 = tpu.memref_slice %arg4[%add3A, %dma_start3A_320, %dma_start3A_321, %dma_start3A_322] : memref<32x4x20x128xi32, #tpu.memory_space<hbm>> -> memref<1x4x20x128xi32, #tpu.memory_space<hbm>>
        %dma_start3A_324 = tpu.memref_squeeze %dma_start3A_323 : memref<1x4x20x128xi32, #tpu.memory_space<hbm>> -> memref<4x20x128xi32, #tpu.memory_space<hbm>>
        %dma_start3A_325 = arith.constant 0 : i32
        %dma_start3A_326 = arith.constant 0 : i32
        %dma_start3A_327 = tpu.memref_slice %dma_start3A_324[%add3A_283, %dma_start3A_325, %dma_start3A_326] : memref<4x20x128xi32, #tpu.memory_space<hbm>> -> memref<1x20x128xi32, #tpu.memory_space<hbm>>
        %dma_start3A_328 = tpu.memref_squeeze %dma_start3A_327 : memref<1x20x128xi32, #tpu.memory_space<hbm>> -> memref<20x128xi32, #tpu.memory_space<hbm>>
        %dma_start3A_329 = tpu.memref_slice %arg13[%rem3A_287] : memref<2x!tpu.dma_semaphore, #tpu.memory_space<semaphore_mem>> -> memref<1x!tpu.dma_semaphore, #tpu.memory_space<semaphore_mem>>
        %dma_start3A_330 = tpu.memref_squeeze %dma_start3A_329 : memref<1x!tpu.dma_semaphore, #tpu.memory_space<semaphore_mem>> -> memref<!tpu.dma_semaphore, #tpu.memory_space<semaphore_mem>>
        %dma_start3A_331 = arith.constant 0 : i32
        %dma_start3A_332 = arith.constant 0 : i32
        %dma_start3A_333 = tpu.memref_slice %arg9[%rem3A_287, %dma_start3A_331, %dma_start3A_332] : memref<2x20x128xi32, #tpu.memory_space<vmem>> -> memref<1x20x128xi32, #tpu.memory_space<vmem>>
        %dma_start3A_334 = tpu.memref_squeeze %dma_start3A_333 : memref<1x20x128xi32, #tpu.memory_space<vmem>> -> memref<20x128xi32, #tpu.memory_space<vmem>>
        %dma_start3A_335 = arith.constant 0 : i32
        %dma_start3A_336 = arith.constant 0 : i32
        %dma_start3A_337 = arith.constant 0 : i32
        %dma_start3A_338 = tpu.memref_slice %arg4[%add3A, %dma_start3A_335, %dma_start3A_336, %dma_start3A_337] : memref<32x4x20x128xi32, #tpu.memory_space<hbm>> -> memref<1x4x20x128xi32, #tpu.memory_space<hbm>>
        %dma_start3A_339 = tpu.memref_squeeze %dma_start3A_338 : memref<1x4x20x128xi32, #tpu.memory_space<hbm>> -> memref<4x20x128xi32, #tpu.memory_space<hbm>>
        %dma_start3A_340 = arith.constant 0 : i32
        %dma_start3A_341 = arith.constant 0 : i32
        %dma_start3A_342 = tpu.memref_slice %dma_start3A_339[%add3A_283, %dma_start3A_340, %dma_start3A_341] : memref<4x20x128xi32, #tpu.memory_space<hbm>> -> memref<1x20x128xi32, #tpu.memory_space<hbm>>
        %dma_start3A_343 = tpu.memref_squeeze %dma_start3A_342 : memref<1x20x128xi32, #tpu.memory_space<hbm>> -> memref<20x128xi32, #tpu.memory_space<hbm>>
        tpu.enqueue_dma source(%dma_start3A_343 : memref<20x128xi32, #tpu.memory_space<hbm>>) target(%dma_start3A_334 : memref<20x128xi32, #tpu.memory_space<vmem>>) target_semaphore(%dma_start3A_330 : memref<!tpu.dma_semaphore, #tpu.memory_space<semaphore_mem>>)
      } else {
      }
    }
    %scan3A_233 = arith.constant 80 : i32
    %barrier3A_234 = arith.constant 0 : index
    tpu.barrier barrier_id(%barrier3A_234)
    %eq3A = arith.constant 0 : i32
    %eq3A_235 = arith.cmpi eq, %arg0, %eq3A : i32
    %convert_element_type3A = arith.extui %eq3A_235 : i1 to i32
    %cond3A = arith.constant 0 : i32
    %cond3A_236 = arith.cmpi ne, %convert_element_type3A, %cond3A : i32
    scf.if %cond3A_236 {
      %mul3A_242 = arith.constant 632 : i32
      %mul3A_243 = arith.muli %arg1, %mul3A_242 : i32
      %mul3A_244 = arith.constant 632 : i32
      %mul3A_245 = arith.muli %arg1, %mul3A_244 : i32
      "tpu.region"() ({
        %run_scoped3A = tpu.sem_alloc : memref<!tpu.dma_semaphore, #tpu.memory_space<semaphore_mem>>
        %dma_start3A_246 = arith.constant 0 : i32
        %dma_start3A_247 = tpu.memref_slice %arg6[%mul3A_245, %dma_start3A_246] : memref<10112x128xf32, #tpu.memory_space<hbm>> -> memref<632x128xf32, #tpu.memory_space<hbm>>
        %dma_start3A_248 = arith.constant 0 : i32
        %dma_start3A_249 = tpu.memref_slice %arg11[%mul3A_243, %dma_start3A_248] : memref<10112x128xf32, #tpu.memory_space<vmem_shared>> -> memref<632x128xf32, #tpu.memory_space<vmem_shared>>
        tpu.enqueue_dma source(%dma_start3A_249 : memref<632x128xf32, #tpu.memory_space<vmem_shared>>) target(%dma_start3A_247 : memref<632x128xf32, #tpu.memory_space<hbm>>) target_semaphore(%run_scoped3A : memref<!tpu.dma_semaphore, #tpu.memory_space<semaphore_mem>>)
        %dma_wait3A_250 = arith.constant 0 : i32
        %dma_wait3A_251 = tpu.memref_slice %arg6[%mul3A_245, %dma_wait3A_250] : memref<10112x128xf32, #tpu.memory_space<hbm>> -> memref<632x128xf32, #tpu.memory_space<hbm>>
        %dma_wait3A_252 = arith.constant 0 : i32
        %dma_wait3A_253 = tpu.memref_slice %arg11[%mul3A_243, %dma_wait3A_252] : memref<10112x128xf32, #tpu.memory_space<vmem_shared>> -> memref<632x128xf32, #tpu.memory_space<vmem_shared>>
        tpu.wait_dma2 semaphore(%run_scoped3A : memref<!tpu.dma_semaphore, #tpu.memory_space<semaphore_mem>>) src(%dma_wait3A_253 : memref<632x128xf32, #tpu.memory_space<vmem_shared>>) dst(%dma_wait3A_251 : memref<632x128xf32, #tpu.memory_space<hbm>>)
        tpu.yield
      }) : () -> ()
    } else {
    }
    %eq3A_237 = arith.constant 1 : i32
    %eq3A_238 = arith.cmpi eq, %arg0, %eq3A_237 : i32
    %convert_element_type3A_239 = arith.extui %eq3A_238 : i1 to i32
    %cond3A_240 = arith.constant 0 : i32
    %cond3A_241 = arith.cmpi ne, %convert_element_type3A_239, %cond3A_240 : i32
    scf.if %cond3A_241 {
      %mul3A_242 = arith.constant 632 : i32
      %mul3A_243 = arith.muli %arg1, %mul3A_242 : i32
      %mul3A_244 = arith.constant 632 : i32
      %mul3A_245 = arith.muli %arg1, %mul3A_244 : i32
      "tpu.region"() ({
        %run_scoped3A = tpu.sem_alloc : memref<!tpu.dma_semaphore, #tpu.memory_space<semaphore_mem>>
        %dma_start3A_246 = arith.constant 0 : i32
        %dma_start3A_247 = tpu.memref_slice %arg7[%mul3A_245, %dma_start3A_246] : memref<10112x128xf32, #tpu.memory_space<hbm>> -> memref<632x128xf32, #tpu.memory_space<hbm>>
        %dma_start3A_248 = arith.constant 0 : i32
        %dma_start3A_249 = tpu.memref_slice %arg11[%mul3A_243, %dma_start3A_248] : memref<10112x128xf32, #tpu.memory_space<vmem_shared>> -> memref<632x128xf32, #tpu.memory_space<vmem_shared>>
        tpu.enqueue_dma source(%dma_start3A_249 : memref<632x128xf32, #tpu.memory_space<vmem_shared>>) target(%dma_start3A_247 : memref<632x128xf32, #tpu.memory_space<hbm>>) target_semaphore(%run_scoped3A : memref<!tpu.dma_semaphore, #tpu.memory_space<semaphore_mem>>)
        %dma_wait3A_250 = arith.constant 0 : i32
        %dma_wait3A_251 = tpu.memref_slice %arg7[%mul3A_245, %dma_wait3A_250] : memref<10112x128xf32, #tpu.memory_space<hbm>> -> memref<632x128xf32, #tpu.memory_space<hbm>>
        %dma_wait3A_252 = arith.constant 0 : i32
        %dma_wait3A_253 = tpu.memref_slice %arg11[%mul3A_243, %dma_wait3A_252] : memref<10112x128xf32, #tpu.memory_space<vmem_shared>> -> memref<632x128xf32, #tpu.memory_space<vmem_shared>>
        tpu.wait_dma2 semaphore(%run_scoped3A : memref<!tpu.dma_semaphore, #tpu.memory_space<semaphore_mem>>) src(%dma_wait3A_253 : memref<632x128xf32, #tpu.memory_space<vmem_shared>>) dst(%dma_wait3A_251 : memref<632x128xf32, #tpu.memory_space<hbm>>)
        tpu.yield
      }) : () -> ()
    } else {
    }
    return
  }
}

#map = affine_map<(d0, d1) -> (0, 0)>
#map1 = affine_map<(d0, d1) -> (0, 0, 0, 0)>
module attributes {stable_mosaic.version = 14 : i64} {
  func.func @_sc_edge_agg(%arg0: i32, %arg1: i32, %arg2: memref<10000x128xf32, #tpu.memory_space<hbm>>, %arg3: memref<32x4x20x128xi32, #tpu.memory_space<hbm>>, %arg4: memref<32x4x20x128xi32, #tpu.memory_space<hbm>>, %arg5: memref<10112x128xf32, #tpu.memory_space<hbm>>, %arg6: memref<10112x128xf32, #tpu.memory_space<hbm>>, %arg7: memref<10112x128xf32, #tpu.memory_space<hbm>>, %arg8: memref<2x20x128xi32, #tpu.memory_space<vmem>>, %arg9: memref<2x20x128xi32, #tpu.memory_space<vmem>>, %arg10: memref<2x128x128xf32, #tpu.memory_space<vmem>>, %arg11: memref<10112x128xf32, #tpu.memory_space<vmem_shared>>, %arg12: memref<2x!tpu.dma_semaphore, #tpu.memory_space<semaphore_mem>>, %arg13: memref<2x!tpu.dma_semaphore, #tpu.memory_space<semaphore_mem>>) attributes {dimension_semantics = [#tpu.dimension_semantics<core_parallel>, #tpu.dimension_semantics<subcore_parallel>], iteration_bounds = array<i64: 2, 16>, scalar_prefetch = 0 : i64, scratch_operands = 6 : i64, tpu.core_type = #tpu.core_type<sc_vector_subcore>, window_params = [{transform_indices = #map}, {transform_indices = #map1}, {transform_indices = #map1}, {transform_indices = #map}, {transform_indices = #map}, {transform_indices = #map}]} {
    %mul3A = arith.constant 16 : i32
    %mul3A_0 = arith.muli %arg0, %mul3A : i32
    %add3A = arith.addi %mul3A_0, %arg1 : i32
    %dma_start3A = arith.constant 0 : i32
    %dma_start3A_1 = arith.constant 0 : i32
    %dma_start3A_2 = arith.constant 0 : i32
    %dma_start3A_3 = arith.constant 0 : i32
    %dma_start3A_4 = arith.constant 0 : i32
    %dma_start3A_5 = tpu.memref_slice %arg8[%dma_start3A_1, %dma_start3A_3, %dma_start3A_4] : memref<2x20x128xi32, #tpu.memory_space<vmem>> -> memref<1x20x128xi32, #tpu.memory_space<vmem>>
    %dma_start3A_6 = tpu.memref_squeeze %dma_start3A_5 : memref<1x20x128xi32, #tpu.memory_space<vmem>> -> memref<20x128xi32, #tpu.memory_space<vmem>>
    %dma_start3A_7 = arith.constant 0 : i32
    %dma_start3A_8 = arith.constant 0 : i32
    %dma_start3A_9 = arith.constant 0 : i32
    %dma_start3A_10 = tpu.memref_slice %arg3[%add3A, %dma_start3A_7, %dma_start3A_8, %dma_start3A_9] : memref<32x4x20x128xi32, #tpu.memory_space<hbm>> -> memref<1x4x20x128xi32, #tpu.memory_space<hbm>>
    %dma_start3A_11 = tpu.memref_squeeze %dma_start3A_10 : memref<1x4x20x128xi32, #tpu.memory_space<hbm>> -> memref<4x20x128xi32, #tpu.memory_space<hbm>>
    %dma_start3A_12 = arith.constant 0 : i32
    %dma_start3A_13 = arith.constant 0 : i32
    %dma_start3A_14 = tpu.memref_slice %dma_start3A_11[%dma_start3A, %dma_start3A_12, %dma_start3A_13] : memref<4x20x128xi32, #tpu.memory_space<hbm>> -> memref<1x20x128xi32, #tpu.memory_space<hbm>>
    %dma_start3A_15 = tpu.memref_squeeze %dma_start3A_14 : memref<1x20x128xi32, #tpu.memory_space<hbm>> -> memref<20x128xi32, #tpu.memory_space<hbm>>
    %dma_start3A_16 = tpu.memref_slice %arg13[%dma_start3A_2] : memref<2x!tpu.dma_semaphore, #tpu.memory_space<semaphore_mem>> -> memref<1x!tpu.dma_semaphore, #tpu.memory_space<semaphore_mem>>
    %dma_start3A_17 = tpu.memref_squeeze %dma_start3A_16 : memref<1x!tpu.dma_semaphore, #tpu.memory_space<semaphore_mem>> -> memref<!tpu.dma_semaphore, #tpu.memory_space<semaphore_mem>>
    %dma_start3A_18 = arith.constant 0 : i32
    %dma_start3A_19 = arith.constant 0 : i32
    %dma_start3A_20 = tpu.memref_slice %arg8[%dma_start3A_1, %dma_start3A_18, %dma_start3A_19] : memref<2x20x128xi32, #tpu.memory_space<vmem>> -> memref<1x20x128xi32, #tpu.memory_space<vmem>>
    %dma_start3A_21 = tpu.memref_squeeze %dma_start3A_20 : memref<1x20x128xi32, #tpu.memory_space<vmem>> -> memref<20x128xi32, #tpu.memory_space<vmem>>
    %dma_start3A_22 = arith.constant 0 : i32
    %dma_start3A_23 = arith.constant 0 : i32
    %dma_start3A_24 = arith.constant 0 : i32
    %dma_start3A_25 = tpu.memref_slice %arg3[%add3A, %dma_start3A_22, %dma_start3A_23, %dma_start3A_24] : memref<32x4x20x128xi32, #tpu.memory_space<hbm>> -> memref<1x4x20x128xi32, #tpu.memory_space<hbm>>
    %dma_start3A_26 = tpu.memref_squeeze %dma_start3A_25 : memref<1x4x20x128xi32, #tpu.memory_space<hbm>> -> memref<4x20x128xi32, #tpu.memory_space<hbm>>
    %dma_start3A_27 = arith.constant 0 : i32
    %dma_start3A_28 = arith.constant 0 : i32
    %dma_start3A_29 = tpu.memref_slice %dma_start3A_26[%dma_start3A, %dma_start3A_27, %dma_start3A_28] : memref<4x20x128xi32, #tpu.memory_space<hbm>> -> memref<1x20x128xi32, #tpu.memory_space<hbm>>
    %dma_start3A_30 = tpu.memref_squeeze %dma_start3A_29 : memref<1x20x128xi32, #tpu.memory_space<hbm>> -> memref<20x128xi32, #tpu.memory_space<hbm>>
    tpu.enqueue_dma source(%dma_start3A_30 : memref<20x128xi32, #tpu.memory_space<hbm>>) target(%dma_start3A_21 : memref<20x128xi32, #tpu.memory_space<vmem>>) target_semaphore(%dma_start3A_17 : memref<!tpu.dma_semaphore, #tpu.memory_space<semaphore_mem>>)
    %dma_start3A_31 = arith.constant 0 : i32
    %dma_start3A_32 = arith.constant 0 : i32
    %dma_start3A_33 = arith.constant 0 : i32
    %dma_start3A_34 = arith.constant 0 : i32
    %dma_start3A_35 = arith.constant 0 : i32
    %dma_start3A_36 = tpu.memref_slice %arg9[%dma_start3A_32, %dma_start3A_34, %dma_start3A_35] : memref<2x20x128xi32, #tpu.memory_space<vmem>> -> memref<1x20x128xi32, #tpu.memory_space<vmem>>
    %dma_start3A_37 = tpu.memref_squeeze %dma_start3A_36 : memref<1x20x128xi32, #tpu.memory_space<vmem>> -> memref<20x128xi32, #tpu.memory_space<vmem>>
    %dma_start3A_38 = arith.constant 0 : i32
    %dma_start3A_39 = arith.constant 0 : i32
    %dma_start3A_40 = arith.constant 0 : i32
    %dma_start3A_41 = tpu.memref_slice %arg4[%add3A, %dma_start3A_38, %dma_start3A_39, %dma_start3A_40] : memref<32x4x20x128xi32, #tpu.memory_space<hbm>> -> memref<1x4x20x128xi32, #tpu.memory_space<hbm>>
    %dma_start3A_42 = tpu.memref_squeeze %dma_start3A_41 : memref<1x4x20x128xi32, #tpu.memory_space<hbm>> -> memref<4x20x128xi32, #tpu.memory_space<hbm>>
    %dma_start3A_43 = arith.constant 0 : i32
    %dma_start3A_44 = arith.constant 0 : i32
    %dma_start3A_45 = tpu.memref_slice %dma_start3A_42[%dma_start3A_31, %dma_start3A_43, %dma_start3A_44] : memref<4x20x128xi32, #tpu.memory_space<hbm>> -> memref<1x20x128xi32, #tpu.memory_space<hbm>>
    %dma_start3A_46 = tpu.memref_squeeze %dma_start3A_45 : memref<1x20x128xi32, #tpu.memory_space<hbm>> -> memref<20x128xi32, #tpu.memory_space<hbm>>
    %dma_start3A_47 = tpu.memref_slice %arg13[%dma_start3A_33] : memref<2x!tpu.dma_semaphore, #tpu.memory_space<semaphore_mem>> -> memref<1x!tpu.dma_semaphore, #tpu.memory_space<semaphore_mem>>
    %dma_start3A_48 = tpu.memref_squeeze %dma_start3A_47 : memref<1x!tpu.dma_semaphore, #tpu.memory_space<semaphore_mem>> -> memref<!tpu.dma_semaphore, #tpu.memory_space<semaphore_mem>>
    %dma_start3A_49 = arith.constant 0 : i32
    %dma_start3A_50 = arith.constant 0 : i32
    %dma_start3A_51 = tpu.memref_slice %arg9[%dma_start3A_32, %dma_start3A_49, %dma_start3A_50] : memref<2x20x128xi32, #tpu.memory_space<vmem>> -> memref<1x20x128xi32, #tpu.memory_space<vmem>>
    %dma_start3A_52 = tpu.memref_squeeze %dma_start3A_51 : memref<1x20x128xi32, #tpu.memory_space<vmem>> -> memref<20x128xi32, #tpu.memory_space<vmem>>
    %dma_start3A_53 = arith.constant 0 : i32
    %dma_start3A_54 = arith.constant 0 : i32
    %dma_start3A_55 = arith.constant 0 : i32
    %dma_start3A_56 = tpu.memref_slice %arg4[%add3A, %dma_start3A_53, %dma_start3A_54, %dma_start3A_55] : memref<32x4x20x128xi32, #tpu.memory_space<hbm>> -> memref<1x4x20x128xi32, #tpu.memory_space<hbm>>
    %dma_start3A_57 = tpu.memref_squeeze %dma_start3A_56 : memref<1x4x20x128xi32, #tpu.memory_space<hbm>> -> memref<4x20x128xi32, #tpu.memory_space<hbm>>
    %dma_start3A_58 = arith.constant 0 : i32
    %dma_start3A_59 = arith.constant 0 : i32
    %dma_start3A_60 = tpu.memref_slice %dma_start3A_57[%dma_start3A_31, %dma_start3A_58, %dma_start3A_59] : memref<4x20x128xi32, #tpu.memory_space<hbm>> -> memref<1x20x128xi32, #tpu.memory_space<hbm>>
    %dma_start3A_61 = tpu.memref_squeeze %dma_start3A_60 : memref<1x20x128xi32, #tpu.memory_space<hbm>> -> memref<20x128xi32, #tpu.memory_space<hbm>>
    tpu.enqueue_dma source(%dma_start3A_61 : memref<20x128xi32, #tpu.memory_space<hbm>>) target(%dma_start3A_52 : memref<20x128xi32, #tpu.memory_space<vmem>>) target_semaphore(%dma_start3A_48 : memref<!tpu.dma_semaphore, #tpu.memory_space<semaphore_mem>>)
    %dma_start3A_62 = arith.constant 1 : i32
    %dma_start3A_63 = arith.constant 1 : i32
    %dma_start3A_64 = arith.constant 1 : i32
    %dma_start3A_65 = arith.constant 0 : i32
    %dma_start3A_66 = arith.constant 0 : i32
    %dma_start3A_67 = tpu.memref_slice %arg8[%dma_start3A_63, %dma_start3A_65, %dma_start3A_66] : memref<2x20x128xi32, #tpu.memory_space<vmem>> -> memref<1x20x128xi32, #tpu.memory_space<vmem>>
    %dma_start3A_68 = tpu.memref_squeeze %dma_start3A_67 : memref<1x20x128xi32, #tpu.memory_space<vmem>> -> memref<20x128xi32, #tpu.memory_space<vmem>>
    %dma_start3A_69 = arith.constant 0 : i32
    %dma_start3A_70 = arith.constant 0 : i32
    %dma_start3A_71 = arith.constant 0 : i32
    %dma_start3A_72 = tpu.memref_slice %arg3[%add3A, %dma_start3A_69, %dma_start3A_70, %dma_start3A_71] : memref<32x4x20x128xi32, #tpu.memory_space<hbm>> -> memref<1x4x20x128xi32, #tpu.memory_space<hbm>>
    %dma_start3A_73 = tpu.memref_squeeze %dma_start3A_72 : memref<1x4x20x128xi32, #tpu.memory_space<hbm>> -> memref<4x20x128xi32, #tpu.memory_space<hbm>>
    %dma_start3A_74 = arith.constant 0 : i32
    %dma_start3A_75 = arith.constant 0 : i32
    %dma_start3A_76 = tpu.memref_slice %dma_start3A_73[%dma_start3A_62, %dma_start3A_74, %dma_start3A_75] : memref<4x20x128xi32, #tpu.memory_space<hbm>> -> memref<1x20x128xi32, #tpu.memory_space<hbm>>
    %dma_start3A_77 = tpu.memref_squeeze %dma_start3A_76 : memref<1x20x128xi32, #tpu.memory_space<hbm>> -> memref<20x128xi32, #tpu.memory_space<hbm>>
    %dma_start3A_78 = tpu.memref_slice %arg13[%dma_start3A_64] : memref<2x!tpu.dma_semaphore, #tpu.memory_space<semaphore_mem>> -> memref<1x!tpu.dma_semaphore, #tpu.memory_space<semaphore_mem>>
    %dma_start3A_79 = tpu.memref_squeeze %dma_start3A_78 : memref<1x!tpu.dma_semaphore, #tpu.memory_space<semaphore_mem>> -> memref<!tpu.dma_semaphore, #tpu.memory_space<semaphore_mem>>
    %dma_start3A_80 = arith.constant 0 : i32
    %dma_start3A_81 = arith.constant 0 : i32
    %dma_start3A_82 = tpu.memref_slice %arg8[%dma_start3A_63, %dma_start3A_80, %dma_start3A_81] : memref<2x20x128xi32, #tpu.memory_space<vmem>> -> memref<1x20x128xi32, #tpu.memory_space<vmem>>
    %dma_start3A_83 = tpu.memref_squeeze %dma_start3A_82 : memref<1x20x128xi32, #tpu.memory_space<vmem>> -> memref<20x128xi32, #tpu.memory_space<vmem>>
    %dma_start3A_84 = arith.constant 0 : i32
    %dma_start3A_85 = arith.constant 0 : i32
    %dma_start3A_86 = arith.constant 0 : i32
    %dma_start3A_87 = tpu.memref_slice %arg3[%add3A, %dma_start3A_84, %dma_start3A_85, %dma_start3A_86] : memref<32x4x20x128xi32, #tpu.memory_space<hbm>> -> memref<1x4x20x128xi32, #tpu.memory_space<hbm>>
    %dma_start3A_88 = tpu.memref_squeeze %dma_start3A_87 : memref<1x4x20x128xi32, #tpu.memory_space<hbm>> -> memref<4x20x128xi32, #tpu.memory_space<hbm>>
    %dma_start3A_89 = arith.constant 0 : i32
    %dma_start3A_90 = arith.constant 0 : i32
    %dma_start3A_91 = tpu.memref_slice %dma_start3A_88[%dma_start3A_62, %dma_start3A_89, %dma_start3A_90] : memref<4x20x128xi32, #tpu.memory_space<hbm>> -> memref<1x20x128xi32, #tpu.memory_space<hbm>>
    %dma_start3A_92 = tpu.memref_squeeze %dma_start3A_91 : memref<1x20x128xi32, #tpu.memory_space<hbm>> -> memref<20x128xi32, #tpu.memory_space<hbm>>
    tpu.enqueue_dma source(%dma_start3A_92 : memref<20x128xi32, #tpu.memory_space<hbm>>) target(%dma_start3A_83 : memref<20x128xi32, #tpu.memory_space<vmem>>) target_semaphore(%dma_start3A_79 : memref<!tpu.dma_semaphore, #tpu.memory_space<semaphore_mem>>)
    %dma_start3A_93 = arith.constant 1 : i32
    %dma_start3A_94 = arith.constant 1 : i32
    %dma_start3A_95 = arith.constant 1 : i32
    %dma_start3A_96 = arith.constant 0 : i32
    %dma_start3A_97 = arith.constant 0 : i32
    %dma_start3A_98 = tpu.memref_slice %arg9[%dma_start3A_94, %dma_start3A_96, %dma_start3A_97] : memref<2x20x128xi32, #tpu.memory_space<vmem>> -> memref<1x20x128xi32, #tpu.memory_space<vmem>>
    %dma_start3A_99 = tpu.memref_squeeze %dma_start3A_98 : memref<1x20x128xi32, #tpu.memory_space<vmem>> -> memref<20x128xi32, #tpu.memory_space<vmem>>
    %dma_start3A_100 = arith.constant 0 : i32
    %dma_start3A_101 = arith.constant 0 : i32
    %dma_start3A_102 = arith.constant 0 : i32
    %dma_start3A_103 = tpu.memref_slice %arg4[%add3A, %dma_start3A_100, %dma_start3A_101, %dma_start3A_102] : memref<32x4x20x128xi32, #tpu.memory_space<hbm>> -> memref<1x4x20x128xi32, #tpu.memory_space<hbm>>
    %dma_start3A_104 = tpu.memref_squeeze %dma_start3A_103 : memref<1x4x20x128xi32, #tpu.memory_space<hbm>> -> memref<4x20x128xi32, #tpu.memory_space<hbm>>
    %dma_start3A_105 = arith.constant 0 : i32
    %dma_start3A_106 = arith.constant 0 : i32
    %dma_start3A_107 = tpu.memref_slice %dma_start3A_104[%dma_start3A_93, %dma_start3A_105, %dma_start3A_106] : memref<4x20x128xi32, #tpu.memory_space<hbm>> -> memref<1x20x128xi32, #tpu.memory_space<hbm>>
    %dma_start3A_108 = tpu.memref_squeeze %dma_start3A_107 : memref<1x20x128xi32, #tpu.memory_space<hbm>> -> memref<20x128xi32, #tpu.memory_space<hbm>>
    %dma_start3A_109 = tpu.memref_slice %arg13[%dma_start3A_95] : memref<2x!tpu.dma_semaphore, #tpu.memory_space<semaphore_mem>> -> memref<1x!tpu.dma_semaphore, #tpu.memory_space<semaphore_mem>>
    %dma_start3A_110 = tpu.memref_squeeze %dma_start3A_109 : memref<1x!tpu.dma_semaphore, #tpu.memory_space<semaphore_mem>> -> memref<!tpu.dma_semaphore, #tpu.memory_space<semaphore_mem>>
    %dma_start3A_111 = arith.constant 0 : i32
    %dma_start3A_112 = arith.constant 0 : i32
    %dma_start3A_113 = tpu.memref_slice %arg9[%dma_start3A_94, %dma_start3A_111, %dma_start3A_112] : memref<2x20x128xi32, #tpu.memory_space<vmem>> -> memref<1x20x128xi32, #tpu.memory_space<vmem>>
    %dma_start3A_114 = tpu.memref_squeeze %dma_start3A_113 : memref<1x20x128xi32, #tpu.memory_space<vmem>> -> memref<20x128xi32, #tpu.memory_space<vmem>>
    %dma_start3A_115 = arith.constant 0 : i32
    %dma_start3A_116 = arith.constant 0 : i32
    %dma_start3A_117 = arith.constant 0 : i32
    %dma_start3A_118 = tpu.memref_slice %arg4[%add3A, %dma_start3A_115, %dma_start3A_116, %dma_start3A_117] : memref<32x4x20x128xi32, #tpu.memory_space<hbm>> -> memref<1x4x20x128xi32, #tpu.memory_space<hbm>>
    %dma_start3A_119 = tpu.memref_squeeze %dma_start3A_118 : memref<1x4x20x128xi32, #tpu.memory_space<hbm>> -> memref<4x20x128xi32, #tpu.memory_space<hbm>>
    %dma_start3A_120 = arith.constant 0 : i32
    %dma_start3A_121 = arith.constant 0 : i32
    %dma_start3A_122 = tpu.memref_slice %dma_start3A_119[%dma_start3A_93, %dma_start3A_120, %dma_start3A_121] : memref<4x20x128xi32, #tpu.memory_space<hbm>> -> memref<1x20x128xi32, #tpu.memory_space<hbm>>
    %dma_start3A_123 = tpu.memref_squeeze %dma_start3A_122 : memref<1x20x128xi32, #tpu.memory_space<hbm>> -> memref<20x128xi32, #tpu.memory_space<hbm>>
    tpu.enqueue_dma source(%dma_start3A_123 : memref<20x128xi32, #tpu.memory_space<hbm>>) target(%dma_start3A_114 : memref<20x128xi32, #tpu.memory_space<vmem>>) target_semaphore(%dma_start3A_110 : memref<!tpu.dma_semaphore, #tpu.memory_space<semaphore_mem>>)
    %dma_wait3A = arith.constant 0 : i32
    %dma_wait3A_124 = arith.constant 0 : i32
    %dma_wait3A_125 = arith.constant 0 : i32
    %dma_wait3A_126 = arith.constant 0 : i32
    %dma_wait3A_127 = arith.constant 0 : i32
    %dma_wait3A_128 = tpu.memref_slice %arg8[%dma_wait3A_124, %dma_wait3A_126, %dma_wait3A_127] : memref<2x20x128xi32, #tpu.memory_space<vmem>> -> memref<1x20x128xi32, #tpu.memory_space<vmem>>
    %dma_wait3A_129 = tpu.memref_squeeze %dma_wait3A_128 : memref<1x20x128xi32, #tpu.memory_space<vmem>> -> memref<20x128xi32, #tpu.memory_space<vmem>>
    %dma_wait3A_130 = arith.constant 0 : i32
    %dma_wait3A_131 = arith.constant 0 : i32
    %dma_wait3A_132 = arith.constant 0 : i32
    %dma_wait3A_133 = tpu.memref_slice %arg3[%add3A, %dma_wait3A_130, %dma_wait3A_131, %dma_wait3A_132] : memref<32x4x20x128xi32, #tpu.memory_space<hbm>> -> memref<1x4x20x128xi32, #tpu.memory_space<hbm>>
    %dma_wait3A_134 = tpu.memref_squeeze %dma_wait3A_133 : memref<1x4x20x128xi32, #tpu.memory_space<hbm>> -> memref<4x20x128xi32, #tpu.memory_space<hbm>>
    %dma_wait3A_135 = arith.constant 0 : i32
    %dma_wait3A_136 = arith.constant 0 : i32
    %dma_wait3A_137 = tpu.memref_slice %dma_wait3A_134[%dma_wait3A, %dma_wait3A_135, %dma_wait3A_136] : memref<4x20x128xi32, #tpu.memory_space<hbm>> -> memref<1x20x128xi32, #tpu.memory_space<hbm>>
    %dma_wait3A_138 = tpu.memref_squeeze %dma_wait3A_137 : memref<1x20x128xi32, #tpu.memory_space<hbm>> -> memref<20x128xi32, #tpu.memory_space<hbm>>
    %dma_wait3A_139 = tpu.memref_slice %arg13[%dma_wait3A_125] : memref<2x!tpu.dma_semaphore, #tpu.memory_space<semaphore_mem>> -> memref<1x!tpu.dma_semaphore, #tpu.memory_space<semaphore_mem>>
    %dma_wait3A_140 = tpu.memref_squeeze %dma_wait3A_139 : memref<1x!tpu.dma_semaphore, #tpu.memory_space<semaphore_mem>> -> memref<!tpu.dma_semaphore, #tpu.memory_space<semaphore_mem>>
    %dma_wait3A_141 = arith.constant 0 : i32
    %dma_wait3A_142 = arith.constant 0 : i32
    %dma_wait3A_143 = tpu.memref_slice %arg8[%dma_wait3A_124, %dma_wait3A_141, %dma_wait3A_142] : memref<2x20x128xi32, #tpu.memory_space<vmem>> -> memref<1x20x128xi32, #tpu.memory_space<vmem>>
    %dma_wait3A_144 = tpu.memref_squeeze %dma_wait3A_143 : memref<1x20x128xi32, #tpu.memory_space<vmem>> -> memref<20x128xi32, #tpu.memory_space<vmem>>
    %dma_wait3A_145 = arith.constant 0 : i32
    %dma_wait3A_146 = arith.constant 0 : i32
    %dma_wait3A_147 = arith.constant 0 : i32
    %dma_wait3A_148 = tpu.memref_slice %arg3[%add3A, %dma_wait3A_145, %dma_wait3A_146, %dma_wait3A_147] : memref<32x4x20x128xi32, #tpu.memory_space<hbm>> -> memref<1x4x20x128xi32, #tpu.memory_space<hbm>>
    %dma_wait3A_149 = tpu.memref_squeeze %dma_wait3A_148 : memref<1x4x20x128xi32, #tpu.memory_space<hbm>> -> memref<4x20x128xi32, #tpu.memory_space<hbm>>
    %dma_wait3A_150 = arith.constant 0 : i32
    %dma_wait3A_151 = arith.constant 0 : i32
    %dma_wait3A_152 = tpu.memref_slice %dma_wait3A_149[%dma_wait3A, %dma_wait3A_150, %dma_wait3A_151] : memref<4x20x128xi32, #tpu.memory_space<hbm>> -> memref<1x20x128xi32, #tpu.memory_space<hbm>>
    %dma_wait3A_153 = tpu.memref_squeeze %dma_wait3A_152 : memref<1x20x128xi32, #tpu.memory_space<hbm>> -> memref<20x128xi32, #tpu.memory_space<hbm>>
    tpu.wait_dma2 semaphore(%dma_wait3A_140 : memref<!tpu.dma_semaphore, #tpu.memory_space<semaphore_mem>>) src(%dma_wait3A_153 : memref<20x128xi32, #tpu.memory_space<hbm>>) dst(%dma_wait3A_144 : memref<20x128xi32, #tpu.memory_space<vmem>>)
    %dma_wait3A_154 = arith.constant 0 : i32
    %dma_wait3A_155 = arith.constant 0 : i32
    %dma_wait3A_156 = arith.constant 0 : i32
    %dma_wait3A_157 = arith.constant 0 : i32
    %dma_wait3A_158 = arith.constant 0 : i32
    %dma_wait3A_159 = tpu.memref_slice %arg9[%dma_wait3A_155, %dma_wait3A_157, %dma_wait3A_158] : memref<2x20x128xi32, #tpu.memory_space<vmem>> -> memref<1x20x128xi32, #tpu.memory_space<vmem>>
    %dma_wait3A_160 = tpu.memref_squeeze %dma_wait3A_159 : memref<1x20x128xi32, #tpu.memory_space<vmem>> -> memref<20x128xi32, #tpu.memory_space<vmem>>
    %dma_wait3A_161 = arith.constant 0 : i32
    %dma_wait3A_162 = arith.constant 0 : i32
    %dma_wait3A_163 = arith.constant 0 : i32
    %dma_wait3A_164 = tpu.memref_slice %arg4[%add3A, %dma_wait3A_161, %dma_wait3A_162, %dma_wait3A_163] : memref<32x4x20x128xi32, #tpu.memory_space<hbm>> -> memref<1x4x20x128xi32, #tpu.memory_space<hbm>>
    %dma_wait3A_165 = tpu.memref_squeeze %dma_wait3A_164 : memref<1x4x20x128xi32, #tpu.memory_space<hbm>> -> memref<4x20x128xi32, #tpu.memory_space<hbm>>
    %dma_wait3A_166 = arith.constant 0 : i32
    %dma_wait3A_167 = arith.constant 0 : i32
    %dma_wait3A_168 = tpu.memref_slice %dma_wait3A_165[%dma_wait3A_154, %dma_wait3A_166, %dma_wait3A_167] : memref<4x20x128xi32, #tpu.memory_space<hbm>> -> memref<1x20x128xi32, #tpu.memory_space<hbm>>
    %dma_wait3A_169 = tpu.memref_squeeze %dma_wait3A_168 : memref<1x20x128xi32, #tpu.memory_space<hbm>> -> memref<20x128xi32, #tpu.memory_space<hbm>>
    %dma_wait3A_170 = tpu.memref_slice %arg13[%dma_wait3A_156] : memref<2x!tpu.dma_semaphore, #tpu.memory_space<semaphore_mem>> -> memref<1x!tpu.dma_semaphore, #tpu.memory_space<semaphore_mem>>
    %dma_wait3A_171 = tpu.memref_squeeze %dma_wait3A_170 : memref<1x!tpu.dma_semaphore, #tpu.memory_space<semaphore_mem>> -> memref<!tpu.dma_semaphore, #tpu.memory_space<semaphore_mem>>
    %dma_wait3A_172 = arith.constant 0 : i32
    %dma_wait3A_173 = arith.constant 0 : i32
    %dma_wait3A_174 = tpu.memref_slice %arg9[%dma_wait3A_155, %dma_wait3A_172, %dma_wait3A_173] : memref<2x20x128xi32, #tpu.memory_space<vmem>> -> memref<1x20x128xi32, #tpu.memory_space<vmem>>
    %dma_wait3A_175 = tpu.memref_squeeze %dma_wait3A_174 : memref<1x20x128xi32, #tpu.memory_space<vmem>> -> memref<20x128xi32, #tpu.memory_space<vmem>>
    %dma_wait3A_176 = arith.constant 0 : i32
    %dma_wait3A_177 = arith.constant 0 : i32
    %dma_wait3A_178 = arith.constant 0 : i32
    %dma_wait3A_179 = tpu.memref_slice %arg4[%add3A, %dma_wait3A_176, %dma_wait3A_177, %dma_wait3A_178] : memref<32x4x20x128xi32, #tpu.memory_space<hbm>> -> memref<1x4x20x128xi32, #tpu.memory_space<hbm>>
    %dma_wait3A_180 = tpu.memref_squeeze %dma_wait3A_179 : memref<1x4x20x128xi32, #tpu.memory_space<hbm>> -> memref<4x20x128xi32, #tpu.memory_space<hbm>>
    %dma_wait3A_181 = arith.constant 0 : i32
    %dma_wait3A_182 = arith.constant 0 : i32
    %dma_wait3A_183 = tpu.memref_slice %dma_wait3A_180[%dma_wait3A_154, %dma_wait3A_181, %dma_wait3A_182] : memref<4x20x128xi32, #tpu.memory_space<hbm>> -> memref<1x20x128xi32, #tpu.memory_space<hbm>>
    %dma_wait3A_184 = tpu.memref_squeeze %dma_wait3A_183 : memref<1x20x128xi32, #tpu.memory_space<hbm>> -> memref<20x128xi32, #tpu.memory_space<hbm>>
    tpu.wait_dma2 semaphore(%dma_wait3A_171 : memref<!tpu.dma_semaphore, #tpu.memory_space<semaphore_mem>>) src(%dma_wait3A_184 : memref<20x128xi32, #tpu.memory_space<hbm>>) dst(%dma_wait3A_175 : memref<20x128xi32, #tpu.memory_space<vmem>>)
    %dma_start3A_185 = arith.constant 0 : i32
    %dma_start3A_186 = arith.constant 0 : i32
    %dma_start3A_187 = arith.constant 0 : i32
    %dma_start3A_188 = arith.constant 0 : i32
    %dma_start3A_189 = arith.constant 0 : i32
    %dma_start3A_190 = arith.constant 0 : i32
    %dma_start3A_191 = tpu.memref_slice %arg10[%dma_start3A_187, %dma_start3A_189, %dma_start3A_190] : memref<2x128x128xf32, #tpu.memory_space<vmem>> -> memref<1x128x128xf32, #tpu.memory_space<vmem>>
    %dma_start3A_192 = tpu.memref_squeeze %dma_start3A_191 : memref<1x128x128xf32, #tpu.memory_space<vmem>> -> memref<128x128xf32, #tpu.memory_space<vmem>>
    %dma_start3A_193 = arith.constant 0 : i32
    %dma_start3A_194 = arith.constant 0 : i32
    %dma_start3A_195 = tpu.memref_slice %arg8[%dma_start3A_185, %dma_start3A_193, %dma_start3A_194] : memref<2x20x128xi32, #tpu.memory_space<vmem>> -> memref<1x20x128xi32, #tpu.memory_space<vmem>>
    %dma_start3A_196 = tpu.memref_squeeze %dma_start3A_195 : memref<1x20x128xi32, #tpu.memory_space<vmem>> -> memref<20x128xi32, #tpu.memory_space<vmem>>
    %dma_start3A_197 = arith.constant 0 : i32
    %dma_start3A_198 = tpu.memref_slice %dma_start3A_196[%dma_start3A_186, %dma_start3A_197] : memref<20x128xi32, #tpu.memory_space<vmem>> -> memref<1x128xi32, #tpu.memory_space<vmem>>
    %dma_start3A_199 = tpu.memref_squeeze %dma_start3A_198 : memref<1x128xi32, #tpu.memory_space<vmem>> -> memref<128xi32, #tpu.memory_space<vmem>>
    %dma_start3A_200 = arith.constant 0 : i32
    %dma_start3A_201 = arith.constant 0 : i32
    %dma_start3A_202 = tpu.memref_slice %arg2[%dma_start3A_200, %dma_start3A_201] : memref<10000x128xf32, #tpu.memory_space<hbm>> -> memref<10000x128xf32, #tpu.memory_space<hbm>>
    %dma_start3A_203 = tpu.memref_slice %arg12[%dma_start3A_188] : memref<2x!tpu.dma_semaphore, #tpu.memory_space<semaphore_mem>> -> memref<1x!tpu.dma_semaphore, #tpu.memory_space<semaphore_mem>>
    %dma_start3A_204 = tpu.memref_squeeze %dma_start3A_203 : memref<1x!tpu.dma_semaphore, #tpu.memory_space<semaphore_mem>> -> memref<!tpu.dma_semaphore, #tpu.memory_space<semaphore_mem>>
    tpu.enqueue_indirect_dma source(%dma_start3A_202 : memref<10000x128xf32, #tpu.memory_space<hbm>>) target(%dma_start3A_192 : memref<128x128xf32, #tpu.memory_space<vmem>>) offsets(%dma_start3A_199 : memref<128xi32, #tpu.memory_space<vmem>>) semaphore(%dma_start3A_204 : memref<!tpu.dma_semaphore, #tpu.memory_space<semaphore_mem>>)
    %dma_start3A_205 = arith.constant 0 : i32
    %dma_start3A_206 = arith.constant 1 : i32
    %dma_start3A_207 = arith.constant 1 : i32
    %dma_start3A_208 = arith.constant 1 : i32
    %dma_start3A_209 = arith.constant 0 : i32
    %dma_start3A_210 = arith.constant 0 : i32
    %dma_start3A_211 = tpu.memref_slice %arg10[%dma_start3A_207, %dma_start3A_209, %dma_start3A_210] : memref<2x128x128xf32, #tpu.memory_space<vmem>> -> memref<1x128x128xf32, #tpu.memory_space<vmem>>
    %dma_start3A_212 = tpu.memref_squeeze %dma_start3A_211 : memref<1x128x128xf32, #tpu.memory_space<vmem>> -> memref<128x128xf32, #tpu.memory_space<vmem>>
    %dma_start3A_213 = arith.constant 0 : i32
    %dma_start3A_214 = arith.constant 0 : i32
    %dma_start3A_215 = tpu.memref_slice %arg8[%dma_start3A_205, %dma_start3A_213, %dma_start3A_214] : memref<2x20x128xi32, #tpu.memory_space<vmem>> -> memref<1x20x128xi32, #tpu.memory_space<vmem>>
    %dma_start3A_216 = tpu.memref_squeeze %dma_start3A_215 : memref<1x20x128xi32, #tpu.memory_space<vmem>> -> memref<20x128xi32, #tpu.memory_space<vmem>>
    %dma_start3A_217 = arith.constant 0 : i32
    %dma_start3A_218 = tpu.memref_slice %dma_start3A_216[%dma_start3A_206, %dma_start3A_217] : memref<20x128xi32, #tpu.memory_space<vmem>> -> memref<1x128xi32, #tpu.memory_space<vmem>>
    %dma_start3A_219 = tpu.memref_squeeze %dma_start3A_218 : memref<1x128xi32, #tpu.memory_space<vmem>> -> memref<128xi32, #tpu.memory_space<vmem>>
    %dma_start3A_220 = arith.constant 0 : i32
    %dma_start3A_221 = arith.constant 0 : i32
    %dma_start3A_222 = tpu.memref_slice %arg2[%dma_start3A_220, %dma_start3A_221] : memref<10000x128xf32, #tpu.memory_space<hbm>> -> memref<10000x128xf32, #tpu.memory_space<hbm>>
    %dma_start3A_223 = tpu.memref_slice %arg12[%dma_start3A_208] : memref<2x!tpu.dma_semaphore, #tpu.memory_space<semaphore_mem>> -> memref<1x!tpu.dma_semaphore, #tpu.memory_space<semaphore_mem>>
    %dma_start3A_224 = tpu.memref_squeeze %dma_start3A_223 : memref<1x!tpu.dma_semaphore, #tpu.memory_space<semaphore_mem>> -> memref<!tpu.dma_semaphore, #tpu.memory_space<semaphore_mem>>
    tpu.enqueue_indirect_dma source(%dma_start3A_222 : memref<10000x128xf32, #tpu.memory_space<hbm>>) target(%dma_start3A_212 : memref<128x128xf32, #tpu.memory_space<vmem>>) offsets(%dma_start3A_219 : memref<128xi32, #tpu.memory_space<vmem>>) semaphore(%dma_start3A_224 : memref<!tpu.dma_semaphore, #tpu.memory_space<semaphore_mem>>)
    %mul3A_225 = arith.constant 632 : i32
    %mul3A_226 = arith.muli %arg1, %mul3A_225 : i32
    %mul3A_227 = arith.constant 632 : i32
    %mul3A_228 = arith.muli %arg1, %mul3A_227 : i32
    "tpu.region"() ({
      %run_scoped3A = tpu.sem_alloc : memref<!tpu.dma_semaphore, #tpu.memory_space<semaphore_mem>>
      %dma_start3A_242 = arith.constant 0 : i32
      %dma_start3A_243 = tpu.memref_slice %arg11[%mul3A_228, %dma_start3A_242] : memref<10112x128xf32, #tpu.memory_space<vmem_shared>> -> memref<632x128xf32, #tpu.memory_space<vmem_shared>>
      %dma_start3A_244 = arith.constant 0 : i32
      %dma_start3A_245 = tpu.memref_slice %arg5[%mul3A_226, %dma_start3A_244] : memref<10112x128xf32, #tpu.memory_space<hbm>> -> memref<632x128xf32, #tpu.memory_space<hbm>>
      tpu.enqueue_dma source(%dma_start3A_245 : memref<632x128xf32, #tpu.memory_space<hbm>>) target(%dma_start3A_243 : memref<632x128xf32, #tpu.memory_space<vmem_shared>>) target_semaphore(%run_scoped3A : memref<!tpu.dma_semaphore, #tpu.memory_space<semaphore_mem>>)
      %dma_wait3A_246 = arith.constant 0 : i32
      %dma_wait3A_247 = tpu.memref_slice %arg11[%mul3A_228, %dma_wait3A_246] : memref<10112x128xf32, #tpu.memory_space<vmem_shared>> -> memref<632x128xf32, #tpu.memory_space<vmem_shared>>
      %dma_wait3A_248 = arith.constant 0 : i32
      %dma_wait3A_249 = tpu.memref_slice %arg5[%mul3A_226, %dma_wait3A_248] : memref<10112x128xf32, #tpu.memory_space<hbm>> -> memref<632x128xf32, #tpu.memory_space<hbm>>
      tpu.wait_dma2 semaphore(%run_scoped3A : memref<!tpu.dma_semaphore, #tpu.memory_space<semaphore_mem>>) src(%dma_wait3A_249 : memref<632x128xf32, #tpu.memory_space<hbm>>) dst(%dma_wait3A_247 : memref<632x128xf32, #tpu.memory_space<vmem_shared>>)
      tpu.yield
    }) : () -> ()
    %barrier3A = arith.constant 0 : index
    tpu.barrier barrier_id(%barrier3A)
    %scan3A = arith.constant 0 : i32
    %scan3A_229 = arith.constant 0 : i32
    %scan3A_230 = arith.constant 80 : i32
    %scan3A_231 = arith.addi %scan3A_229, %scan3A_230 : i32
    %scan3A_232 = arith.constant 1 : i32
    scf.for %scan3A_242 = %scan3A_229 to %scan3A_231 step %scan3A_232  : i32 {
      %rem3A = arith.constant 2 : i32
      %rem3A_243 = arith.remsi %scan3A_242, %rem3A : i32
      %div3A = arith.constant 20 : i32
      %div3A_244 = arith.divsi %scan3A_242, %div3A : i32
      %rem3A_245 = arith.constant 2 : i32
      %rem3A_246 = arith.remsi %div3A_244, %rem3A_245 : i32
      %rem3A_247 = arith.constant 20 : i32
      %rem3A_248 = arith.remsi %scan3A_242, %rem3A_247 : i32
      %dma_wait3A_249 = arith.constant 0 : i32
      %dma_wait3A_250 = arith.constant 0 : i32
      %dma_wait3A_251 = tpu.memref_slice %arg10[%rem3A_243, %dma_wait3A_249, %dma_wait3A_250] : memref<2x128x128xf32, #tpu.memory_space<vmem>> -> memref<1x128x128xf32, #tpu.memory_space<vmem>>
      %dma_wait3A_252 = tpu.memref_squeeze %dma_wait3A_251 : memref<1x128x128xf32, #tpu.memory_space<vmem>> -> memref<128x128xf32, #tpu.memory_space<vmem>>
      %dma_wait3A_253 = arith.constant 0 : i32
      %dma_wait3A_254 = arith.constant 0 : i32
      %dma_wait3A_255 = tpu.memref_slice %arg8[%rem3A_246, %dma_wait3A_253, %dma_wait3A_254] : memref<2x20x128xi32, #tpu.memory_space<vmem>> -> memref<1x20x128xi32, #tpu.memory_space<vmem>>
      %dma_wait3A_256 = tpu.memref_squeeze %dma_wait3A_255 : memref<1x20x128xi32, #tpu.memory_space<vmem>> -> memref<20x128xi32, #tpu.memory_space<vmem>>
      %dma_wait3A_257 = arith.constant 0 : i32
      %dma_wait3A_258 = tpu.memref_slice %dma_wait3A_256[%rem3A_248, %dma_wait3A_257] : memref<20x128xi32, #tpu.memory_space<vmem>> -> memref<1x128xi32, #tpu.memory_space<vmem>>
      %dma_wait3A_259 = tpu.memref_squeeze %dma_wait3A_258 : memref<1x128xi32, #tpu.memory_space<vmem>> -> memref<128xi32, #tpu.memory_space<vmem>>
      %dma_wait3A_260 = arith.constant 0 : i32
      %dma_wait3A_261 = arith.constant 0 : i32
      %dma_wait3A_262 = tpu.memref_slice %arg2[%dma_wait3A_260, %dma_wait3A_261] : memref<10000x128xf32, #tpu.memory_space<hbm>> -> memref<10000x128xf32, #tpu.memory_space<hbm>>
      %dma_wait3A_263 = tpu.memref_slice %arg12[%rem3A_243] : memref<2x!tpu.dma_semaphore, #tpu.memory_space<semaphore_mem>> -> memref<1x!tpu.dma_semaphore, #tpu.memory_space<semaphore_mem>>
      %dma_wait3A_264 = tpu.memref_squeeze %dma_wait3A_263 : memref<1x!tpu.dma_semaphore, #tpu.memory_space<semaphore_mem>> -> memref<!tpu.dma_semaphore, #tpu.memory_space<semaphore_mem>>
      tpu.wait_indirect_dma semaphore(%dma_wait3A_264 : memref<!tpu.dma_semaphore, #tpu.memory_space<semaphore_mem>>) src(%dma_wait3A_262 : memref<10000x128xf32, #tpu.memory_space<hbm>>) dst(%dma_wait3A_252 : memref<128x128xf32, #tpu.memory_space<vmem>>)
      %add3A_265 = arith.constant 2 : i32
      %add3A_266 = arith.addi %scan3A_242, %add3A_265 : i32
      %lt3A = arith.constant 80 : i32
      %lt3A_267 = arith.cmpi slt, %add3A_266, %lt3A : i32
      %convert_element_type3A_268 = arith.extui %lt3A_267 : i1 to i32
      %cond3A_269 = arith.constant 0 : i32
      %cond3A_270 = arith.cmpi ne, %convert_element_type3A_268, %cond3A_269 : i32
      scf.if %cond3A_270 {
        %add3A_282 = arith.constant 2 : i32
        %add3A_283 = arith.addi %scan3A_242, %add3A_282 : i32
        %div3A_284 = arith.constant 20 : i32
        %div3A_285 = arith.divsi %add3A_283, %div3A_284 : i32
        %rem3A_286 = arith.constant 2 : i32
        %rem3A_287 = arith.remsi %div3A_285, %rem3A_286 : i32
        %rem3A_288 = arith.constant 20 : i32
        %rem3A_289 = arith.remsi %add3A_283, %rem3A_288 : i32
        %eq3A_290 = arith.constant 0 : i32
        %eq3A_291 = arith.cmpi eq, %rem3A_289, %eq3A_290 : i32
        %convert_element_type3A_292 = arith.extui %eq3A_291 : i1 to i32
        %cond3A_293 = arith.constant 0 : i32
        %cond3A_294 = arith.cmpi ne, %convert_element_type3A_292, %cond3A_293 : i32
        scf.if %cond3A_294 {
          %div3A_313 = arith.constant 20 : i32
          %div3A_314 = arith.divsi %add3A_283, %div3A_313 : i32
          %dma_wait3A_315 = arith.constant 0 : i32
          %dma_wait3A_316 = arith.constant 0 : i32
          %dma_wait3A_317 = tpu.memref_slice %arg8[%rem3A_287, %dma_wait3A_315, %dma_wait3A_316] : memref<2x20x128xi32, #tpu.memory_space<vmem>> -> memref<1x20x128xi32, #tpu.memory_space<vmem>>
          %dma_wait3A_318 = tpu.memref_squeeze %dma_wait3A_317 : memref<1x20x128xi32, #tpu.memory_space<vmem>> -> memref<20x128xi32, #tpu.memory_space<vmem>>
          %dma_wait3A_319 = arith.constant 0 : i32
          %dma_wait3A_320 = arith.constant 0 : i32
          %dma_wait3A_321 = arith.constant 0 : i32
          %dma_wait3A_322 = tpu.memref_slice %arg3[%add3A, %dma_wait3A_319, %dma_wait3A_320, %dma_wait3A_321] : memref<32x4x20x128xi32, #tpu.memory_space<hbm>> -> memref<1x4x20x128xi32, #tpu.memory_space<hbm>>
          %dma_wait3A_323 = tpu.memref_squeeze %dma_wait3A_322 : memref<1x4x20x128xi32, #tpu.memory_space<hbm>> -> memref<4x20x128xi32, #tpu.memory_space<hbm>>
          %dma_wait3A_324 = arith.constant 0 : i32
          %dma_wait3A_325 = arith.constant 0 : i32
          %dma_wait3A_326 = tpu.memref_slice %dma_wait3A_323[%div3A_314, %dma_wait3A_324, %dma_wait3A_325] : memref<4x20x128xi32, #tpu.memory_space<hbm>> -> memref<1x20x128xi32, #tpu.memory_space<hbm>>
          %dma_wait3A_327 = tpu.memref_squeeze %dma_wait3A_326 : memref<1x20x128xi32, #tpu.memory_space<hbm>> -> memref<20x128xi32, #tpu.memory_space<hbm>>
          %dma_wait3A_328 = tpu.memref_slice %arg13[%rem3A_287] : memref<2x!tpu.dma_semaphore, #tpu.memory_space<semaphore_mem>> -> memref<1x!tpu.dma_semaphore, #tpu.memory_space<semaphore_mem>>
          %dma_wait3A_329 = tpu.memref_squeeze %dma_wait3A_328 : memref<1x!tpu.dma_semaphore, #tpu.memory_space<semaphore_mem>> -> memref<!tpu.dma_semaphore, #tpu.memory_space<semaphore_mem>>
          %dma_wait3A_330 = arith.constant 0 : i32
          %dma_wait3A_331 = arith.constant 0 : i32
          %dma_wait3A_332 = tpu.memref_slice %arg8[%rem3A_287, %dma_wait3A_330, %dma_wait3A_331] : memref<2x20x128xi32, #tpu.memory_space<vmem>> -> memref<1x20x128xi32, #tpu.memory_space<vmem>>
          %dma_wait3A_333 = tpu.memref_squeeze %dma_wait3A_332 : memref<1x20x128xi32, #tpu.memory_space<vmem>> -> memref<20x128xi32, #tpu.memory_space<vmem>>
          %dma_wait3A_334 = arith.constant 0 : i32
          %dma_wait3A_335 = arith.constant 0 : i32
          %dma_wait3A_336 = arith.constant 0 : i32
          %dma_wait3A_337 = tpu.memref_slice %arg3[%add3A, %dma_wait3A_334, %dma_wait3A_335, %dma_wait3A_336] : memref<32x4x20x128xi32, #tpu.memory_space<hbm>> -> memref<1x4x20x128xi32, #tpu.memory_space<hbm>>
          %dma_wait3A_338 = tpu.memref_squeeze %dma_wait3A_337 : memref<1x4x20x128xi32, #tpu.memory_space<hbm>> -> memref<4x20x128xi32, #tpu.memory_space<hbm>>
          %dma_wait3A_339 = arith.constant 0 : i32
          %dma_wait3A_340 = arith.constant 0 : i32
          %dma_wait3A_341 = tpu.memref_slice %dma_wait3A_338[%div3A_314, %dma_wait3A_339, %dma_wait3A_340] : memref<4x20x128xi32, #tpu.memory_space<hbm>> -> memref<1x20x128xi32, #tpu.memory_space<hbm>>
          %dma_wait3A_342 = tpu.memref_squeeze %dma_wait3A_341 : memref<1x20x128xi32, #tpu.memory_space<hbm>> -> memref<20x128xi32, #tpu.memory_space<hbm>>
          tpu.wait_dma2 semaphore(%dma_wait3A_329 : memref<!tpu.dma_semaphore, #tpu.memory_space<semaphore_mem>>) src(%dma_wait3A_342 : memref<20x128xi32, #tpu.memory_space<hbm>>) dst(%dma_wait3A_333 : memref<20x128xi32, #tpu.memory_space<vmem>>)
          %dma_wait3A_343 = arith.constant 0 : i32
          %dma_wait3A_344 = arith.constant 0 : i32
          %dma_wait3A_345 = tpu.memref_slice %arg9[%rem3A_287, %dma_wait3A_343, %dma_wait3A_344] : memref<2x20x128xi32, #tpu.memory_space<vmem>> -> memref<1x20x128xi32, #tpu.memory_space<vmem>>
          %dma_wait3A_346 = tpu.memref_squeeze %dma_wait3A_345 : memref<1x20x128xi32, #tpu.memory_space<vmem>> -> memref<20x128xi32, #tpu.memory_space<vmem>>
          %dma_wait3A_347 = arith.constant 0 : i32
          %dma_wait3A_348 = arith.constant 0 : i32
          %dma_wait3A_349 = arith.constant 0 : i32
          %dma_wait3A_350 = tpu.memref_slice %arg4[%add3A, %dma_wait3A_347, %dma_wait3A_348, %dma_wait3A_349] : memref<32x4x20x128xi32, #tpu.memory_space<hbm>> -> memref<1x4x20x128xi32, #tpu.memory_space<hbm>>
          %dma_wait3A_351 = tpu.memref_squeeze %dma_wait3A_350 : memref<1x4x20x128xi32, #tpu.memory_space<hbm>> -> memref<4x20x128xi32, #tpu.memory_space<hbm>>
          %dma_wait3A_352 = arith.constant 0 : i32
          %dma_wait3A_353 = arith.constant 0 : i32
          %dma_wait3A_354 = tpu.memref_slice %dma_wait3A_351[%div3A_314, %dma_wait3A_352, %dma_wait3A_353] : memref<4x20x128xi32, #tpu.memory_space<hbm>> -> memref<1x20x128xi32, #tpu.memory_space<hbm>>
          %dma_wait3A_355 = tpu.memref_squeeze %dma_wait3A_354 : memref<1x20x128xi32, #tpu.memory_space<hbm>> -> memref<20x128xi32, #tpu.memory_space<hbm>>
          %dma_wait3A_356 = tpu.memref_slice %arg13[%rem3A_287] : memref<2x!tpu.dma_semaphore, #tpu.memory_space<semaphore_mem>> -> memref<1x!tpu.dma_semaphore, #tpu.memory_space<semaphore_mem>>
          %dma_wait3A_357 = tpu.memref_squeeze %dma_wait3A_356 : memref<1x!tpu.dma_semaphore, #tpu.memory_space<semaphore_mem>> -> memref<!tpu.dma_semaphore, #tpu.memory_space<semaphore_mem>>
          %dma_wait3A_358 = arith.constant 0 : i32
          %dma_wait3A_359 = arith.constant 0 : i32
          %dma_wait3A_360 = tpu.memref_slice %arg9[%rem3A_287, %dma_wait3A_358, %dma_wait3A_359] : memref<2x20x128xi32, #tpu.memory_space<vmem>> -> memref<1x20x128xi32, #tpu.memory_space<vmem>>
          %dma_wait3A_361 = tpu.memref_squeeze %dma_wait3A_360 : memref<1x20x128xi32, #tpu.memory_space<vmem>> -> memref<20x128xi32, #tpu.memory_space<vmem>>
          %dma_wait3A_362 = arith.constant 0 : i32
          %dma_wait3A_363 = arith.constant 0 : i32
          %dma_wait3A_364 = arith.constant 0 : i32
          %dma_wait3A_365 = tpu.memref_slice %arg4[%add3A, %dma_wait3A_362, %dma_wait3A_363, %dma_wait3A_364] : memref<32x4x20x128xi32, #tpu.memory_space<hbm>> -> memref<1x4x20x128xi32, #tpu.memory_space<hbm>>
          %dma_wait3A_366 = tpu.memref_squeeze %dma_wait3A_365 : memref<1x4x20x128xi32, #tpu.memory_space<hbm>> -> memref<4x20x128xi32, #tpu.memory_space<hbm>>
          %dma_wait3A_367 = arith.constant 0 : i32
          %dma_wait3A_368 = arith.constant 0 : i32
          %dma_wait3A_369 = tpu.memref_slice %dma_wait3A_366[%div3A_314, %dma_wait3A_367, %dma_wait3A_368] : memref<4x20x128xi32, #tpu.memory_space<hbm>> -> memref<1x20x128xi32, #tpu.memory_space<hbm>>
          %dma_wait3A_370 = tpu.memref_squeeze %dma_wait3A_369 : memref<1x20x128xi32, #tpu.memory_space<hbm>> -> memref<20x128xi32, #tpu.memory_space<hbm>>
          tpu.wait_dma2 semaphore(%dma_wait3A_357 : memref<!tpu.dma_semaphore, #tpu.memory_space<semaphore_mem>>) src(%dma_wait3A_370 : memref<20x128xi32, #tpu.memory_space<hbm>>) dst(%dma_wait3A_361 : memref<20x128xi32, #tpu.memory_space<vmem>>)
        } else {
        }
        %rem3A_295 = arith.constant 2 : i32
        %rem3A_296 = arith.remsi %add3A_283, %rem3A_295 : i32
        %dma_start3A_297 = arith.constant 0 : i32
        %dma_start3A_298 = arith.constant 0 : i32
        %dma_start3A_299 = tpu.memref_slice %arg10[%rem3A_296, %dma_start3A_297, %dma_start3A_298] : memref<2x128x128xf32, #tpu.memory_space<vmem>> -> memref<1x128x128xf32, #tpu.memory_space<vmem>>
        %dma_start3A_300 = tpu.memref_squeeze %dma_start3A_299 : memref<1x128x128xf32, #tpu.memory_space<vmem>> -> memref<128x128xf32, #tpu.memory_space<vmem>>
        %dma_start3A_301 = arith.constant 0 : i32
        %dma_start3A_302 = arith.constant 0 : i32
        %dma_start3A_303 = tpu.memref_slice %arg8[%rem3A_287, %dma_start3A_301, %dma_start3A_302] : memref<2x20x128xi32, #tpu.memory_space<vmem>> -> memref<1x20x128xi32, #tpu.memory_space<vmem>>
        %dma_start3A_304 = tpu.memref_squeeze %dma_start3A_303 : memref<1x20x128xi32, #tpu.memory_space<vmem>> -> memref<20x128xi32, #tpu.memory_space<vmem>>
        %dma_start3A_305 = arith.constant 0 : i32
        %dma_start3A_306 = tpu.memref_slice %dma_start3A_304[%rem3A_289, %dma_start3A_305] : memref<20x128xi32, #tpu.memory_space<vmem>> -> memref<1x128xi32, #tpu.memory_space<vmem>>
        %dma_start3A_307 = tpu.memref_squeeze %dma_start3A_306 : memref<1x128xi32, #tpu.memory_space<vmem>> -> memref<128xi32, #tpu.memory_space<vmem>>
        %dma_start3A_308 = arith.constant 0 : i32
        %dma_start3A_309 = arith.constant 0 : i32
        %dma_start3A_310 = tpu.memref_slice %arg2[%dma_start3A_308, %dma_start3A_309] : memref<10000x128xf32, #tpu.memory_space<hbm>> -> memref<10000x128xf32, #tpu.memory_space<hbm>>
        %dma_start3A_311 = tpu.memref_slice %arg12[%rem3A_296] : memref<2x!tpu.dma_semaphore, #tpu.memory_space<semaphore_mem>> -> memref<1x!tpu.dma_semaphore, #tpu.memory_space<semaphore_mem>>
        %dma_start3A_312 = tpu.memref_squeeze %dma_start3A_311 : memref<1x!tpu.dma_semaphore, #tpu.memory_space<semaphore_mem>> -> memref<!tpu.dma_semaphore, #tpu.memory_space<semaphore_mem>>
        tpu.enqueue_indirect_dma source(%dma_start3A_310 : memref<10000x128xf32, #tpu.memory_space<hbm>>) target(%dma_start3A_300 : memref<128x128xf32, #tpu.memory_space<vmem>>) offsets(%dma_start3A_307 : memref<128xi32, #tpu.memory_space<vmem>>) semaphore(%dma_start3A_312 : memref<!tpu.dma_semaphore, #tpu.memory_space<semaphore_mem>>)
      } else {
      }
      "tpu.region"() ({
        %run_scoped3A = tpu.sem_alloc : memref<!tpu.dma_semaphore, #tpu.memory_space<semaphore_mem>>
        %dma_start3A_282 = arith.constant 0 : i32
        %dma_start3A_283 = arith.constant 0 : i32
        %dma_start3A_284 = tpu.memref_slice %arg10[%rem3A_243, %dma_start3A_282, %dma_start3A_283] : memref<2x128x128xf32, #tpu.memory_space<vmem>> -> memref<1x128x128xf32, #tpu.memory_space<vmem>>
        %dma_start3A_285 = tpu.memref_squeeze %dma_start3A_284 : memref<1x128x128xf32, #tpu.memory_space<vmem>> -> memref<128x128xf32, #tpu.memory_space<vmem>>
        %dma_start3A_286 = arith.constant 0 : i32
        %dma_start3A_287 = arith.constant 0 : i32
        %dma_start3A_288 = tpu.memref_slice %arg9[%rem3A_246, %dma_start3A_286, %dma_start3A_287] : memref<2x20x128xi32, #tpu.memory_space<vmem>> -> memref<1x20x128xi32, #tpu.memory_space<vmem>>
        %dma_start3A_289 = tpu.memref_squeeze %dma_start3A_288 : memref<1x20x128xi32, #tpu.memory_space<vmem>> -> memref<20x128xi32, #tpu.memory_space<vmem>>
        %dma_start3A_290 = arith.constant 0 : i32
        %dma_start3A_291 = tpu.memref_slice %dma_start3A_289[%rem3A_248, %dma_start3A_290] : memref<20x128xi32, #tpu.memory_space<vmem>> -> memref<1x128xi32, #tpu.memory_space<vmem>>
        %dma_start3A_292 = tpu.memref_squeeze %dma_start3A_291 : memref<1x128xi32, #tpu.memory_space<vmem>> -> memref<128xi32, #tpu.memory_space<vmem>>
        %dma_start3A_293 = arith.constant 0 : i32
        %dma_start3A_294 = arith.constant 0 : i32
        %dma_start3A_295 = tpu.memref_slice %arg11[%dma_start3A_293, %dma_start3A_294] : memref<10112x128xf32, #tpu.memory_space<vmem_shared>> -> memref<10112x128xf32, #tpu.memory_space<vmem_shared>>
        tpu.enqueue_indirect_dma source(%dma_start3A_285 : memref<128x128xf32, #tpu.memory_space<vmem>>) target(%dma_start3A_295 : memref<10112x128xf32, #tpu.memory_space<vmem_shared>>) offsets(%dma_start3A_292 : memref<128xi32, #tpu.memory_space<vmem>>) semaphore(%run_scoped3A : memref<!tpu.dma_semaphore, #tpu.memory_space<semaphore_mem>>) {add = true}
        %dma_wait3A_296 = arith.constant 0 : i32
        %dma_wait3A_297 = arith.constant 0 : i32
        %dma_wait3A_298 = tpu.memref_slice %arg10[%rem3A_243, %dma_wait3A_296, %dma_wait3A_297] : memref<2x128x128xf32, #tpu.memory_space<vmem>> -> memref<1x128x128xf32, #tpu.memory_space<vmem>>
        %dma_wait3A_299 = tpu.memref_squeeze %dma_wait3A_298 : memref<1x128x128xf32, #tpu.memory_space<vmem>> -> memref<128x128xf32, #tpu.memory_space<vmem>>
        %dma_wait3A_300 = arith.constant 0 : i32
        %dma_wait3A_301 = arith.constant 0 : i32
        %dma_wait3A_302 = tpu.memref_slice %arg9[%rem3A_246, %dma_wait3A_300, %dma_wait3A_301] : memref<2x20x128xi32, #tpu.memory_space<vmem>> -> memref<1x20x128xi32, #tpu.memory_space<vmem>>
        %dma_wait3A_303 = tpu.memref_squeeze %dma_wait3A_302 : memref<1x20x128xi32, #tpu.memory_space<vmem>> -> memref<20x128xi32, #tpu.memory_space<vmem>>
        %dma_wait3A_304 = arith.constant 0 : i32
        %dma_wait3A_305 = tpu.memref_slice %dma_wait3A_303[%rem3A_248, %dma_wait3A_304] : memref<20x128xi32, #tpu.memory_space<vmem>> -> memref<1x128xi32, #tpu.memory_space<vmem>>
        %dma_wait3A_306 = tpu.memref_squeeze %dma_wait3A_305 : memref<1x128xi32, #tpu.memory_space<vmem>> -> memref<128xi32, #tpu.memory_space<vmem>>
        %dma_wait3A_307 = arith.constant 0 : i32
        %dma_wait3A_308 = arith.constant 0 : i32
        %dma_wait3A_309 = tpu.memref_slice %arg11[%dma_wait3A_307, %dma_wait3A_308] : memref<10112x128xf32, #tpu.memory_space<vmem_shared>> -> memref<10112x128xf32, #tpu.memory_space<vmem_shared>>
        tpu.wait_indirect_dma semaphore(%run_scoped3A : memref<!tpu.dma_semaphore, #tpu.memory_space<semaphore_mem>>) src(%dma_wait3A_299 : memref<128x128xf32, #tpu.memory_space<vmem>>) dst(%dma_wait3A_309 : memref<10112x128xf32, #tpu.memory_space<vmem_shared>>)
        tpu.yield
      }) : () -> ()
      %eq3A_271 = arith.constant 0 : i32
      %eq3A_272 = arith.cmpi eq, %rem3A_248, %eq3A_271 : i32
      %ge3A = arith.constant 20 : i32
      %ge3A_273 = arith.cmpi sge, %scan3A_242, %ge3A : i32
      %and3A = arith.andi %eq3A_272, %ge3A_273 : i1
      %add3A_274 = arith.constant 1 : i32
      %add3A_275 = arith.addi %div3A_244, %add3A_274 : i32
      %lt3A_276 = arith.constant 4 : i32
      %lt3A_277 = arith.cmpi slt, %add3A_275, %lt3A_276 : i32
      %and3A_278 = arith.andi %and3A, %lt3A_277 : i1
      %convert_element_type3A_279 = arith.extui %and3A_278 : i1 to i32
      %cond3A_280 = arith.constant 0 : i32
      %cond3A_281 = arith.cmpi ne, %convert_element_type3A_279, %cond3A_280 : i32
      scf.if %cond3A_281 {
        %add3A_282 = arith.constant 1 : i32
        %add3A_283 = arith.addi %div3A_244, %add3A_282 : i32
        %add3A_284 = arith.constant 1 : i32
        %add3A_285 = arith.addi %div3A_244, %add3A_284 : i32
        %rem3A_286 = arith.constant 2 : i32
        %rem3A_287 = arith.remsi %add3A_285, %rem3A_286 : i32
        %dma_start3A_288 = arith.constant 0 : i32
        %dma_start3A_289 = arith.constant 0 : i32
        %dma_start3A_290 = tpu.memref_slice %arg8[%rem3A_287, %dma_start3A_288, %dma_start3A_289] : memref<2x20x128xi32, #tpu.memory_space<vmem>> -> memref<1x20x128xi32, #tpu.memory_space<vmem>>
        %dma_start3A_291 = tpu.memref_squeeze %dma_start3A_290 : memref<1x20x128xi32, #tpu.memory_space<vmem>> -> memref<20x128xi32, #tpu.memory_space<vmem>>
        %dma_start3A_292 = arith.constant 0 : i32
        %dma_start3A_293 = arith.constant 0 : i32
        %dma_start3A_294 = arith.constant 0 : i32
        %dma_start3A_295 = tpu.memref_slice %arg3[%add3A, %dma_start3A_292, %dma_start3A_293, %dma_start3A_294] : memref<32x4x20x128xi32, #tpu.memory_space<hbm>> -> memref<1x4x20x128xi32, #tpu.memory_space<hbm>>
        %dma_start3A_296 = tpu.memref_squeeze %dma_start3A_295 : memref<1x4x20x128xi32, #tpu.memory_space<hbm>> -> memref<4x20x128xi32, #tpu.memory_space<hbm>>
        %dma_start3A_297 = arith.constant 0 : i32
        %dma_start3A_298 = arith.constant 0 : i32
        %dma_start3A_299 = tpu.memref_slice %dma_start3A_296[%add3A_283, %dma_start3A_297, %dma_start3A_298] : memref<4x20x128xi32, #tpu.memory_space<hbm>> -> memref<1x20x128xi32, #tpu.memory_space<hbm>>
        %dma_start3A_300 = tpu.memref_squeeze %dma_start3A_299 : memref<1x20x128xi32, #tpu.memory_space<hbm>> -> memref<20x128xi32, #tpu.memory_space<hbm>>
        %dma_start3A_301 = tpu.memref_slice %arg13[%rem3A_287] : memref<2x!tpu.dma_semaphore, #tpu.memory_space<semaphore_mem>> -> memref<1x!tpu.dma_semaphore, #tpu.memory_space<semaphore_mem>>
        %dma_start3A_302 = tpu.memref_squeeze %dma_start3A_301 : memref<1x!tpu.dma_semaphore, #tpu.memory_space<semaphore_mem>> -> memref<!tpu.dma_semaphore, #tpu.memory_space<semaphore_mem>>
        %dma_start3A_303 = arith.constant 0 : i32
        %dma_start3A_304 = arith.constant 0 : i32
        %dma_start3A_305 = tpu.memref_slice %arg8[%rem3A_287, %dma_start3A_303, %dma_start3A_304] : memref<2x20x128xi32, #tpu.memory_space<vmem>> -> memref<1x20x128xi32, #tpu.memory_space<vmem>>
        %dma_start3A_306 = tpu.memref_squeeze %dma_start3A_305 : memref<1x20x128xi32, #tpu.memory_space<vmem>> -> memref<20x128xi32, #tpu.memory_space<vmem>>
        %dma_start3A_307 = arith.constant 0 : i32
        %dma_start3A_308 = arith.constant 0 : i32
        %dma_start3A_309 = arith.constant 0 : i32
        %dma_start3A_310 = tpu.memref_slice %arg3[%add3A, %dma_start3A_307, %dma_start3A_308, %dma_start3A_309] : memref<32x4x20x128xi32, #tpu.memory_space<hbm>> -> memref<1x4x20x128xi32, #tpu.memory_space<hbm>>
        %dma_start3A_311 = tpu.memref_squeeze %dma_start3A_310 : memref<1x4x20x128xi32, #tpu.memory_space<hbm>> -> memref<4x20x128xi32, #tpu.memory_space<hbm>>
        %dma_start3A_312 = arith.constant 0 : i32
        %dma_start3A_313 = arith.constant 0 : i32
        %dma_start3A_314 = tpu.memref_slice %dma_start3A_311[%add3A_283, %dma_start3A_312, %dma_start3A_313] : memref<4x20x128xi32, #tpu.memory_space<hbm>> -> memref<1x20x128xi32, #tpu.memory_space<hbm>>
        %dma_start3A_315 = tpu.memref_squeeze %dma_start3A_314 : memref<1x20x128xi32, #tpu.memory_space<hbm>> -> memref<20x128xi32, #tpu.memory_space<hbm>>
        tpu.enqueue_dma source(%dma_start3A_315 : memref<20x128xi32, #tpu.memory_space<hbm>>) target(%dma_start3A_306 : memref<20x128xi32, #tpu.memory_space<vmem>>) target_semaphore(%dma_start3A_302 : memref<!tpu.dma_semaphore, #tpu.memory_space<semaphore_mem>>)
        %dma_start3A_316 = arith.constant 0 : i32
        %dma_start3A_317 = arith.constant 0 : i32
        %dma_start3A_318 = tpu.memref_slice %arg9[%rem3A_287, %dma_start3A_316, %dma_start3A_317] : memref<2x20x128xi32, #tpu.memory_space<vmem>> -> memref<1x20x128xi32, #tpu.memory_space<vmem>>
        %dma_start3A_319 = tpu.memref_squeeze %dma_start3A_318 : memref<1x20x128xi32, #tpu.memory_space<vmem>> -> memref<20x128xi32, #tpu.memory_space<vmem>>
        %dma_start3A_320 = arith.constant 0 : i32
        %dma_start3A_321 = arith.constant 0 : i32
        %dma_start3A_322 = arith.constant 0 : i32
        %dma_start3A_323 = tpu.memref_slice %arg4[%add3A, %dma_start3A_320, %dma_start3A_321, %dma_start3A_322] : memref<32x4x20x128xi32, #tpu.memory_space<hbm>> -> memref<1x4x20x128xi32, #tpu.memory_space<hbm>>
        %dma_start3A_324 = tpu.memref_squeeze %dma_start3A_323 : memref<1x4x20x128xi32, #tpu.memory_space<hbm>> -> memref<4x20x128xi32, #tpu.memory_space<hbm>>
        %dma_start3A_325 = arith.constant 0 : i32
        %dma_start3A_326 = arith.constant 0 : i32
        %dma_start3A_327 = tpu.memref_slice %dma_start3A_324[%add3A_283, %dma_start3A_325, %dma_start3A_326] : memref<4x20x128xi32, #tpu.memory_space<hbm>> -> memref<1x20x128xi32, #tpu.memory_space<hbm>>
        %dma_start3A_328 = tpu.memref_squeeze %dma_start3A_327 : memref<1x20x128xi32, #tpu.memory_space<hbm>> -> memref<20x128xi32, #tpu.memory_space<hbm>>
        %dma_start3A_329 = tpu.memref_slice %arg13[%rem3A_287] : memref<2x!tpu.dma_semaphore, #tpu.memory_space<semaphore_mem>> -> memref<1x!tpu.dma_semaphore, #tpu.memory_space<semaphore_mem>>
        %dma_start3A_330 = tpu.memref_squeeze %dma_start3A_329 : memref<1x!tpu.dma_semaphore, #tpu.memory_space<semaphore_mem>> -> memref<!tpu.dma_semaphore, #tpu.memory_space<semaphore_mem>>
        %dma_start3A_331 = arith.constant 0 : i32
        %dma_start3A_332 = arith.constant 0 : i32
        %dma_start3A_333 = tpu.memref_slice %arg9[%rem3A_287, %dma_start3A_331, %dma_start3A_332] : memref<2x20x128xi32, #tpu.memory_space<vmem>> -> memref<1x20x128xi32, #tpu.memory_space<vmem>>
        %dma_start3A_334 = tpu.memref_squeeze %dma_start3A_333 : memref<1x20x128xi32, #tpu.memory_space<vmem>> -> memref<20x128xi32, #tpu.memory_space<vmem>>
        %dma_start3A_335 = arith.constant 0 : i32
        %dma_start3A_336 = arith.constant 0 : i32
        %dma_start3A_337 = arith.constant 0 : i32
        %dma_start3A_338 = tpu.memref_slice %arg4[%add3A, %dma_start3A_335, %dma_start3A_336, %dma_start3A_337] : memref<32x4x20x128xi32, #tpu.memory_space<hbm>> -> memref<1x4x20x128xi32, #tpu.memory_space<hbm>>
        %dma_start3A_339 = tpu.memref_squeeze %dma_start3A_338 : memref<1x4x20x128xi32, #tpu.memory_space<hbm>> -> memref<4x20x128xi32, #tpu.memory_space<hbm>>
        %dma_start3A_340 = arith.constant 0 : i32
        %dma_start3A_341 = arith.constant 0 : i32
        %dma_start3A_342 = tpu.memref_slice %dma_start3A_339[%add3A_283, %dma_start3A_340, %dma_start3A_341] : memref<4x20x128xi32, #tpu.memory_space<hbm>> -> memref<1x20x128xi32, #tpu.memory_space<hbm>>
        %dma_start3A_343 = tpu.memref_squeeze %dma_start3A_342 : memref<1x20x128xi32, #tpu.memory_space<hbm>> -> memref<20x128xi32, #tpu.memory_space<hbm>>
        tpu.enqueue_dma source(%dma_start3A_343 : memref<20x128xi32, #tpu.memory_space<hbm>>) target(%dma_start3A_334 : memref<20x128xi32, #tpu.memory_space<vmem>>) target_semaphore(%dma_start3A_330 : memref<!tpu.dma_semaphore, #tpu.memory_space<semaphore_mem>>)
      } else {
      }
    }
    %scan3A_233 = arith.constant 80 : i32
    %barrier3A_234 = arith.constant 0 : index
    tpu.barrier barrier_id(%barrier3A_234)
    %eq3A = arith.constant 0 : i32
    %eq3A_235 = arith.cmpi eq, %arg0, %eq3A : i32
    %convert_element_type3A = arith.extui %eq3A_235 : i1 to i32
    %cond3A = arith.constant 0 : i32
    %cond3A_236 = arith.cmpi ne, %convert_element_type3A, %cond3A : i32
    scf.if %cond3A_236 {
      %mul3A_242 = arith.constant 632 : i32
      %mul3A_243 = arith.muli %arg1, %mul3A_242 : i32
      %mul3A_244 = arith.constant 632 : i32
      %mul3A_245 = arith.muli %arg1, %mul3A_244 : i32
      "tpu.region"() ({
        %run_scoped3A = tpu.sem_alloc : memref<!tpu.dma_semaphore, #tpu.memory_space<semaphore_mem>>
        %dma_start3A_246 = arith.constant 0 : i32
        %dma_start3A_247 = tpu.memref_slice %arg6[%mul3A_245, %dma_start3A_246] : memref<10112x128xf32, #tpu.memory_space<hbm>> -> memref<632x128xf32, #tpu.memory_space<hbm>>
        %dma_start3A_248 = arith.constant 0 : i32
        %dma_start3A_249 = tpu.memref_slice %arg11[%mul3A_243, %dma_start3A_248] : memref<10112x128xf32, #tpu.memory_space<vmem_shared>> -> memref<632x128xf32, #tpu.memory_space<vmem_shared>>
        tpu.enqueue_dma source(%dma_start3A_249 : memref<632x128xf32, #tpu.memory_space<vmem_shared>>) target(%dma_start3A_247 : memref<632x128xf32, #tpu.memory_space<hbm>>) target_semaphore(%run_scoped3A : memref<!tpu.dma_semaphore, #tpu.memory_space<semaphore_mem>>)
        %dma_wait3A_250 = arith.constant 0 : i32
        %dma_wait3A_251 = tpu.memref_slice %arg6[%mul3A_245, %dma_wait3A_250] : memref<10112x128xf32, #tpu.memory_space<hbm>> -> memref<632x128xf32, #tpu.memory_space<hbm>>
        %dma_wait3A_252 = arith.constant 0 : i32
        %dma_wait3A_253 = tpu.memref_slice %arg11[%mul3A_243, %dma_wait3A_252] : memref<10112x128xf32, #tpu.memory_space<vmem_shared>> -> memref<632x128xf32, #tpu.memory_space<vmem_shared>>
        tpu.wait_dma2 semaphore(%run_scoped3A : memref<!tpu.dma_semaphore, #tpu.memory_space<semaphore_mem>>) src(%dma_wait3A_253 : memref<632x128xf32, #tpu.memory_space<vmem_shared>>) dst(%dma_wait3A_251 : memref<632x128xf32, #tpu.memory_space<hbm>>)
        tpu.yield
      }) : () -> ()
    } else {
    }
    %eq3A_237 = arith.constant 1 : i32
    %eq3A_238 = arith.cmpi eq, %arg0, %eq3A_237 : i32
    %convert_element_type3A_239 = arith.extui %eq3A_238 : i1 to i32
    %cond3A_240 = arith.constant 0 : i32
    %cond3A_241 = arith.cmpi ne, %convert_element_type3A_239, %cond3A_240 : i32
    scf.if %cond3A_241 {
      %mul3A_242 = arith.constant 632 : i32
      %mul3A_243 = arith.muli %arg1, %mul3A_242 : i32
      %mul3A_244 = arith.constant 632 : i32
      %mul3A_245 = arith.muli %arg1, %mul3A_244 : i32
      "tpu.region"() ({
        %run_scoped3A = tpu.sem_alloc : memref<!tpu.dma_semaphore, #tpu.memory_space<semaphore_mem>>
        %dma_start3A_246 = arith.constant 0 : i32
        %dma_start3A_247 = tpu.memref_slice %arg7[%mul3A_245, %dma_start3A_246] : memref<10112x128xf32, #tpu.memory_space<hbm>> -> memref<632x128xf32, #tpu.memory_space<hbm>>
        %dma_start3A_248 = arith.constant 0 : i32
        %dma_start3A_249 = tpu.memref_slice %arg11[%mul3A_243, %dma_start3A_248] : memref<10112x128xf32, #tpu.memory_space<vmem_shared>> -> memref<632x128xf32, #tpu.memory_space<vmem_shared>>
        tpu.enqueue_dma source(%dma_start3A_249 : memref<632x128xf32, #tpu.memory_space<vmem_shared>>) target(%dma_start3A_247 : memref<632x128xf32, #tpu.memory_space<hbm>>) target_semaphore(%run_scoped3A : memref<!tpu.dma_semaphore, #tpu.memory_space<semaphore_mem>>)
        %dma_wait3A_250 = arith.constant 0 : i32
        %dma_wait3A_251 = tpu.memref_slice %arg7[%mul3A_245, %dma_wait3A_250] : memref<10112x128xf32, #tpu.memory_space<hbm>> -> memref<632x128xf32, #tpu.memory_space<hbm>>
        %dma_wait3A_252 = arith.constant 0 : i32
        %dma_wait3A_253 = tpu.memref_slice %arg11[%mul3A_243, %dma_wait3A_252] : memref<10112x128xf32, #tpu.memory_space<vmem_shared>> -> memref<632x128xf32, #tpu.memory_space<vmem_shared>>
        tpu.wait_dma2 semaphore(%run_scoped3A : memref<!tpu.dma_semaphore, #tpu.memory_space<semaphore_mem>>) src(%dma_wait3A_253 : memref<632x128xf32, #tpu.memory_space<vmem_shared>>) dst(%dma_wait3A_251 : memref<632x128xf32, #tpu.memory_space<hbm>>)
        tpu.yield
      }) : () -> ()
    } else {
    }
    return
  }
}

module attributes {stable_mosaic.version = 14 : i64} {
  func.func @_mlp_body(%arg0: i32, %arg1: memref<1xf32, #tpu.memory_space<smem>>, %arg2: memref<5000x128xf32, #tpu.memory_space<vmem>>, %arg3: memref<5000x128xf32, #tpu.memory_space<vmem>>, %arg4: memref<5000x128xf32, #tpu.memory_space<vmem>>, %arg5: memref<128x128xf32, #tpu.memory_space<vmem>>, %arg6: memref<1x128xf32, #tpu.memory_space<vmem>>, %arg7: memref<128x128xf32, #tpu.memory_space<vmem>>, %arg8: memref<1x128xf32, #tpu.memory_space<vmem>>, %arg9: memref<5000x128xf32, #tpu.memory_space<vmem>>) attributes {dimension_semantics = [#tpu.dimension_semantics<arbitrary>], iteration_bounds = array<i64: 2>, scalar_prefetch = 0 : i64, scratch_operands = 0 : i64, tpu.core_type = #tpu.core_type<tc>, window_params = [{transform_indices = @transform_0, window_bounds = array<i64: 1>}, {transform_indices = @transform_1, window_bounds = array<i64: 5000, 128>}, {transform_indices = @transform_2, window_bounds = array<i64: 5000, 128>}, {transform_indices = @transform_3, window_bounds = array<i64: 5000, 128>}, {pipeline_mode = #tpu.pipeline_mode<synchronous>, transform_indices = @transform_4, window_bounds = array<i64: 128, 128>}, {pipeline_mode = #tpu.pipeline_mode<synchronous>, transform_indices = @transform_5, window_bounds = array<i64: 1, 128>}, {pipeline_mode = #tpu.pipeline_mode<synchronous>, transform_indices = @transform_6, window_bounds = array<i64: 128, 128>}, {pipeline_mode = #tpu.pipeline_mode<synchronous>, transform_indices = @transform_7, window_bounds = array<i64: 1, 128>}, {transform_indices = @transform_8, window_bounds = array<i64: 5000, 128>}]} {
    %get3A = arith.constant 0 : index
    %get3A_0 = arith.constant 0 : index
    %get3A_1 = vector.load %arg2[%get3A, %get3A_0] : memref<5000x128xf32, #tpu.memory_space<vmem>>, vector<5000x128xf32>
    %get3A_2 = arith.constant 0 : index
    %get3A_3 = memref.load %arg1[%get3A_2] : memref<1xf32, #tpu.memory_space<smem>>
    %add3A = arith.constant 1.000000e+00 : f32
    %add3A_4 = arith.addf %add3A, %get3A_3 : f32
    %mul3A = vector.broadcast %add3A_4 : f32 to vector<5000x128xf32>
    %mul3A_5 = arith.mulf %get3A_1, %mul3A : vector<5000x128xf32>
    %get3A_6 = arith.constant 0 : index
    %get3A_7 = arith.constant 0 : index
    %get3A_8 = vector.load %arg3[%get3A_6, %get3A_7] : memref<5000x128xf32, #tpu.memory_space<vmem>>, vector<5000x128xf32>
    %add3A_9 = arith.addf %mul3A_5, %get3A_8 : vector<5000x128xf32>
    %get3A_10 = arith.constant 0 : index
    %get3A_11 = arith.constant 0 : index
    %get3A_12 = vector.load %arg4[%get3A_10, %get3A_11] : memref<5000x128xf32, #tpu.memory_space<vmem>>, vector<5000x128xf32>
    %add3A_13 = arith.addf %add3A_9, %get3A_12 : vector<5000x128xf32>
    %get3A_14 = arith.constant 0 : index
    %get3A_15 = arith.constant 0 : index
    %get3A_16 = vector.load %arg5[%get3A_14, %get3A_15] : memref<128x128xf32, #tpu.memory_space<vmem>>, vector<128x128xf32>
    %dot_general3A = arith.constant dense<0.000000e+00> : vector<5000x128xf32>
    %dot_general3A_17 = tpu.matmul %add3A_13, %get3A_16, %dot_general3A {dimension_numbers = #tpu.dot_dimension_numbers<[1], [0], [0], [1], [0, 0, 1, 1], [], []>, transpose_lhs_hint = false} : vector<5000x128xf32>, vector<128x128xf32>, vector<5000x128xf32> -> vector<5000x128xf32>
    %get3A_18 = arith.constant 0 : index
    %get3A_19 = arith.constant 0 : index
    %get3A_20 = vector.load %arg6[%get3A_18, %get3A_19] : memref<1x128xf32, #tpu.memory_space<vmem>>, vector<1x128xf32>
    %add3A_21 = vector.broadcast %get3A_20 : vector<1x128xf32> to vector<5000x128xf32>
    %add3A_22 = arith.addf %dot_general3A_17, %add3A_21 : vector<5000x128xf32>
    %max3A = arith.constant 0.000000e+00 : f32
    %max3A_23 = vector.broadcast %max3A : f32 to vector<5000x128xf32>
    %max3A_24 = arith.maximumf %add3A_22, %max3A_23 : vector<5000x128xf32>
    %get3A_25 = arith.constant 0 : index
    %get3A_26 = arith.constant 0 : index
    %get3A_27 = vector.load %arg7[%get3A_25, %get3A_26] : memref<128x128xf32, #tpu.memory_space<vmem>>, vector<128x128xf32>
    %dot_general3A_28 = arith.constant dense<0.000000e+00> : vector<5000x128xf32>
    %dot_general3A_29 = tpu.matmul %max3A_24, %get3A_27, %dot_general3A_28 {dimension_numbers = #tpu.dot_dimension_numbers<[1], [0], [0], [1], [0, 0, 1, 1], [], []>, transpose_lhs_hint = false} : vector<5000x128xf32>, vector<128x128xf32>, vector<5000x128xf32> -> vector<5000x128xf32>
    %get3A_30 = arith.constant 0 : index
    %get3A_31 = arith.constant 0 : index
    %get3A_32 = vector.load %arg8[%get3A_30, %get3A_31] : memref<1x128xf32, #tpu.memory_space<vmem>>, vector<1x128xf32>
    %add3A_33 = vector.broadcast %get3A_32 : vector<1x128xf32> to vector<5000x128xf32>
    %add3A_34 = arith.addf %dot_general3A_29, %add3A_33 : vector<5000x128xf32>
    %max3A_35 = arith.constant 0.000000e+00 : f32
    %max3A_36 = vector.broadcast %max3A_35 : f32 to vector<5000x128xf32>
    %max3A_37 = arith.maximumf %add3A_34, %max3A_36 : vector<5000x128xf32>
    %swap3A = arith.constant 0 : index
    %swap3A_38 = arith.constant 0 : index
    %swap3A_39 = vector.load %arg9[%swap3A, %swap3A_38] : memref<5000x128xf32, #tpu.memory_space<vmem>>, vector<5000x128xf32>
    tpu.vector_store %arg9[%swap3A, %swap3A_38], %max3A_37 {strides = array<i32>} : memref<5000x128xf32, #tpu.memory_space<vmem>>, vector<5000x128xf32>,
    return
  }
  func.func @transform_0(%arg0: i32) -> i32 {
    %c0_i32 = arith.constant 0 : i32
    %c0_i32_0 = arith.constant 0 : i32
    return %c0_i32 : i32
  }
  func.func @transform_1(%arg0: i32) -> (i32, i32) {
    %c0_i32 = arith.constant 0 : i32
    %c0_i32_0 = arith.constant 0 : i32
    return %arg0, %c0_i32 : i32, i32
  }
  func.func @transform_2(%arg0: i32) -> (i32, i32) {
    %c0_i32 = arith.constant 0 : i32
    %c0_i32_0 = arith.constant 0 : i32
    return %arg0, %c0_i32 : i32, i32
  }
  func.func @transform_3(%arg0: i32) -> (i32, i32) {
    %c0_i32 = arith.constant 0 : i32
    %c0_i32_0 = arith.constant 0 : i32
    return %arg0, %c0_i32 : i32, i32
  }
  func.func @transform_4(%arg0: i32) -> (i32, i32) {
    %c0_i32 = arith.constant 0 : i32
    %c0_i32_0 = arith.constant 0 : i32
    %c0_i32_1 = arith.constant 0 : i32
    return %c0_i32, %c0_i32_0 : i32, i32
  }
  func.func @transform_5(%arg0: i32) -> (i32, i32) {
    %c0_i32 = arith.constant 0 : i32
    %c0_i32_0 = arith.constant 0 : i32
    %c0_i32_1 = arith.constant 0 : i32
    return %c0_i32, %c0_i32_0 : i32, i32
  }
  func.func @transform_6(%arg0: i32) -> (i32, i32) {
    %c0_i32 = arith.constant 0 : i32
    %c0_i32_0 = arith.constant 0 : i32
    %c0_i32_1 = arith.constant 0 : i32
    return %c0_i32, %c0_i32_0 : i32, i32
  }
  func.func @transform_7(%arg0: i32) -> (i32, i32) {
    %c0_i32 = arith.constant 0 : i32
    %c0_i32_0 = arith.constant 0 : i32
    %c0_i32_1 = arith.constant 0 : i32
    return %c0_i32, %c0_i32_0 : i32, i32
  }
  func.func @transform_8(%arg0: i32) -> (i32, i32) {
    %c0_i32 = arith.constant 0 : i32
    %c0_i32_0 = arith.constant 0 : i32
    return %arg0, %c0_i32 : i32, i32
  }
}

module attributes {stable_mosaic.version = 14 : i64} {
  func.func @_mlp_final_body(%arg0: i32, %arg1: memref<1xf32, #tpu.memory_space<smem>>, %arg2: memref<5000x128xf32, #tpu.memory_space<vmem>>, %arg3: memref<5000x128xf32, #tpu.memory_space<vmem>>, %arg4: memref<5000x128xf32, #tpu.memory_space<vmem>>, %arg5: memref<128x128xf32, #tpu.memory_space<vmem>>, %arg6: memref<1x128xf32, #tpu.memory_space<vmem>>, %arg7: memref<128x128xf32, #tpu.memory_space<vmem>>, %arg8: memref<1x128xf32, #tpu.memory_space<vmem>>, %arg9: memref<5000x128xf32, #tpu.memory_space<vmem>>, %arg10: memref<5000x128xf32, #tpu.memory_space<vmem>>, %arg11: memref<512x128xf32, #tpu.memory_space<vmem>>, %arg12: memref<1x128xf32, #tpu.memory_space<vmem>>, %arg13: memref<128x128xf32, #tpu.memory_space<vmem>>, %arg14: memref<1x128xf32, #tpu.memory_space<vmem>>, %arg15: memref<5000x128xf32, #tpu.memory_space<vmem>>) attributes {dimension_semantics = [#tpu.dimension_semantics<arbitrary>], iteration_bounds = array<i64: 2>, scalar_prefetch = 0 : i64, scratch_operands = 0 : i64, tpu.core_type = #tpu.core_type<tc>, window_params = [{transform_indices = @transform_0, window_bounds = array<i64: 1>}, {transform_indices = @transform_1, window_bounds = array<i64: 5000, 128>}, {transform_indices = @transform_2, window_bounds = array<i64: 5000, 128>}, {transform_indices = @transform_3, window_bounds = array<i64: 5000, 128>}, {pipeline_mode = #tpu.pipeline_mode<synchronous>, transform_indices = @transform_4, window_bounds = array<i64: 128, 128>}, {pipeline_mode = #tpu.pipeline_mode<synchronous>, transform_indices = @transform_5, window_bounds = array<i64: 1, 128>}, {pipeline_mode = #tpu.pipeline_mode<synchronous>, transform_indices = @transform_6, window_bounds = array<i64: 128, 128>}, {pipeline_mode = #tpu.pipeline_mode<synchronous>, transform_indices = @transform_7, window_bounds = array<i64: 1, 128>}, {transform_indices = @transform_8, window_bounds = array<i64: 5000, 128>}, {transform_indices = @transform_9, window_bounds = array<i64: 5000, 128>}, {pipeline_mode = #tpu.pipeline_mode<synchronous>, transform_indices = @transform_10, window_bounds = array<i64: 512, 128>}, {pipeline_mode = #tpu.pipeline_mode<synchronous>, transform_indices = @transform_11, window_bounds = array<i64: 1, 128>}, {pipeline_mode = #tpu.pipeline_mode<synchronous>, transform_indices = @transform_12, window_bounds = array<i64: 128, 128>}, {pipeline_mode = #tpu.pipeline_mode<synchronous>, transform_indices = @transform_13, window_bounds = array<i64: 1, 128>}, {transform_indices = @transform_14, window_bounds = array<i64: 5000, 128>}]} {
    %get3A = arith.constant 0 : index
    %get3A_0 = arith.constant 0 : index
    %get3A_1 = vector.load %arg2[%get3A, %get3A_0] : memref<5000x128xf32, #tpu.memory_space<vmem>>, vector<5000x128xf32>
    %get3A_2 = arith.constant 0 : index
    %get3A_3 = memref.load %arg1[%get3A_2] : memref<1xf32, #tpu.memory_space<smem>>
    %add3A = arith.constant 1.000000e+00 : f32
    %add3A_4 = arith.addf %add3A, %get3A_3 : f32
    %mul3A = vector.broadcast %add3A_4 : f32 to vector<5000x128xf32>
    %mul3A_5 = arith.mulf %get3A_1, %mul3A : vector<5000x128xf32>
    %get3A_6 = arith.constant 0 : index
    %get3A_7 = arith.constant 0 : index
    %get3A_8 = vector.load %arg3[%get3A_6, %get3A_7] : memref<5000x128xf32, #tpu.memory_space<vmem>>, vector<5000x128xf32>
    %add3A_9 = arith.addf %mul3A_5, %get3A_8 : vector<5000x128xf32>
    %get3A_10 = arith.constant 0 : index
    %get3A_11 = arith.constant 0 : index
    %get3A_12 = vector.load %arg4[%get3A_10, %get3A_11] : memref<5000x128xf32, #tpu.memory_space<vmem>>, vector<5000x128xf32>
    %add3A_13 = arith.addf %add3A_9, %get3A_12 : vector<5000x128xf32>
    %get3A_14 = arith.constant 0 : index
    %get3A_15 = arith.constant 0 : index
    %get3A_16 = vector.load %arg5[%get3A_14, %get3A_15] : memref<128x128xf32, #tpu.memory_space<vmem>>, vector<128x128xf32>
    %dot_general3A = arith.constant dense<0.000000e+00> : vector<5000x128xf32>
    %dot_general3A_17 = tpu.matmul %add3A_13, %get3A_16, %dot_general3A {dimension_numbers = #tpu.dot_dimension_numbers<[1], [0], [0], [1], [0, 0, 1, 1], [], []>, transpose_lhs_hint = false} : vector<5000x128xf32>, vector<128x128xf32>, vector<5000x128xf32> -> vector<5000x128xf32>
    %get3A_18 = arith.constant 0 : index
    %get3A_19 = arith.constant 0 : index
    %get3A_20 = vector.load %arg6[%get3A_18, %get3A_19] : memref<1x128xf32, #tpu.memory_space<vmem>>, vector<1x128xf32>
    %add3A_21 = vector.broadcast %get3A_20 : vector<1x128xf32> to vector<5000x128xf32>
    %add3A_22 = arith.addf %dot_general3A_17, %add3A_21 : vector<5000x128xf32>
    %max3A = arith.constant 0.000000e+00 : f32
    %max3A_23 = vector.broadcast %max3A : f32 to vector<5000x128xf32>
    %max3A_24 = arith.maximumf %add3A_22, %max3A_23 : vector<5000x128xf32>
    %get3A_25 = arith.constant 0 : index
    %get3A_26 = arith.constant 0 : index
    %get3A_27 = vector.load %arg7[%get3A_25, %get3A_26] : memref<128x128xf32, #tpu.memory_space<vmem>>, vector<128x128xf32>
    %dot_general3A_28 = arith.constant dense<0.000000e+00> : vector<5000x128xf32>
    %dot_general3A_29 = tpu.matmul %max3A_24, %get3A_27, %dot_general3A_28 {dimension_numbers = #tpu.dot_dimension_numbers<[1], [0], [0], [1], [0, 0, 1, 1], [], []>, transpose_lhs_hint = false} : vector<5000x128xf32>, vector<128x128xf32>, vector<5000x128xf32> -> vector<5000x128xf32>
    %get3A_30 = arith.constant 0 : index
    %get3A_31 = arith.constant 0 : index
    %get3A_32 = vector.load %arg8[%get3A_30, %get3A_31] : memref<1x128xf32, #tpu.memory_space<vmem>>, vector<1x128xf32>
    %add3A_33 = vector.broadcast %get3A_32 : vector<1x128xf32> to vector<5000x128xf32>
    %add3A_34 = arith.addf %dot_general3A_29, %add3A_33 : vector<5000x128xf32>
    %max3A_35 = arith.constant 0.000000e+00 : f32
    %max3A_36 = vector.broadcast %max3A_35 : f32 to vector<5000x128xf32>
    %max3A_37 = arith.maximumf %add3A_34, %max3A_36 : vector<5000x128xf32>
    %get3A_38 = arith.constant 0 : index
    %get3A_39 = arith.constant 0 : index
    %get3A_40 = vector.load %arg9[%get3A_38, %get3A_39] : memref<5000x128xf32, #tpu.memory_space<vmem>>, vector<5000x128xf32>
    %get3A_41 = arith.constant 0 : index
    %get3A_42 = arith.constant 0 : index
    %get3A_43 = vector.load %arg11[%get3A_41, %get3A_42] : memref<512x128xf32, #tpu.memory_space<vmem>>, vector<128x128xf32>
    %dot_general3A_44 = arith.constant dense<0.000000e+00> : vector<5000x128xf32>
    %dot_general3A_45 = tpu.matmul %get3A_40, %get3A_43, %dot_general3A_44 {dimension_numbers = #tpu.dot_dimension_numbers<[1], [0], [0], [1], [0, 0, 1, 1], [], []>, transpose_lhs_hint = false} : vector<5000x128xf32>, vector<128x128xf32>, vector<5000x128xf32> -> vector<5000x128xf32>
    %get3A_46 = arith.constant 0 : index
    %get3A_47 = arith.constant 0 : index
    %get3A_48 = vector.load %arg10[%get3A_46, %get3A_47] : memref<5000x128xf32, #tpu.memory_space<vmem>>, vector<5000x128xf32>
    %get3A_49 = arith.constant 128 : index
    %get3A_50 = arith.constant 0 : index
    %get3A_51 = vector.load %arg11[%get3A_49, %get3A_50] : memref<512x128xf32, #tpu.memory_space<vmem>>, vector<128x128xf32>
    %dot_general3A_52 = arith.constant dense<0.000000e+00> : vector<5000x128xf32>
    %dot_general3A_53 = tpu.matmul %get3A_48, %get3A_51, %dot_general3A_52 {dimension_numbers = #tpu.dot_dimension_numbers<[1], [0], [0], [1], [0, 0, 1, 1], [], []>, transpose_lhs_hint = false} : vector<5000x128xf32>, vector<128x128xf32>, vector<5000x128xf32> -> vector<5000x128xf32>
    %add3A_54 = arith.addf %dot_general3A_45, %dot_general3A_53 : vector<5000x128xf32>
    %get3A_55 = arith.constant 0 : index
    %get3A_56 = arith.constant 0 : index
    %get3A_57 = vector.load %arg2[%get3A_55, %get3A_56] : memref<5000x128xf32, #tpu.memory_space<vmem>>, vector<5000x128xf32>
    %get3A_58 = arith.constant 256 : index
    %get3A_59 = arith.constant 0 : index
    %get3A_60 = vector.load %arg11[%get3A_58, %get3A_59] : memref<512x128xf32, #tpu.memory_space<vmem>>, vector<128x128xf32>
    %dot_general3A_61 = arith.constant dense<0.000000e+00> : vector<5000x128xf32>
    %dot_general3A_62 = tpu.matmul %get3A_57, %get3A_60, %dot_general3A_61 {dimension_numbers = #tpu.dot_dimension_numbers<[1], [0], [0], [1], [0, 0, 1, 1], [], []>, transpose_lhs_hint = false} : vector<5000x128xf32>, vector<128x128xf32>, vector<5000x128xf32> -> vector<5000x128xf32>
    %add3A_63 = arith.addf %add3A_54, %dot_general3A_62 : vector<5000x128xf32>
    %get3A_64 = arith.constant 384 : index
    %get3A_65 = arith.constant 0 : index
    %get3A_66 = vector.load %arg11[%get3A_64, %get3A_65] : memref<512x128xf32, #tpu.memory_space<vmem>>, vector<128x128xf32>
    %dot_general3A_67 = arith.constant dense<0.000000e+00> : vector<5000x128xf32>
    %dot_general3A_68 = tpu.matmul %max3A_37, %get3A_66, %dot_general3A_67 {dimension_numbers = #tpu.dot_dimension_numbers<[1], [0], [0], [1], [0, 0, 1, 1], [], []>, transpose_lhs_hint = false} : vector<5000x128xf32>, vector<128x128xf32>, vector<5000x128xf32> -> vector<5000x128xf32>
    %add3A_69 = arith.addf %add3A_63, %dot_general3A_68 : vector<5000x128xf32>
    %get3A_70 = arith.constant 0 : index
    %get3A_71 = arith.constant 0 : index
    %get3A_72 = vector.load %arg12[%get3A_70, %get3A_71] : memref<1x128xf32, #tpu.memory_space<vmem>>, vector<1x128xf32>
    %add3A_73 = vector.broadcast %get3A_72 : vector<1x128xf32> to vector<5000x128xf32>
    %add3A_74 = arith.addf %add3A_69, %add3A_73 : vector<5000x128xf32>
    %max3A_75 = arith.constant 0.000000e+00 : f32
    %max3A_76 = vector.broadcast %max3A_75 : f32 to vector<5000x128xf32>
    %max3A_77 = arith.maximumf %add3A_74, %max3A_76 : vector<5000x128xf32>
    %get3A_78 = arith.constant 0 : index
    %get3A_79 = arith.constant 0 : index
    %get3A_80 = vector.load %arg13[%get3A_78, %get3A_79] : memref<128x128xf32, #tpu.memory_space<vmem>>, vector<128x128xf32>
    %dot_general3A_81 = arith.constant dense<0.000000e+00> : vector<5000x128xf32>
    %dot_general3A_82 = tpu.matmul %max3A_77, %get3A_80, %dot_general3A_81 {dimension_numbers = #tpu.dot_dimension_numbers<[1], [0], [0], [1], [0, 0, 1, 1], [], []>, transpose_lhs_hint = false} : vector<5000x128xf32>, vector<128x128xf32>, vector<5000x128xf32> -> vector<5000x128xf32>
    %get3A_83 = arith.constant 0 : index
    %get3A_84 = arith.constant 0 : index
    %get3A_85 = vector.load %arg14[%get3A_83, %get3A_84] : memref<1x128xf32, #tpu.memory_space<vmem>>, vector<1x128xf32>
    %add3A_86 = vector.broadcast %get3A_85 : vector<1x128xf32> to vector<5000x128xf32>
    %add3A_87 = arith.addf %dot_general3A_82, %add3A_86 : vector<5000x128xf32>
    %swap3A = arith.constant 0 : index
    %swap3A_88 = arith.constant 0 : index
    %swap3A_89 = vector.load %arg15[%swap3A, %swap3A_88] : memref<5000x128xf32, #tpu.memory_space<vmem>>, vector<5000x128xf32>
    tpu.vector_store %arg15[%swap3A, %swap3A_88], %add3A_87 {strides = array<i32>} : memref<5000x128xf32, #tpu.memory_space<vmem>>, vector<5000x128xf32>,
    return
  }
  func.func @transform_0(%arg0: i32) -> i32 {
    %c0_i32 = arith.constant 0 : i32
    %c0_i32_0 = arith.constant 0 : i32
    return %c0_i32 : i32
  }
  func.func @transform_1(%arg0: i32) -> (i32, i32) {
    %c0_i32 = arith.constant 0 : i32
    %c0_i32_0 = arith.constant 0 : i32
    return %arg0, %c0_i32 : i32, i32
  }
  func.func @transform_2(%arg0: i32) -> (i32, i32) {
    %c0_i32 = arith.constant 0 : i32
    %c0_i32_0 = arith.constant 0 : i32
    return %arg0, %c0_i32 : i32, i32
  }
  func.func @transform_3(%arg0: i32) -> (i32, i32) {
    %c0_i32 = arith.constant 0 : i32
    %c0_i32_0 = arith.constant 0 : i32
    return %arg0, %c0_i32 : i32, i32
  }
  func.func @transform_4(%arg0: i32) -> (i32, i32) {
    %c0_i32 = arith.constant 0 : i32
    %c0_i32_0 = arith.constant 0 : i32
    %c0_i32_1 = arith.constant 0 : i32
    return %c0_i32, %c0_i32_0 : i32, i32
  }
  func.func @transform_5(%arg0: i32) -> (i32, i32) {
    %c0_i32 = arith.constant 0 : i32
    %c0_i32_0 = arith.constant 0 : i32
    %c0_i32_1 = arith.constant 0 : i32
    return %c0_i32, %c0_i32_0 : i32, i32
  }
  func.func @transform_6(%arg0: i32) -> (i32, i32) {
    %c0_i32 = arith.constant 0 : i32
    %c0_i32_0 = arith.constant 0 : i32
    %c0_i32_1 = arith.constant 0 : i32
    return %c0_i32, %c0_i32_0 : i32, i32
  }
  func.func @transform_7(%arg0: i32) -> (i32, i32) {
    %c0_i32 = arith.constant 0 : i32
    %c0_i32_0 = arith.constant 0 : i32
    %c0_i32_1 = arith.constant 0 : i32
    return %c0_i32, %c0_i32_0 : i32, i32
  }
  func.func @transform_8(%arg0: i32) -> (i32, i32) {
    %c0_i32 = arith.constant 0 : i32
    %c0_i32_0 = arith.constant 0 : i32
    return %arg0, %c0_i32 : i32, i32
  }
  func.func @transform_9(%arg0: i32) -> (i32, i32) {
    %c0_i32 = arith.constant 0 : i32
    %c0_i32_0 = arith.constant 0 : i32
    return %arg0, %c0_i32 : i32, i32
  }
  func.func @transform_10(%arg0: i32) -> (i32, i32) {
    %c0_i32 = arith.constant 0 : i32
    %c0_i32_0 = arith.constant 0 : i32
    %c0_i32_1 = arith.constant 0 : i32
    return %c0_i32, %c0_i32_0 : i32, i32
  }
  func.func @transform_11(%arg0: i32) -> (i32, i32) {
    %c0_i32 = arith.constant 0 : i32
    %c0_i32_0 = arith.constant 0 : i32
    %c0_i32_1 = arith.constant 0 : i32
    return %c0_i32, %c0_i32_0 : i32, i32
  }
  func.func @transform_12(%arg0: i32) -> (i32, i32) {
    %c0_i32 = arith.constant 0 : i32
    %c0_i32_0 = arith.constant 0 : i32
    %c0_i32_1 = arith.constant 0 : i32
    return %c0_i32, %c0_i32_0 : i32, i32
  }
  func.func @transform_13(%arg0: i32) -> (i32, i32) {
    %c0_i32 = arith.constant 0 : i32
    %c0_i32_0 = arith.constant 0 : i32
    %c0_i32_1 = arith.constant 0 : i32
    return %c0_i32, %c0_i32_0 : i32, i32
  }
  func.func @transform_14(%arg0: i32) -> (i32, i32) {
    %c0_i32 = arith.constant 0 : i32
    %c0_i32_0 = arith.constant 0 : i32
    return %arg0, %c0_i32 : i32, i32
  }
}

</mosaic_0001>

<sc_bundles>
// kernel: kernel.11.cloned.1.call-start
scs
__scs_entry_jumppad:
0x0: {  	(pc) =	sbr.rel $0x88, $3  }
0x1: {  	(tag) =	ssettag $0x0;
	lr =	simm.s32 $0x1  }
0x2: {  	[smem:$0x3F8C] =	sst lr;
	_ =	strace $0xD0000000  }
0x3: {  	_ = 	snop  }
0x4: {  	_ = 	snop  }
0x5: {  	_ = 	snop  }
0x6: {  	_ = 	snop  }
0x7: {  	_ = 	snop  }
__scs_overlays_trampoline_lowered:
0x8: {  	[smem:$0x3F9B] =	sst s0  }
0x9: {  	[smem:$0x3F9C] =	sst s1  }
0xa: {  	[smem:$0x3F9D] =	sst s2  }
0xb: {  	[smem:$0x3F9E] =	sst s3  }
0xc: {  	[smem:$0x3F9F] =	sst s4  }
0xd: {  	[smem:$0x3FA0] =	sst s5  }
0xe: {  	[smem:$0x3FA1] =	sst s6  }
0xf: {  	[smem:$0x3FA2] =	sst s7  }
0x10: {  	[smem:$0x3FA3] =	sst s8  }
0x11: {  	[smem:$0x3FA4] =	sst s9;
	s0 =	simm.s32 @!p0 $0x0  }
0x12: {  	s1 =	sld [smem:$0x3F8A];
	s0 =	simm.s32 @p0 $0x1  }
0x13: {  	[smem:$0x3FA5] =	sst s0;
	s0 =	simm.s32 @!p1 $0x0  }
0x14: {  	s2 =	sld [smem:$0x3F89];
	s0 =	simm.s32 @p1 $0x1  }
0x15: {  	[smem:$0x3FA6] =	sst s0;
	s0 =	simm.s32 @!p2 $0x0  }
0x16: {  	s3 =	sld [smem:$0x3FDB];
	s0 =	simm.s32 @p2 $0x1  }
0x17: {  	s4 =	simm.s32 $0x1BF5;
	[smem:$0x3FA8] =	sst s0  }
0x18: {  	s0 =	sld [smem:$0x3F8B];
	_ =	swait.ge [sflag:s4], $0x0  }
0x19: {  	s7 =	sld [smem:$0x3F8C]  }
0x1a: {  	s8 =	sadd.s32 $0xFFFFE003, lr  }
0x1b: {  	s9 =	sadd.s32 $0xFFFFFEF7, lr;
	s5 =	simm.s32 $0xFFFFFFFF;
	p2 =	slt.u32 s8, $0xFFFFF086  }
0x1c: {  	p1 =	slt.u32 s9, $0xF7A;
	s5 =	simm.s32 @!p2 $0x0  }
0x1d: {  	s5 =	simm.s32 @p1 $0x1;
	p0 =	seq.s32 s7, s2  }
0x1e: {  	s7 =	smul.u32 @!p0 $0xF7A, s2;
	p2 =	seq.s32 @!p0 s5, $0x0  }
0x1f: {  	s9 =	smul.u32 $0xF7A, s1;
	s8 =	simm.s32 @!p0 $0x1BF5;
	p2 =	por !p2, p0  }
0x20: {  	[sflag:s8] =	ssyncset.s32 @!p0 $0xFFFFF086;
	s6 =	sadd.s32 @!p0 s3, s7;
	s7 =	simm.s32 @!p0 $0x108  }
0x21: {  	s3 =	sadd.s32 s3, s9;
	s6 =	sadd.s32 @!p0 $0x88, s6;
	s7 =	simm.s32 @p2 $0x1082  }
0x22: {  	[simem:s7], [sflag:s8] =	dma.local @!p0 [hbm:s6], $0xF7A  }
0x23: {  	s9 =	sor.u32 $0xD0000000, s2;
	s6 =	simm.s32 $0x108;
	_ =	swait.ge @!p0 [sflag:s8], $0x0  }
0x24: {  	s3 =	sadd.s32 $0x88, s3;
	s6 =	simm.s32 @!p1 $0x1082;
	[sflag:s4] =	ssyncset.s32 $0xFFFFF086  }
0x25: {  	[simem:s6], [sflag:s4] =	dma.local [hbm:s3], $0xF7A  }
0x26: {  	[smem:$0x3F8C] =	sst s1;
	(tag) =	ssettag s2;
	_ =	strace s9  }
0x27: {  	s1 =	sld [smem:$0x3F9C]  }
0x28: {  	s2 =	sld [smem:$0x3F9D]  }
0x29: {  	s4 =	sld [smem:$0x3F9F]  }
0x2a: {  	p0 =	seq.s32 s5, $0x0;
	s5 =	sld [smem:$0x3FA0]  }
0x2b: {  	s6 =	sld [smem:$0x3FA1]  }
0x2c: {  	s7 =	sld [smem:$0x3FA2]  }
0x2d: {  	s3 =	simm.s32 $0x108;
	s8 =	sld [smem:$0x3FA3]  }
0x2e: {  	s3 =	simm.s32 @!p0 $0x1082;
	s9 =	sld [smem:$0x3FA4]  }
0x2f: {  	lr =	sadd.s32 s0, s3;
	s0 =	sld [smem:$0x3F9B]  }
0x30: {  	s3 =	sld [smem:$0x3F9E]  }
0x31: {  	[smem:$0x3FA7] =	sst s10  }
0x32: {  	s10 =	sld [smem:$0x3FA5];
	_ =	sdelay $0x3  }
0x33: {  	p0 =	seq.s32 s10, $0x1;
	s10 =	sld [smem:$0x3FA7];
	_ =	sdelay $0x3  }
0x34: {  	[smem:$0x3FA7] =	sst s10  }
0x35: {  	s10 =	sld [smem:$0x3FA6];
	_ =	sdelay $0x3  }
0x36: {  	p1 =	seq.s32 s10, $0x1;
	s10 =	sld [smem:$0x3FA7];
	_ =	sdelay $0x3  }
0x37: {  	[smem:$0x3FA7] =	sst s10  }
0x38: {  	s10 =	sld [smem:$0x3FA8]  }
0x39: {  	_ = 	snop;
	(pc) =	sbr.ind lr, $3  }
0x3a: {  	_ = 	snop  }
0x3b: {  	_ = 	snop  }
0x3c: {  	p2 =	seq.s32 s10, $0x1;
	s10 =	sld [smem:$0x3FA7]  }
0x3d: {  	_ =	shalt  }
0x3e: {  	_ =	shalt  }
0x3f: {  	_ =	shalt  }
0x40: {  	_ =	shalt  }
0x41: {  	_ =	shalt  }
0x42: {  	_ =	shalt  }
0x43: {  	_ =	shalt  }
0x44: {  	_ =	shalt  }
0x45: {  	_ =	shalt  }
0x46: {  	_ =	shalt  }
0x47: {  	_ =	shalt  }
0x48: {  	_ =	shalt  }
0x49: {  	_ =	shalt  }
0x4a: {  	_ =	shalt  }
0x4b: {  	_ =	shalt  }
0x4c: {  	_ =	shalt  }
0x4d: {  	_ =	shalt  }
0x4e: {  	_ =	shalt  }
0x4f: {  	_ =	shalt  }
0x50: {  	_ =	shalt  }
0x51: {  	_ =	shalt  }
0x52: {  	_ =	shalt  }
0x53: {  	_ =	shalt  }
0x54: {  	_ =	shalt  }
0x55: {  	_ =	shalt  }
0x56: {  	_ =	shalt  }
0x57: {  	_ =	shalt  }
0x58: {  	_ =	shalt  }
0x59: {  	_ =	shalt  }
0x5a: {  	_ =	shalt  }
0x5b: {  	_ =	shalt  }
0x5c: {  	_ =	shalt  }
0x5d: {  	_ =	shalt  }
0x5e: {  	_ =	shalt  }
0x5f: {  	_ =	shalt  }
0x60: {  	_ =	shalt  }
0x61: {  	_ =	shalt  }
0x62: {  	_ =	shalt  }
0x63: {  	_ =	shalt  }
0x64: {  	_ =	shalt  }
0x65: {  	_ =	shalt  }
0x66: {  	_ =	shalt  }
0x67: {  	_ =	shalt  }
0x68: {  	_ =	shalt  }
0x69: {  	_ =	shalt  }
0x6a: {  	_ =	shalt  }
0x6b: {  	_ =	shalt  }
0x6c: {  	_ =	shalt  }
0x6d: {  	_ =	shalt  }
0x6e: {  	_ =	shalt  }
0x6f: {  	_ =	shalt  }
0x70: {  	_ =	shalt  }
0x71: {  	_ =	shalt  }
0x72: {  	_ =	shalt  }
0x73: {  	_ =	shalt  }
0x74: {  	_ =	shalt  }
0x75: {  	_ =	shalt  }
0x76: {  	_ =	shalt  }
0x77: {  	_ =	shalt  }
0x78: {  	_ =	shalt  }
0x79: {  	_ =	shalt  }
0x7a: {  	_ =	shalt  }
0x7b: {  	_ =	shalt  }
0x7c: {  	_ =	shalt  }
0x7d: {  	_ =	shalt  }
0x7e: {  	_ =	shalt  }
0x7f: {  	_ =	shalt  }
0x80: {  	_ =	shalt  }
0x81: {  	_ =	shalt  }
0x82: {  	_ =	shalt  }
0x83: {  	_ =	shalt  }
0x84: {  	_ =	shalt  }
0x85: {  	_ =	shalt  }
0x86: {  	_ =	shalt  }
0x87: {  	_ =	shalt  }
.Lfunc_end0:
.L_simem_size_0:
called_computation.1_lowered:
.L_overlay_start_0:
0x88: {  	s2 =	sld [smem:$0x3FD9]  }
0x89: {  	s3 =	sld [smem:$0x3FFE];
	_ =	sdelay $0x1  }
0x8a: {  	s1 =	srdreg.scid  }
0x8b: {  	s0 =	sand.u32 $0x1, s1  }
0x8c: {  	s17 =	sshll.u32 s0, $0xA;
	s2 =	sadd.s32 s3, s2  }
0x8d: {  	s2 =	sadd.s32 s2, s17  }
0x8e: {  	[smem:$0x3FB3] =	sst s2  }
0x8f: {  	_ = 	snop  }
0x90: {  	s2 =	sld [smem:$0x3FD0];
	(tm) =	ssettm $0x1  }
0x91: {  	s18 =	sld [smem:$0x3FFB];
	_ =	sdelay $0x3  }
0x92: {  	_ =	strace s18  }
0x93: {  	s3 =	sld [smem:$0x3FFC];
	_ =	sdelay $0x3  }
0x94: {  	_ =	strace s3  }
0x95: {  	s3 =	sld [smem:$0x3FFD];
	_ =	sdelay $0x3  }
0x96: {  	_ =	strace s3  }
0x97: {  	_ =	strace $0x8FFFFFFF  }
0x98: {  	s19 =	sld [smem:$0x3FDB];
	_ =	sdelay $0x1  }
0x99: {  	s4 =	simm.s32 $_scs_section_size  }
0x9a: {  	s5 =	simm.s32 $_size__tile_overlayer_lowered;
	s6 =	simm.s32 $_tile_overlayer_lowered  }
0x9b: {  	s22 =	simm.s32 $0x1BFF;
	s21 =	sshll.u32 s6, $0x1;
	s3 =	sadd.s32 s4, s19  }
0x9c: {  	s7 =	simm.s32 $0x0;
	s20 =	sshll.u32 s5, $0x1;
	s5 =	sadd.s32 s21, s3  }
0x9d: {  	[timem:s7], [sflag:s22] =	dma.local [hbm:s5], s20  }
0x9e: {  	_ =	swait.ge [sflag:s22], s20  }
0x9f: {  	s4 =	ssub.s32 $0x0, s20;
	[sflag:s22] =	ssyncset.done $0x0  }
0xa0: {  	[sflag:s22] =	ssyncadd.s32 s4;
	_ =	sdelay $0x1  }
0xa1: {  	s23 =	simm.s32 $0x1B8B  }
0xa2: {  	_ =	swait.ge [sflag:s23], $0x1  }
0xa3: {  	[sflag:s23] =	ssyncset.done $0x0  }
0xa4: {  	s25 =	simm.s32 $0x1B8E;
	s24 =	sld [smem:$0x3FFE];
	[sflag:s23] =	ssyncadd.s32 $0xFFFFFFFF  }
0xa5: {  	s26 =	simm.s32 $execute0_lowered;
	[smem:$0x3FD2] =	sst s25  }
0xa6: {  	s5 =	sshll.u32 s26, $0x1;
	_ =	strace $0x80000049;
	[dreg:$0x1] =	wrdreg $0xFFFFFFFF  }
0xa7: {  	s28 =	simm.s32 $_size_execute0_lowered;
	s3 =	sadd.s32 s3, s5;
	[dreg:$0x0] =	wrdreg $0x0  }
0xa8: {  	s5 =	sshll.u32 s28, $0x1;
	[dreg:$0x2] =	wrdreg s3  }
0xa9: {  	[dreg:$0x3] =	wrdreg s5  }
0xaa: {  	[dreg:$0x4] =	wrdreg $0xC0  }
0xab: {  	_ =	task [dreg:s7], $0x5FFFF  }
0xac: {  	[dreg:$0x1] =	wrdreg $0xFFFFFFFF  }
0xad: {  	[dreg:$0x0] =	wrdreg $0x60  }
0xae: {  	[dreg:$0x2] =	wrdreg s2  }
0xaf: {  	[dreg:$0x3] =	wrdreg s24  }
0xb0: {  	[dreg:$0x4] =	wrdreg $0xB0000  }
0xb1: {  	[dreg:$0x5] =	wrdreg $0x9  }
0xb2: {  	_ =	task.clear_ibuf [dreg:s7], $0x6FFFF;
	_ =	strace $0x90000049  }
0xb3: {  	s29 =	simm.s32 $0x9;
	_ =	strace $0x8000004B  }
0xb4: {  	_ =	swait.ge [sflag:s29], $0x1  }
0xb5: {  	[sflag:s29] =	ssyncadd.s32 $0xFFFFFFFF  }
0xb6: {  	_ =	strace $0x9000004B  }
0xb7: {  	_ =	sfence  }
0xb8: {  	s30 =	sld [smem:$0x0];
	_ =	sdelay $0x2  }
0xb9: {  	s31 =	sshll.u32 s1, $0xD;
	s1 =	sshrl.u32 s1, $0x2  }
0xba: {  	s3 =	sand.u32 $0x4000, s31;
	s1 =	sadd.s32 s1, s30  }
0xbb: {  	s0 =	sor.u32 s3, s0;
	s1 =	sshll.u32 s1, $0x11  }
0xbc: {  	s0 =	sor.u32 s1, s0  }
0xbd: {  	s0 =	sadd.s32 $0x8F2B, s0  }
0xbe: {  	[sflag:s0] =	ssyncadd.remote.s32 $0x1  }
0xbf: {  	_ =	sfence.sel $0xFFFF  }
0xc0: {  	[dreg:$0x0] =	wrdreg $0xFFFFFFFF;
	(pc) =	sbr.abs _section_cstart, $3  }
0xc1: {  	[dreg:$0x1] =	wrdreg $0xFFFFFFFF  }
0xc2: {  	_ =	task.clear_ibuf [dreg:s7], $0x2FFFF;
	_ =	strace $0x9FFFFFFF  }
0xc3: {  	(tm) =	ssettm $0x7FFFFFFF  }
tec
execute0_lowered:
.L_overlay_start_1:
0x0: {  	(tag) =	ssettag $0x1  }
0x1: {  	s0 =	srdreg.scid;
	s1 =	rddreg [dreg:$0x0]  }
0x2: {  	s5 =	rddreg [dreg:$0x1];
	s29 =	stileid.u32  }
0x3: {  	s3 =	rddreg [dreg:$0x2];
	s4 =	simm.s32 $0x0;
	s13 =	simm.s32 $0x6BC00  }
0x4: {  	s14 =	simm.s32 $0x2400;
	s15 =	simm.s32 $0x3;
	s16 =	simm.s32 $0x80  }
0x5: {  	s17 =	simm.s32 $0x3000;
	s18 =	simm.s32 $0x7000;
	s21 =	simm.s32 $0x5  }
0x6: {  	s22 =	simm.s32 $0x0;
	s8 =	sand.u32 $0x1, s0;
	s7 =	smul.u32 $0x2780, s29  }
0x7: {  	[smem:$0x7FF] =	sst s4;
	s31 =	smul.u32 $0x4F000, s29;
	s19 =	sshll.u32 s29, $0x6  }
0x8: {  	s2 =	sshll.u32 s8, $0x4;
	s9 =	ssub.s32 $0x2, s8;
	_ =	strace $0x8000004A  }
0x9: {  	p0 =	seq.s32 s8, $0x1;
	s19 =	sor.u32 $0x1C05, s19;
	s6 =	sor.u32 s29, s2  }
0xa: {  	s30 =	sshrl.u32 s9, $0x1;
	s11 =	sadd.s32 s7, s5;
	s13 =	simm.s32 @!p0 $0x44400  }
0xb: {  	s6 =	smul.u32 $0x600, s6;
	s12 =	ssub.s32 s9, s30;
	s9 =	sshrl.u32 s31, $0x2  }
0xc: {  	s20 =	sadd.s32 s9, s3;
	s9 =	sadd.s32 $0x1CC00, s11;
	s11 =	sadd.s32 s13, s11  }
0xd: {  	s13 =	simm.s32 $0xC00;
	s10 =	sadd.s32 s6, s5;
	s20 =	sshrl.u32 s20, $0x3  }
0xe: {  	s5 =	sadd.s32 $0x4C00, s10;
	s6 =	sadd.s32 $0x10C00, s10;
	s7 =	sadd.s32 $0x4D80, s10  }
0xf: {  	s8 =	sadd.s32 $0x10D80, s10;
	s10 =	smax.u32 s12, $0x1;
	s12 =	simm.s32 $0x1800  }
.LBB2_1:
0x10: {  	[tilespmem:s4], [sflag:$0x3] =	stream.linear.gather [hbm4b:s5+s4], $0xA00, $0x38;
	[tilespmem:$0x1EC00] =	vst v63  }
0x11: {  	_ = 	snop  }
0x12: {  	[tilespmem:s12], [sflag:$0x3] =	stream.linear.gather [hbm4b:s6+s4], $0xA00, $0x38;
	[tilespmem:$0x1EC00] =	vst v63  }
0x13: {  	_ = 	snop  }
0x14: {  	[tilespmem:s13], [sflag:$0x4] =	stream.linear.gather [hbm4b:s7+s4], $0xA00, $0x38;
	[tilespmem:$0x1EC00] =	vst v63  }
0x15: {  	_ = 	snop  }
0x16: {  	[tilespmem:s14], [sflag:$0x4] =	stream.linear.gather [hbm4b:s8+s4], $0xA00, $0x38;
	[tilespmem:$0x1EC00] =	vst v63  }
0x17: {  	_ =	swait.ge [sflag:s15], $0xA00  }
0x18: {  	[sflag:s15] =	ssyncset.done $0x0  }
0x19: {  	p0 =	por $0x0, $0x0;
	[sflag:s15] =	ssyncadd.s32 $0xFFFFF600  }
0x1a: {  	s23 =	simm.s32 @!p0 $0x2;
	_ =	swait.ge [sflag:s15], $0xA00  }
0x1b: {  	s23 =	sand.u32 @!p0 $0xFF, s23;
	[sflag:s15] =	ssyncset.done $0x0  }
0x1c: {  	s23 =	smul.u32 @!p0 $0xCD, s23;
	[sflag:s15] =	ssyncadd.s32 $0xFFFFF600  }
0x1d: {  	[tilespmem:s17], [sflag:$0x1] =	stream.indirect.gather [hbm4b:s1+s16], $0x80, s4, s16, $0xb8;
	[tilespmem:$0x1EC00] =	vst v63  }
0x1e: {  	s23 =	sshrl.u32 @!p0 s23, $0xC  }
0x1f: {  	[tilespmem:s18], [sflag:$0x2] =	stream.indirect.gather [hbm4b:s1+s16], $0x80, s16, s16, $0xb8;
	[tilespmem:$0x1EC00] =	vst v63  }
0x20: {  	[spmem:s20], [sflag:s19] =	dma.local [hbm:s9], $0x2780  }
0x21: {  	s24 =	smul.u32 @!p0 $0x14, s23;
	_ =	swait.ge [sflag:s21], $0x2780  }
0x22: {  	s25 =	sand.u32 $0x1, s4;
	[sflag:s21] =	ssyncset.done $0x0  }
0x23: {  	s29 =	smul.u32 $0xCD, s4;
	s24 =	ssub.s32 @!p0 $0x2, s24;
	[sflag:s21] =	ssyncadd.s32 $0xFFFFD880  }
0x24: {  	s26 =	sadd.s32 $0x1, s25;
	s24 =	sand.u32 @!p0 $0xFF, s24;
	[bflag:$0x0] =	sbarrier.arrive $0xFFFF  }
0x25: {  	s23 =	sand.u32 @!p0 $0x1, s23;
	p1 =	sne.s32 @!p0 s24, $0x0;
	_ =	swait.ge [sflag:s26], $0x4000  }
0x26: {  	s28 =	smul.u32 @!p0 $0x3000, s23;
	p1 =	por p1, p0;
	[sflag:s26] =	ssyncset.done $0x0  }
0x27: {  	s29 =	sshrl.u32 s29, $0xC;
	s23 =	sadd.s32 @!p1 $0x3, s23;
	[sflag:s26] =	ssyncadd.s32 $0xFFFFC000  }
0x28: {  	s28 =	sshrl.u32 @!p0 s28, $0x2;
	s24 =	sshll.u32 @!p0 s24, $0x7;
	_ =	swait.ge @!p1 [sflag:s23], $0xA00  }
0x29: {  	s24 =	sadd.s32 @!p0 s24, s28;
	s28 =	sand.u32 $0xF, s29;
	[sflag:s23] =	ssyncset.done @!p1 $0x0  }
0x2a: {  	s25 =	sshll.u32 s25, $0xE;
	s29 =	smul.u32 $0x14, s28;
	[sflag:s23] =	ssyncadd.s32 @!p1 $0xFFFFF600  }
0x2b: {  	p3 =	por $0x1, $0x1;
	s25 =	sor.u32 $0x3000, s25;
	_ =	swait.ge @!p1 [sflag:s23], $0xA00  }
0x2c: {  	s30 =	sand.u32 $0x1, s28;
	s29 =	ssub.s32 $0x0, s29;
	[sflag:s23] =	ssyncset.done @!p1 $0x0  }
0x2d: {  	p2 =	seq.s32 s30, $0x1;
	[sflag:s23] =	ssyncadd.s32 @!p1 $0xFFFFF600;
	s23 =	sand.u32 @!p3 $0xFF, s29  }
0x2e: {  	s30 =	simm.s32 @!p0 $0x80;
	s29 =	sand.u32 $0xFF, s29;
	p1 =	sne.s32 @!p3 s23, $0x0  }
0x2f: {  	[tilespmem:s25], [sflag:s26] =	stream.indirect.gather @!p0 [hbm4b:s1+s30], $0x80, s24, s30, $0xb8;
	[tilespmem:$0x1EC00] =	vst v63  }
0x30: {  	s23 =	simm.s32 $0xC00;
	s29 =	sshll.u32 s29, $0x7;
	p1 =	por p1, p3  }
0x31: {  	p0 =	por $0x1, $0x1;
	s23 =	simm.s32 @!p2 $0x0;
	s26 =	sadd.s32 @!p1 $0x1, s28  }
0x32: {  	s31 =	sadd.s32 s29, s23;
	s23 =	simm.s32 $0x1;
	s30 =	smul.u32 @!p1 $0x180, s26  }
.Ltmp0:
0x33: {  	s24 =	sadd.s32 $0x1800, s31;
	s29 =	sand.u32 @!p1 $0x1, s26;
	(pc) =	sbr.rel @!p0 .LBB2_3-.Ltmp0, $4  }
0x34: {  	[spmem:s3] =	stream.indirect.scatter.add.f32 [tilespmem:s25], [sflag:$0x5], $0x80, s24, s16, $0xb8;
	[tilespmem:$0x1EC00] =	vst v63  }
0x35: {  	s26 =	smul.u32 @!p1 $0xC00, s29;
	s24 =	simm.s32 @!p1 $0x0;
	_ =	swait.ge [sflag:s21], $0x4000  }
0x36: {  	s29 =	sadd.s32 @!p1 $0x3, s29;
	s28 =	sadd.s32 @!p1 s5, s30;
	[sflag:s21] =	ssyncset.done $0x0  }
0x37: {  	s25 =	sadd.s32 @!p1 s6, s30;
	s30 =	sadd.s32 @!p1 $0x1800, s26;
	[sflag:s21] =	ssyncadd.s32 $0xFFFFC000  }
.LBB2_2:
0x38: {  	[tilespmem:s26], [sflag:s29] =	stream.linear.gather @!p1 [hbm4b:s28+s24], $0xA00, $0x38;
	[tilespmem:$0x1EC00] =	vst v63  }
0x39: {  	p0 =	sgt.u32 s23, $0x4D  }
0x3a: {  	s26 =	sadd.s32 @!p0 $0x2, s23  }
0x3b: {  	s28 =	sand.u32 @!p0 $0xFF, s26  }
0x3c: {  	s28 =	smul.u32 @!p0 $0xCD, s28  }
0x3d: {  	[tilespmem:s30], [sflag:s29] =	stream.linear.gather @!p1 [hbm4b:s25+s24], $0xA00, $0x38;
	[tilespmem:$0x1EC00] =	vst v63  }
0x3e: {  	s31 =	sadd.s32 $0xFFFFFFEC, s23;
	s24 =	smul.u32 $0xCD, s23;
	s25 =	sshrl.u32 @!p0 s28, $0xC  }
0x3f: {  	s2 =	sand.u32 $0x1, s23;
	s28 =	sand.u32 @!p0 $0x1, s25;
	s25 =	smul.u32 @!p0 $0x14, s25  }
0x40: {  	s30 =	simm.s32 @!p0 $0x80;
	p1 =	sgt.u32 s31, $0x27;
	s29 =	smul.u32 @!p0 $0x3000, s28  }
0x41: {  	s24 =	sshrl.u32 s24, $0xC;
	s25 =	ssub.s32 @!p0 s26, s25;
	s26 =	sadd.s32 $0x1, s2  }
0x42: {  	s24 =	sand.u32 $0xF, s24;
	s25 =	sand.u32 @!p0 $0xFF, s25;
	s29 =	sshrl.u32 @!p0 s29, $0x2  }
0x43: {  	p2 =	sne.s32 @!p0 s25, $0x0;
	s25 =	sshll.u32 @!p0 s25, $0x7;
	_ =	swait.ge [sflag:s26], $0x4000  }
0x44: {  	p2 =	por p2, p0;
	s25 =	sadd.s32 @!p0 s25, s29;
	[sflag:s26] =	ssyncset.done $0x0  }
0x45: {  	s2 =	sshll.u32 s2, $0xE;
	s28 =	sadd.s32 @!p2 $0x3, s28;
	[sflag:s26] =	ssyncadd.s32 $0xFFFFC000  }
0x46: {  	s0 =	sand.u32 $0x1, s24;
	s29 =	smul.u32 $0x14, s24;
	_ =	swait.ge @!p2 [sflag:s28], $0xA00  }
0x47: {  	s2 =	sor.u32 $0x3000, s2;
	p3 =	seq.s32 s0, $0x1;
	[sflag:s28] =	ssyncset.done @!p2 $0x0  }
0x48: {  	s0 =	ssub.s32 s23, s29;
	s23 =	simm.s32 $0xC00;
	[sflag:s28] =	ssyncadd.s32 @!p2 $0xFFFFF600  }
0x49: {  	s23 =	simm.s32 @!p3 $0x0;
	_ =	swait.ge @!p2 [sflag:s28], $0xA00  }
0x4a: {  	s29 =	sand.u32 $0xFF, s0;
	s0 =	sand.u32 @!p1 $0xFF, s0;
	[sflag:s28] =	ssyncset.done @!p2 $0x0  }
0x4b: {  	[sflag:s28] =	ssyncadd.s32 @!p2 $0xFFFFF600;
	s28 =	sshll.u32 s29, $0x7;
	p2 =	sne.s32 @!p1 s0, $0x0  }
0x4c: {  	[tilespmem:s2], [sflag:s26] =	stream.indirect.gather @!p0 [hbm4b:s1+s30], $0x80, s25, s30, $0xb8;
	[tilespmem:$0x1EC00] =	vst v63  }
0x4d: {  	p1 =	por p2, p1  }
0x4e: {  	s0 =	sadd.s32 s28, s23;
	s23 =	sadd.s32 $0x15, s31;
	s24 =	sadd.s32 @!p1 $0x1, s24  }
0x4f: {  	s0 =	sadd.s32 $0x1800, s0;
	p0 =	sne.s32 s23, $0x50;
	s25 =	smul.u32 @!p1 $0x180, s24  }
.Ltmp1:
0x50: {  	s29 =	sand.u32 @!p1 $0x1, s24;
	(pc) =	sbr.rel @p0 .LBB2_2-.Ltmp1, $4  }
0x51: {  	[spmem:s3] =	stream.indirect.scatter.add.f32 [tilespmem:s2], [sflag:$0x5], $0x80, s0, s16, $0xb8;
	[tilespmem:$0x1EC00] =	vst v63  }
0x52: {  	s26 =	smul.u32 @!p1 $0xC00, s29;
	s28 =	sadd.s32 @!p1 s5, s25;
	_ =	swait.ge [sflag:s21], $0x4000  }
0x53: {  	s24 =	simm.s32 @!p1 $0x0;
	s25 =	sadd.s32 @!p1 s6, s25;
	[sflag:s21] =	ssyncset.done $0x0  }
0x54: {  	s29 =	sadd.s32 @!p1 $0x3, s29;
	s30 =	sadd.s32 @!p1 $0x1800, s26;
	[sflag:s21] =	ssyncadd.s32 $0xFFFFC000  }
.LBB2_3:
0x55: {  	[tilespmem:s26], [sflag:s29] =	stream.linear.gather @!p1 [hbm4b:s28+s24], $0xA00, $0x38;
	[tilespmem:$0x1EC00] =	vst v63  }
0x56: {  	s22 =	sadd.s32 $0x1, s22  }
0x57: {  	p0 =	sne.s32 s22, s10  }
0x58: {  	[tilespmem:s30], [sflag:s29] =	stream.linear.gather @!p1 [hbm4b:s25+s24], $0xA00, $0x38;
	[tilespmem:$0x1EC00] =	vst v63  }
.Ltmp2:
0x59: {  	[bflag:$0x0] =	sbarrier.arrive $0xFFFF;
	(pc) =	sbr.rel @p0 .LBB2_1-.Ltmp2, $4  }
0x5a: {  	[hbm:s11], [sflag:s19] =	dma.local [spmem:s20], $0x2780  }
0x5b: {  	_ =	swait.ge [sflag:s21], $0x2780  }
0x5c: {  	[sflag:s21] =	ssyncset.done $0x0  }
0x5d: {  	[sflag:s21] =	ssyncadd.s32 $0xFFFFD880  }
0x5e: {  	_ =	sfence.sel $0x180000  }
0x5f: {  	[bflag:$0x0] =	sbarrier.arrive $0xFFFF  }
0x60: {  	_ =	strace $0x9000004A  }
0x61: {  	s0 =	stileid.u32;
	[bflag:$0x2] =	sbarrier.arrive $0xFFFF  }
0x62: {  	p0 =	sne.s32 s0, $0x0;
	s0 =	rddreg [dreg:$0x3]  }
0x63: {  	s0 =	sadd.s32 @!p0 $0x100000, s0  }
0x64: {  	[sflag:s0] =	ssyncadd.tile.s32 @!p0 $0x1;
	_ =	shalt  }
.Lfunc_end2:
_tile_overlayer_lowered:
.L_overlay_start_2:
0x65: {  	(tag) =	ssettag $0x2  }
0x66: {  	s0 =	rddreg [dreg:$0x0];
	s2 =	stileid.u32  }
0x67: {  	s1 =	rddreg [dreg:$0x1];
	p0 =	sne.s32 s2, $0x0  }
0x68: {  	s3 =	rddreg [dreg:$0x2];
	[bflag:$0x3] =	sbarrier.arrive $0xFFFF;
	s2 =	simm.s32 @!p0 $0x1C05  }
0x69: {  	[timem:s3], [sflag:s2] =	dma.local @!p0 [hbm:s0], s1  }
0x6a: {  	s0 =	simm.s32 @!p0 $0x5  }
0x6b: {  	_ =	swait.ge @!p0 [sflag:s0], s1  }
0x6c: {  	s1 =	ssub.s32 @!p0 $0x0, s1;
	[sflag:s0] =	ssyncset.done @!p0 $0x0  }
0x6d: {  	[sflag:s0] =	ssyncadd.s32 @!p0 s1  }
0x6e: {  	[bflag:$0x3] =	sbarrier.arrive $0xFFFF  }
0x6f: {  	_ =	shalt  }

// kernel: kernel.14.cloned.1.call-start
scs
__scs_entry_jumppad:
0x0: {  	(pc) =	sbr.rel $0x88, $3  }
0x1: {  	(tag) =	ssettag $0x0;
	lr =	simm.s32 $0x1  }
0x2: {  	[smem:$0x3F8C] =	sst lr;
	_ =	strace $0xD0000000  }
0x3: {  	_ = 	snop  }
0x4: {  	_ = 	snop  }
0x5: {  	_ = 	snop  }
0x6: {  	_ = 	snop  }
0x7: {  	_ = 	snop  }
__scs_overlays_trampoline_lowered:
0x8: {  	[smem:$0x3F9B] =	sst s0  }
0x9: {  	[smem:$0x3F9C] =	sst s1  }
0xa: {  	[smem:$0x3F9D] =	sst s2  }
0xb: {  	[smem:$0x3F9E] =	sst s3  }
0xc: {  	[smem:$0x3F9F] =	sst s4  }
0xd: {  	[smem:$0x3FA0] =	sst s5  }
0xe: {  	[smem:$0x3FA1] =	sst s6  }
0xf: {  	[smem:$0x3FA2] =	sst s7  }
0x10: {  	[smem:$0x3FA3] =	sst s8  }
0x11: {  	[smem:$0x3FA4] =	sst s9;
	s0 =	simm.s32 @!p0 $0x0  }
0x12: {  	s1 =	sld [smem:$0x3F8A];
	s0 =	simm.s32 @p0 $0x1  }
0x13: {  	[smem:$0x3FA5] =	sst s0;
	s0 =	simm.s32 @!p1 $0x0  }
0x14: {  	s2 =	sld [smem:$0x3F89];
	s0 =	simm.s32 @p1 $0x1  }
0x15: {  	[smem:$0x3FA6] =	sst s0;
	s0 =	simm.s32 @!p2 $0x0  }
0x16: {  	s3 =	sld [smem:$0x3FDB];
	s0 =	simm.s32 @p2 $0x1  }
0x17: {  	s4 =	simm.s32 $0x1BF5;
	[smem:$0x3FA8] =	sst s0  }
0x18: {  	s0 =	sld [smem:$0x3F8B];
	_ =	swait.ge [sflag:s4], $0x0  }
0x19: {  	s7 =	sld [smem:$0x3F8C]  }
0x1a: {  	s8 =	sadd.s32 $0xFFFFE003, lr  }
0x1b: {  	s9 =	sadd.s32 $0xFFFFFEF7, lr;
	s5 =	simm.s32 $0xFFFFFFFF;
	p2 =	slt.u32 s8, $0xFFFFF086  }
0x1c: {  	p1 =	slt.u32 s9, $0xF7A;
	s5 =	simm.s32 @!p2 $0x0  }
0x1d: {  	s5 =	simm.s32 @p1 $0x1;
	p0 =	seq.s32 s7, s2  }
0x1e: {  	s7 =	smul.u32 @!p0 $0xF7A, s2;
	p2 =	seq.s32 @!p0 s5, $0x0  }
0x1f: {  	s9 =	smul.u32 $0xF7A, s1;
	s8 =	simm.s32 @!p0 $0x1BF5;
	p2 =	por !p2, p0  }
0x20: {  	[sflag:s8] =	ssyncset.s32 @!p0 $0xFFFFF086;
	s6 =	sadd.s32 @!p0 s3, s7;
	s7 =	simm.s32 @!p0 $0x108  }
0x21: {  	s3 =	sadd.s32 s3, s9;
	s6 =	sadd.s32 @!p0 $0x88, s6;
	s7 =	simm.s32 @p2 $0x1082  }
0x22: {  	[simem:s7], [sflag:s8] =	dma.local @!p0 [hbm:s6], $0xF7A  }
0x23: {  	s9 =	sor.u32 $0xD0000000, s2;
	s6 =	simm.s32 $0x108;
	_ =	swait.ge @!p0 [sflag:s8], $0x0  }
0x24: {  	s3 =	sadd.s32 $0x88, s3;
	s6 =	simm.s32 @!p1 $0x1082;
	[sflag:s4] =	ssyncset.s32 $0xFFFFF086  }
0x25: {  	[simem:s6], [sflag:s4] =	dma.local [hbm:s3], $0xF7A  }
0x26: {  	[smem:$0x3F8C] =	sst s1;
	(tag) =	ssettag s2;
	_ =	strace s9  }
0x27: {  	s1 =	sld [smem:$0x3F9C]  }
0x28: {  	s2 =	sld [smem:$0x3F9D]  }
0x29: {  	s4 =	sld [smem:$0x3F9F]  }
0x2a: {  	p0 =	seq.s32 s5, $0x0;
	s5 =	sld [smem:$0x3FA0]  }
0x2b: {  	s6 =	sld [smem:$0x3FA1]  }
0x2c: {  	s7 =	sld [smem:$0x3FA2]  }
0x2d: {  	s3 =	simm.s32 $0x108;
	s8 =	sld [smem:$0x3FA3]  }
0x2e: {  	s3 =	simm.s32 @!p0 $0x1082;
	s9 =	sld [smem:$0x3FA4]  }
0x2f: {  	lr =	sadd.s32 s0, s3;
	s0 =	sld [smem:$0x3F9B]  }
0x30: {  	s3 =	sld [smem:$0x3F9E]  }
0x31: {  	[smem:$0x3FA7] =	sst s10  }
0x32: {  	s10 =	sld [smem:$0x3FA5];
	_ =	sdelay $0x3  }
0x33: {  	p0 =	seq.s32 s10, $0x1;
	s10 =	sld [smem:$0x3FA7];
	_ =	sdelay $0x3  }
0x34: {  	[smem:$0x3FA7] =	sst s10  }
0x35: {  	s10 =	sld [smem:$0x3FA6];
	_ =	sdelay $0x3  }
0x36: {  	p1 =	seq.s32 s10, $0x1;
	s10 =	sld [smem:$0x3FA7];
	_ =	sdelay $0x3  }
0x37: {  	[smem:$0x3FA7] =	sst s10  }
0x38: {  	s10 =	sld [smem:$0x3FA8]  }
0x39: {  	_ = 	snop;
	(pc) =	sbr.ind lr, $3  }
0x3a: {  	_ = 	snop  }
0x3b: {  	_ = 	snop  }
0x3c: {  	p2 =	seq.s32 s10, $0x1;
	s10 =	sld [smem:$0x3FA7]  }
0x3d: {  	_ =	shalt  }
0x3e: {  	_ =	shalt  }
0x3f: {  	_ =	shalt  }
0x40: {  	_ =	shalt  }
0x41: {  	_ =	shalt  }
0x42: {  	_ =	shalt  }
0x43: {  	_ =	shalt  }
0x44: {  	_ =	shalt  }
0x45: {  	_ =	shalt  }
0x46: {  	_ =	shalt  }
0x47: {  	_ =	shalt  }
0x48: {  	_ =	shalt  }
0x49: {  	_ =	shalt  }
0x4a: {  	_ =	shalt  }
0x4b: {  	_ =	shalt  }
0x4c: {  	_ =	shalt  }
0x4d: {  	_ =	shalt  }
0x4e: {  	_ =	shalt  }
0x4f: {  	_ =	shalt  }
0x50: {  	_ =	shalt  }
0x51: {  	_ =	shalt  }
0x52: {  	_ =	shalt  }
0x53: {  	_ =	shalt  }
0x54: {  	_ =	shalt  }
0x55: {  	_ =	shalt  }
0x56: {  	_ =	shalt  }
0x57: {  	_ =	shalt  }
0x58: {  	_ =	shalt  }
0x59: {  	_ =	shalt  }
0x5a: {  	_ =	shalt  }
0x5b: {  	_ =	shalt  }
0x5c: {  	_ =	shalt  }
0x5d: {  	_ =	shalt  }
0x5e: {  	_ =	shalt  }
0x5f: {  	_ =	shalt  }
0x60: {  	_ =	shalt  }
0x61: {  	_ =	shalt  }
0x62: {  	_ =	shalt  }
0x63: {  	_ =	shalt  }
0x64: {  	_ =	shalt  }
0x65: {  	_ =	shalt  }
0x66: {  	_ =	shalt  }
0x67: {  	_ =	shalt  }
0x68: {  	_ =	shalt  }
0x69: {  	_ =	shalt  }
0x6a: {  	_ =	shalt  }
0x6b: {  	_ =	shalt  }
0x6c: {  	_ =	shalt  }
0x6d: {  	_ =	shalt  }
0x6e: {  	_ =	shalt  }
0x6f: {  	_ =	shalt  }
0x70: {  	_ =	shalt  }
0x71: {  	_ =	shalt  }
0x72: {  	_ =	shalt  }
0x73: {  	_ =	shalt  }
0x74: {  	_ =	shalt  }
0x75: {  	_ =	shalt  }
0x76: {  	_ =	shalt  }
0x77: {  	_ =	shalt  }
0x78: {  	_ =	shalt  }
0x79: {  	_ =	shalt  }
0x7a: {  	_ =	shalt  }
0x7b: {  	_ =	shalt  }
0x7c: {  	_ =	shalt  }
0x7d: {  	_ =	shalt  }
0x7e: {  	_ =	shalt  }
0x7f: {  	_ =	shalt  }
0x80: {  	_ =	shalt  }
0x81: {  	_ =	shalt  }
0x82: {  	_ =	shalt  }
0x83: {  	_ =	shalt  }
0x84: {  	_ =	shalt  }
0x85: {  	_ =	shalt  }
0x86: {  	_ =	shalt  }
0x87: {  	_ =	shalt  }
.Lfunc_end0:
.L_simem_size_0:
called_computation.2_lowered:
.L_overlay_start_0:
0x88: {  	s2 =	sld [smem:$0x3FD9]  }
0x89: {  	s3 =	sld [smem:$0x3FFE];
	_ =	sdelay $0x1  }
0x8a: {  	s1 =	srdreg.scid  }
0x8b: {  	s0 =	sand.u32 $0x1, s1  }
0x8c: {  	s17 =	sshll.u32 s0, $0xA;
	s2 =	sadd.s32 s3, s2  }
0x8d: {  	s2 =	sadd.s32 s2, s17  }
0x8e: {  	[smem:$0x3FB3] =	sst s2  }
0x8f: {  	_ = 	snop  }
0x90: {  	s2 =	sld [smem:$0x3FD0];
	(tm) =	ssettm $0x1  }
0x91: {  	s18 =	sld [smem:$0x3FFB];
	_ =	sdelay $0x3  }
0x92: {  	_ =	strace s18  }
0x93: {  	s3 =	sld [smem:$0x3FFC];
	_ =	sdelay $0x3  }
0x94: {  	_ =	strace s3  }
0x95: {  	s3 =	sld [smem:$0x3FFD];
	_ =	sdelay $0x3  }
0x96: {  	_ =	strace s3  }
0x97: {  	_ =	strace $0x8FFFFFFF  }
0x98: {  	s19 =	sld [smem:$0x3FDB];
	_ =	sdelay $0x1  }
0x99: {  	s4 =	simm.s32 $_scs_section_size  }
0x9a: {  	s5 =	simm.s32 $_size__tile_overlayer_lowered;
	s6 =	simm.s32 $_tile_overlayer_lowered  }
0x9b: {  	s22 =	simm.s32 $0x1BFF;
	s21 =	sshll.u32 s6, $0x1;
	s3 =	sadd.s32 s4, s19  }
0x9c: {  	s7 =	simm.s32 $0x0;
	s20 =	sshll.u32 s5, $0x1;
	s5 =	sadd.s32 s21, s3  }
0x9d: {  	[timem:s7], [sflag:s22] =	dma.local [hbm:s5], s20  }
0x9e: {  	_ =	swait.ge [sflag:s22], s20  }
0x9f: {  	s4 =	ssub.s32 $0x0, s20;
	[sflag:s22] =	ssyncset.done $0x0  }
0xa0: {  	[sflag:s22] =	ssyncadd.s32 s4;
	_ =	sdelay $0x1  }
0xa1: {  	s23 =	simm.s32 $0x1B8B  }
0xa2: {  	_ =	swait.ge [sflag:s23], $0x1  }
0xa3: {  	[sflag:s23] =	ssyncset.done $0x0  }
0xa4: {  	s25 =	simm.s32 $0x1B8E;
	s24 =	sld [smem:$0x3FFE];
	[sflag:s23] =	ssyncadd.s32 $0xFFFFFFFF  }
0xa5: {  	s26 =	simm.s32 $execute0_lowered;
	[smem:$0x3FD2] =	sst s25  }
0xa6: {  	s5 =	sshll.u32 s26, $0x1;
	_ =	strace $0x8000004C;
	[dreg:$0x1] =	wrdreg $0xFFFFFFFF  }
0xa7: {  	s28 =	simm.s32 $_size_execute0_lowered;
	s3 =	sadd.s32 s3, s5;
	[dreg:$0x0] =	wrdreg $0x0  }
0xa8: {  	s5 =	sshll.u32 s28, $0x1;
	[dreg:$0x2] =	wrdreg s3  }
0xa9: {  	[dreg:$0x3] =	wrdreg s5  }
0xaa: {  	[dreg:$0x4] =	wrdreg $0xC0  }
0xab: {  	_ =	task [dreg:s7], $0x5FFFF  }
0xac: {  	[dreg:$0x1] =	wrdreg $0xFFFFFFFF  }
0xad: {  	[dreg:$0x0] =	wrdreg $0x60  }
0xae: {  	[dreg:$0x2] =	wrdreg s2  }
0xaf: {  	[dreg:$0x3] =	wrdreg s24  }
0xb0: {  	[dreg:$0x4] =	wrdreg $0xB0000  }
0xb1: {  	[dreg:$0x5] =	wrdreg $0x9  }
0xb2: {  	_ =	task.clear_ibuf [dreg:s7], $0x6FFFF;
	_ =	strace $0x9000004C  }
0xb3: {  	s29 =	simm.s32 $0x9;
	_ =	strace $0x8000004E  }
0xb4: {  	_ =	swait.ge [sflag:s29], $0x1  }
0xb5: {  	[sflag:s29] =	ssyncadd.s32 $0xFFFFFFFF  }
0xb6: {  	_ =	strace $0x9000004E  }
0xb7: {  	_ =	sfence  }
0xb8: {  	s30 =	sld [smem:$0x0];
	_ =	sdelay $0x2  }
0xb9: {  	s31 =	sshll.u32 s1, $0xD;
	s1 =	sshrl.u32 s1, $0x2  }
0xba: {  	s3 =	sand.u32 $0x4000, s31;
	s1 =	sadd.s32 s1, s30  }
0xbb: {  	s0 =	sor.u32 s3, s0;
	s1 =	sshll.u32 s1, $0x11  }
0xbc: {  	s0 =	sor.u32 s1, s0  }
0xbd: {  	s0 =	sadd.s32 $0x8F2B, s0  }
0xbe: {  	[sflag:s0] =	ssyncadd.remote.s32 $0x1  }
0xbf: {  	_ =	sfence.sel $0xFFFF  }
0xc0: {  	[dreg:$0x0] =	wrdreg $0xFFFFFFFF;
	(pc) =	sbr.abs _section_cstart, $3  }
0xc1: {  	[dreg:$0x1] =	wrdreg $0xFFFFFFFF  }
0xc2: {  	_ =	task.clear_ibuf [dreg:s7], $0x2FFFF;
	_ =	strace $0x9FFFFFFF  }
0xc3: {  	(tm) =	ssettm $0x7FFFFFFF  }
tec
execute0_lowered:
.L_overlay_start_1:
0x0: {  	(tag) =	ssettag $0x1  }
0x1: {  	s0 =	srdreg.scid;
	s1 =	rddreg [dreg:$0x0]  }
0x2: {  	s5 =	rddreg [dreg:$0x1];
	s29 =	stileid.u32  }
0x3: {  	s3 =	rddreg [dreg:$0x2];
	s4 =	simm.s32 $0x0;
	s13 =	simm.s32 $0x6BC00  }
0x4: {  	s14 =	simm.s32 $0x2400;
	s15 =	simm.s32 $0x3;
	s16 =	simm.s32 $0x80  }
0x5: {  	s17 =	simm.s32 $0x3000;
	s18 =	simm.s32 $0x7000;
	s21 =	simm.s32 $0x5  }
0x6: {  	s22 =	simm.s32 $0x0;
	s8 =	sand.u32 $0x1, s0;
	s7 =	smul.u32 $0x2780, s29  }
0x7: {  	[smem:$0x7FF] =	sst s4;
	s31 =	smul.u32 $0x4F000, s29;
	s19 =	sshll.u32 s29, $0x6  }
0x8: {  	s2 =	sshll.u32 s8, $0x4;
	s9 =	ssub.s32 $0x2, s8;
	_ =	strace $0x8000004D  }
0x9: {  	p0 =	seq.s32 s8, $0x1;
	s19 =	sor.u32 $0x1C05, s19;
	s6 =	sor.u32 s29, s2  }
0xa: {  	s30 =	sshrl.u32 s9, $0x1;
	s11 =	sadd.s32 s7, s5;
	s13 =	simm.s32 @!p0 $0x44400  }
0xb: {  	s6 =	smul.u32 $0x600, s6;
	s12 =	ssub.s32 s9, s30;
	s9 =	sshrl.u32 s31, $0x2  }
0xc: {  	s20 =	sadd.s32 s9, s3;
	s9 =	sadd.s32 $0x1CC00, s11;
	s11 =	sadd.s32 s13, s11  }
0xd: {  	s13 =	simm.s32 $0xC00;
	s10 =	sadd.s32 s6, s5;
	s20 =	sshrl.u32 s20, $0x3  }
0xe: {  	s5 =	sadd.s32 $0x4C00, s10;
	s6 =	sadd.s32 $0x10C00, s10;
	s7 =	sadd.s32 $0x4D80, s10  }
0xf: {  	s8 =	sadd.s32 $0x10D80, s10;
	s10 =	smax.u32 s12, $0x1;
	s12 =	simm.s32 $0x1800  }
.LBB2_1:
0x10: {  	[tilespmem:s4], [sflag:$0x3] =	stream.linear.gather [hbm4b:s5+s4], $0xA00, $0x38;
	[tilespmem:$0x1EC00] =	vst v63  }
0x11: {  	_ = 	snop  }
0x12: {  	[tilespmem:s12], [sflag:$0x3] =	stream.linear.gather [hbm4b:s6+s4], $0xA00, $0x38;
	[tilespmem:$0x1EC00] =	vst v63  }
0x13: {  	_ = 	snop  }
0x14: {  	[tilespmem:s13], [sflag:$0x4] =	stream.linear.gather [hbm4b:s7+s4], $0xA00, $0x38;
	[tilespmem:$0x1EC00] =	vst v63  }
0x15: {  	_ = 	snop  }
0x16: {  	[tilespmem:s14], [sflag:$0x4] =	stream.linear.gather [hbm4b:s8+s4], $0xA00, $0x38;
	[tilespmem:$0x1EC00] =	vst v63  }
0x17: {  	_ =	swait.ge [sflag:s15], $0xA00  }
0x18: {  	[sflag:s15] =	ssyncset.done $0x0  }
0x19: {  	p0 =	por $0x0, $0x0;
	[sflag:s15] =	ssyncadd.s32 $0xFFFFF600  }
0x1a: {  	s23 =	simm.s32 @!p0 $0x2;
	_ =	swait.ge [sflag:s15], $0xA00  }
0x1b: {  	s23 =	sand.u32 @!p0 $0xFF, s23;
	[sflag:s15] =	ssyncset.done $0x0  }
0x1c: {  	s23 =	smul.u32 @!p0 $0xCD, s23;
	[sflag:s15] =	ssyncadd.s32 $0xFFFFF600  }
0x1d: {  	[tilespmem:s17], [sflag:$0x1] =	stream.indirect.gather [hbm4b:s1+s16], $0x80, s4, s16, $0xb8;
	[tilespmem:$0x1EC00] =	vst v63  }
0x1e: {  	s23 =	sshrl.u32 @!p0 s23, $0xC  }
0x1f: {  	[tilespmem:s18], [sflag:$0x2] =	stream.indirect.gather [hbm4b:s1+s16], $0x80, s16, s16, $0xb8;
	[tilespmem:$0x1EC00] =	vst v63  }
0x20: {  	[spmem:s20], [sflag:s19] =	dma.local [hbm:s9], $0x2780  }
0x21: {  	s24 =	smul.u32 @!p0 $0x14, s23;
	_ =	swait.ge [sflag:s21], $0x2780  }
0x22: {  	s25 =	sand.u32 $0x1, s4;
	[sflag:s21] =	ssyncset.done $0x0  }
0x23: {  	s29 =	smul.u32 $0xCD, s4;
	s24 =	ssub.s32 @!p0 $0x2, s24;
	[sflag:s21] =	ssyncadd.s32 $0xFFFFD880  }
0x24: {  	s26 =	sadd.s32 $0x1, s25;
	s24 =	sand.u32 @!p0 $0xFF, s24;
	[bflag:$0x0] =	sbarrier.arrive $0xFFFF  }
0x25: {  	s23 =	sand.u32 @!p0 $0x1, s23;
	p1 =	sne.s32 @!p0 s24, $0x0;
	_ =	swait.ge [sflag:s26], $0x4000  }
0x26: {  	s28 =	smul.u32 @!p0 $0x3000, s23;
	p1 =	por p1, p0;
	[sflag:s26] =	ssyncset.done $0x0  }
0x27: {  	s29 =	sshrl.u32 s29, $0xC;
	s23 =	sadd.s32 @!p1 $0x3, s23;
	[sflag:s26] =	ssyncadd.s32 $0xFFFFC000  }
0x28: {  	s28 =	sshrl.u32 @!p0 s28, $0x2;
	s24 =	sshll.u32 @!p0 s24, $0x7;
	_ =	swait.ge @!p1 [sflag:s23], $0xA00  }
0x29: {  	s24 =	sadd.s32 @!p0 s24, s28;
	s28 =	sand.u32 $0xF, s29;
	[sflag:s23] =	ssyncset.done @!p1 $0x0  }
0x2a: {  	s25 =	sshll.u32 s25, $0xE;
	s29 =	smul.u32 $0x14, s28;
	[sflag:s23] =	ssyncadd.s32 @!p1 $0xFFFFF600  }
0x2b: {  	p3 =	por $0x1, $0x1;
	s25 =	sor.u32 $0x3000, s25;
	_ =	swait.ge @!p1 [sflag:s23], $0xA00  }
0x2c: {  	s30 =	sand.u32 $0x1, s28;
	s29 =	ssub.s32 $0x0, s29;
	[sflag:s23] =	ssyncset.done @!p1 $0x0  }
0x2d: {  	p2 =	seq.s32 s30, $0x1;
	[sflag:s23] =	ssyncadd.s32 @!p1 $0xFFFFF600;
	s23 =	sand.u32 @!p3 $0xFF, s29  }
0x2e: {  	s30 =	simm.s32 @!p0 $0x80;
	s29 =	sand.u32 $0xFF, s29;
	p1 =	sne.s32 @!p3 s23, $0x0  }
0x2f: {  	[tilespmem:s25], [sflag:s26] =	stream.indirect.gather @!p0 [hbm4b:s1+s30], $0x80, s24, s30, $0xb8;
	[tilespmem:$0x1EC00] =	vst v63  }
0x30: {  	s23 =	simm.s32 $0xC00;
	s29 =	sshll.u32 s29, $0x7;
	p1 =	por p1, p3  }
0x31: {  	p0 =	por $0x1, $0x1;
	s23 =	simm.s32 @!p2 $0x0;
	s26 =	sadd.s32 @!p1 $0x1, s28  }
0x32: {  	s31 =	sadd.s32 s29, s23;
	s23 =	simm.s32 $0x1;
	s30 =	smul.u32 @!p1 $0x180, s26  }
.Ltmp0:
0x33: {  	s24 =	sadd.s32 $0x1800, s31;
	s29 =	sand.u32 @!p1 $0x1, s26;
	(pc) =	sbr.rel @!p0 .LBB2_3-.Ltmp0, $4  }
0x34: {  	[spmem:s3] =	stream.indirect.scatter.add.f32 [tilespmem:s25], [sflag:$0x5], $0x80, s24, s16, $0xb8;
	[tilespmem:$0x1EC00] =	vst v63  }
0x35: {  	s26 =	smul.u32 @!p1 $0xC00, s29;
	s24 =	simm.s32 @!p1 $0x0;
	_ =	swait.ge [sflag:s21], $0x4000  }
0x36: {  	s29 =	sadd.s32 @!p1 $0x3, s29;
	s28 =	sadd.s32 @!p1 s5, s30;
	[sflag:s21] =	ssyncset.done $0x0  }
0x37: {  	s25 =	sadd.s32 @!p1 s6, s30;
	s30 =	sadd.s32 @!p1 $0x1800, s26;
	[sflag:s21] =	ssyncadd.s32 $0xFFFFC000  }
.LBB2_2:
0x38: {  	[tilespmem:s26], [sflag:s29] =	stream.linear.gather @!p1 [hbm4b:s28+s24], $0xA00, $0x38;
	[tilespmem:$0x1EC00] =	vst v63  }
0x39: {  	p0 =	sgt.u32 s23, $0x4D  }
0x3a: {  	s26 =	sadd.s32 @!p0 $0x2, s23  }
0x3b: {  	s28 =	sand.u32 @!p0 $0xFF, s26  }
0x3c: {  	s28 =	smul.u32 @!p0 $0xCD, s28  }
0x3d: {  	[tilespmem:s30], [sflag:s29] =	stream.linear.gather @!p1 [hbm4b:s25+s24], $0xA00, $0x38;
	[tilespmem:$0x1EC00] =	vst v63  }
0x3e: {  	s31 =	sadd.s32 $0xFFFFFFEC, s23;
	s24 =	smul.u32 $0xCD, s23;
	s25 =	sshrl.u32 @!p0 s28, $0xC  }
0x3f: {  	s2 =	sand.u32 $0x1, s23;
	s28 =	sand.u32 @!p0 $0x1, s25;
	s25 =	smul.u32 @!p0 $0x14, s25  }
0x40: {  	s30 =	simm.s32 @!p0 $0x80;
	p1 =	sgt.u32 s31, $0x27;
	s29 =	smul.u32 @!p0 $0x3000, s28  }
0x41: {  	s24 =	sshrl.u32 s24, $0xC;
	s25 =	ssub.s32 @!p0 s26, s25;
	s26 =	sadd.s32 $0x1, s2  }
0x42: {  	s24 =	sand.u32 $0xF, s24;
	s25 =	sand.u32 @!p0 $0xFF, s25;
	s29 =	sshrl.u32 @!p0 s29, $0x2  }
0x43: {  	p2 =	sne.s32 @!p0 s25, $0x0;
	s25 =	sshll.u32 @!p0 s25, $0x7;
	_ =	swait.ge [sflag:s26], $0x4000  }
0x44: {  	p2 =	por p2, p0;
	s25 =	sadd.s32 @!p0 s25, s29;
	[sflag:s26] =	ssyncset.done $0x0  }
0x45: {  	s2 =	sshll.u32 s2, $0xE;
	s28 =	sadd.s32 @!p2 $0x3, s28;
	[sflag:s26] =	ssyncadd.s32 $0xFFFFC000  }
0x46: {  	s0 =	sand.u32 $0x1, s24;
	s29 =	smul.u32 $0x14, s24;
	_ =	swait.ge @!p2 [sflag:s28], $0xA00  }
0x47: {  	s2 =	sor.u32 $0x3000, s2;
	p3 =	seq.s32 s0, $0x1;
	[sflag:s28] =	ssyncset.done @!p2 $0x0  }
0x48: {  	s0 =	ssub.s32 s23, s29;
	s23 =	simm.s32 $0xC00;
	[sflag:s28] =	ssyncadd.s32 @!p2 $0xFFFFF600  }
0x49: {  	s23 =	simm.s32 @!p3 $0x0;
	_ =	swait.ge @!p2 [sflag:s28], $0xA00  }
0x4a: {  	s29 =	sand.u32 $0xFF, s0;
	s0 =	sand.u32 @!p1 $0xFF, s0;
	[sflag:s28] =	ssyncset.done @!p2 $0x0  }
0x4b: {  	[sflag:s28] =	ssyncadd.s32 @!p2 $0xFFFFF600;
	s28 =	sshll.u32 s29, $0x7;
	p2 =	sne.s32 @!p1 s0, $0x0  }
0x4c: {  	[tilespmem:s2], [sflag:s26] =	stream.indirect.gather @!p0 [hbm4b:s1+s30], $0x80, s25, s30, $0xb8;
	[tilespmem:$0x1EC00] =	vst v63  }
0x4d: {  	p1 =	por p2, p1  }
0x4e: {  	s0 =	sadd.s32 s28, s23;
	s23 =	sadd.s32 $0x15, s31;
	s24 =	sadd.s32 @!p1 $0x1, s24  }
0x4f: {  	s0 =	sadd.s32 $0x1800, s0;
	p0 =	sne.s32 s23, $0x50;
	s25 =	smul.u32 @!p1 $0x180, s24  }
.Ltmp1:
0x50: {  	s29 =	sand.u32 @!p1 $0x1, s24;
	(pc) =	sbr.rel @p0 .LBB2_2-.Ltmp1, $4  }
0x51: {  	[spmem:s3] =	stream.indirect.scatter.add.f32 [tilespmem:s2], [sflag:$0x5], $0x80, s0, s16, $0xb8;
	[tilespmem:$0x1EC00] =	vst v63  }
0x52: {  	s26 =	smul.u32 @!p1 $0xC00, s29;
	s28 =	sadd.s32 @!p1 s5, s25;
	_ =	swait.ge [sflag:s21], $0x4000  }
0x53: {  	s24 =	simm.s32 @!p1 $0x0;
	s25 =	sadd.s32 @!p1 s6, s25;
	[sflag:s21] =	ssyncset.done $0x0  }
0x54: {  	s29 =	sadd.s32 @!p1 $0x3, s29;
	s30 =	sadd.s32 @!p1 $0x1800, s26;
	[sflag:s21] =	ssyncadd.s32 $0xFFFFC000  }
.LBB2_3:
0x55: {  	[tilespmem:s26], [sflag:s29] =	stream.linear.gather @!p1 [hbm4b:s28+s24], $0xA00, $0x38;
	[tilespmem:$0x1EC00] =	vst v63  }
0x56: {  	s22 =	sadd.s32 $0x1, s22  }
0x57: {  	p0 =	sne.s32 s22, s10  }
0x58: {  	[tilespmem:s30], [sflag:s29] =	stream.linear.gather @!p1 [hbm4b:s25+s24], $0xA00, $0x38;
	[tilespmem:$0x1EC00] =	vst v63  }
.Ltmp2:
0x59: {  	[bflag:$0x0] =	sbarrier.arrive $0xFFFF;
	(pc) =	sbr.rel @p0 .LBB2_1-.Ltmp2, $4  }
0x5a: {  	[hbm:s11], [sflag:s19] =	dma.local [spmem:s20], $0x2780  }
0x5b: {  	_ =	swait.ge [sflag:s21], $0x2780  }
0x5c: {  	[sflag:s21] =	ssyncset.done $0x0  }
0x5d: {  	[sflag:s21] =	ssyncadd.s32 $0xFFFFD880  }
0x5e: {  	_ =	sfence.sel $0x180000  }
0x5f: {  	[bflag:$0x0] =	sbarrier.arrive $0xFFFF  }
0x60: {  	_ =	strace $0x9000004D  }
0x61: {  	s0 =	stileid.u32;
	[bflag:$0x2] =	sbarrier.arrive $0xFFFF  }
0x62: {  	p0 =	sne.s32 s0, $0x0;
	s0 =	rddreg [dreg:$0x3]  }
0x63: {  	s0 =	sadd.s32 @!p0 $0x100000, s0  }
0x64: {  	[sflag:s0] =	ssyncadd.tile.s32 @!p0 $0x1;
	_ =	shalt  }
.Lfunc_end2:
_tile_overlayer_lowered:
.L_overlay_start_2:
0x65: {  	(tag) =	ssettag $0x2  }
0x66: {  	s0 =	rddreg [dreg:$0x0];
	s2 =	stileid.u32  }
0x67: {  	s1 =	rddreg [dreg:$0x1];
	p0 =	sne.s32 s2, $0x0  }
0x68: {  	s3 =	rddreg [dreg:$0x2];
	[bflag:$0x3] =	sbarrier.arrive $0xFFFF;
	s2 =	simm.s32 @!p0 $0x1C05  }
0x69: {  	[timem:s3], [sflag:s2] =	dma.local @!p0 [hbm:s0], s1  }
0x6a: {  	s0 =	simm.s32 @!p0 $0x5  }
0x6b: {  	_ =	swait.ge @!p0 [sflag:s0], s1  }
0x6c: {  	s1 =	ssub.s32 @!p0 $0x0, s1;
	[sflag:s0] =	ssyncset.done @!p0 $0x0  }
0x6d: {  	[sflag:s0] =	ssyncadd.s32 @!p0 s1  }
0x6e: {  	[bflag:$0x3] =	sbarrier.arrive $0xFFFF  }
0x6f: {  	_ =	shalt  }

// kernel: kernel.8.cloned.1.call-start
scs
__scs_entry_jumppad:
0x0: {  	(pc) =	sbr.rel $0x88, $3  }
0x1: {  	(tag) =	ssettag $0x0;
	lr =	simm.s32 $0x1  }
0x2: {  	[smem:$0x3F8C] =	sst lr;
	_ =	strace $0xD0000000  }
0x3: {  	_ = 	snop  }
0x4: {  	_ = 	snop  }
0x5: {  	_ = 	snop  }
0x6: {  	_ = 	snop  }
0x7: {  	_ = 	snop  }
__scs_overlays_trampoline_lowered:
0x8: {  	[smem:$0x3F9B] =	sst s0  }
0x9: {  	[smem:$0x3F9C] =	sst s1  }
0xa: {  	[smem:$0x3F9D] =	sst s2  }
0xb: {  	[smem:$0x3F9E] =	sst s3  }
0xc: {  	[smem:$0x3F9F] =	sst s4  }
0xd: {  	[smem:$0x3FA0] =	sst s5  }
0xe: {  	[smem:$0x3FA1] =	sst s6  }
0xf: {  	[smem:$0x3FA2] =	sst s7  }
0x10: {  	[smem:$0x3FA3] =	sst s8  }
0x11: {  	[smem:$0x3FA4] =	sst s9;
	s0 =	simm.s32 @!p0 $0x0  }
0x12: {  	s1 =	sld [smem:$0x3F8A];
	s0 =	simm.s32 @p0 $0x1  }
0x13: {  	[smem:$0x3FA5] =	sst s0;
	s0 =	simm.s32 @!p1 $0x0  }
0x14: {  	s2 =	sld [smem:$0x3F89];
	s0 =	simm.s32 @p1 $0x1  }
0x15: {  	[smem:$0x3FA6] =	sst s0;
	s0 =	simm.s32 @!p2 $0x0  }
0x16: {  	s3 =	sld [smem:$0x3FDB];
	s0 =	simm.s32 @p2 $0x1  }
0x17: {  	s4 =	simm.s32 $0x1BF5;
	[smem:$0x3FA8] =	sst s0  }
0x18: {  	s0 =	sld [smem:$0x3F8B];
	_ =	swait.ge [sflag:s4], $0x0  }
0x19: {  	s7 =	sld [smem:$0x3F8C]  }
0x1a: {  	s8 =	sadd.s32 $0xFFFFE003, lr  }
0x1b: {  	s9 =	sadd.s32 $0xFFFFFEF7, lr;
	s5 =	simm.s32 $0xFFFFFFFF;
	p2 =	slt.u32 s8, $0xFFFFF086  }
0x1c: {  	p1 =	slt.u32 s9, $0xF7A;
	s5 =	simm.s32 @!p2 $0x0  }
0x1d: {  	s5 =	simm.s32 @p1 $0x1;
	p0 =	seq.s32 s7, s2  }
0x1e: {  	s7 =	smul.u32 @!p0 $0xF7A, s2;
	p2 =	seq.s32 @!p0 s5, $0x0  }
0x1f: {  	s9 =	smul.u32 $0xF7A, s1;
	s8 =	simm.s32 @!p0 $0x1BF5;
	p2 =	por !p2, p0  }
0x20: {  	[sflag:s8] =	ssyncset.s32 @!p0 $0xFFFFF086;
	s6 =	sadd.s32 @!p0 s3, s7;
	s7 =	simm.s32 @!p0 $0x108  }
0x21: {  	s3 =	sadd.s32 s3, s9;
	s6 =	sadd.s32 @!p0 $0x88, s6;
	s7 =	simm.s32 @p2 $0x1082  }
0x22: {  	[simem:s7], [sflag:s8] =	dma.local @!p0 [hbm:s6], $0xF7A  }
0x23: {  	s9 =	sor.u32 $0xD0000000, s2;
	s6 =	simm.s32 $0x108;
	_ =	swait.ge @!p0 [sflag:s8], $0x0  }
0x24: {  	s3 =	sadd.s32 $0x88, s3;
	s6 =	simm.s32 @!p1 $0x1082;
	[sflag:s4] =	ssyncset.s32 $0xFFFFF086  }
0x25: {  	[simem:s6], [sflag:s4] =	dma.local [hbm:s3], $0xF7A  }
0x26: {  	[smem:$0x3F8C] =	sst s1;
	(tag) =	ssettag s2;
	_ =	strace s9  }
0x27: {  	s1 =	sld [smem:$0x3F9C]  }
0x28: {  	s2 =	sld [smem:$0x3F9D]  }
0x29: {  	s4 =	sld [smem:$0x3F9F]  }
0x2a: {  	p0 =	seq.s32 s5, $0x0;
	s5 =	sld [smem:$0x3FA0]  }
0x2b: {  	s6 =	sld [smem:$0x3FA1]  }
0x2c: {  	s7 =	sld [smem:$0x3FA2]  }
0x2d: {  	s3 =	simm.s32 $0x108;
	s8 =	sld [smem:$0x3FA3]  }
0x2e: {  	s3 =	simm.s32 @!p0 $0x1082;
	s9 =	sld [smem:$0x3FA4]  }
0x2f: {  	lr =	sadd.s32 s0, s3;
	s0 =	sld [smem:$0x3F9B]  }
0x30: {  	s3 =	sld [smem:$0x3F9E]  }
0x31: {  	[smem:$0x3FA7] =	sst s10  }
0x32: {  	s10 =	sld [smem:$0x3FA5];
	_ =	sdelay $0x3  }
0x33: {  	p0 =	seq.s32 s10, $0x1;
	s10 =	sld [smem:$0x3FA7];
	_ =	sdelay $0x3  }
0x34: {  	[smem:$0x3FA7] =	sst s10  }
0x35: {  	s10 =	sld [smem:$0x3FA6];
	_ =	sdelay $0x3  }
0x36: {  	p1 =	seq.s32 s10, $0x1;
	s10 =	sld [smem:$0x3FA7];
	_ =	sdelay $0x3  }
0x37: {  	[smem:$0x3FA7] =	sst s10  }
0x38: {  	s10 =	sld [smem:$0x3FA8]  }
0x39: {  	_ = 	snop;
	(pc) =	sbr.ind lr, $3  }
0x3a: {  	_ = 	snop  }
0x3b: {  	_ = 	snop  }
0x3c: {  	p2 =	seq.s32 s10, $0x1;
	s10 =	sld [smem:$0x3FA7]  }
0x3d: {  	_ =	shalt  }
0x3e: {  	_ =	shalt  }
0x3f: {  	_ =	shalt  }
0x40: {  	_ =	shalt  }
0x41: {  	_ =	shalt  }
0x42: {  	_ =	shalt  }
0x43: {  	_ =	shalt  }
0x44: {  	_ =	shalt  }
0x45: {  	_ =	shalt  }
0x46: {  	_ =	shalt  }
0x47: {  	_ =	shalt  }
0x48: {  	_ =	shalt  }
0x49: {  	_ =	shalt  }
0x4a: {  	_ =	shalt  }
0x4b: {  	_ =	shalt  }
0x4c: {  	_ =	shalt  }
0x4d: {  	_ =	shalt  }
0x4e: {  	_ =	shalt  }
0x4f: {  	_ =	shalt  }
0x50: {  	_ =	shalt  }
0x51: {  	_ =	shalt  }
0x52: {  	_ =	shalt  }
0x53: {  	_ =	shalt  }
0x54: {  	_ =	shalt  }
0x55: {  	_ =	shalt  }
0x56: {  	_ =	shalt  }
0x57: {  	_ =	shalt  }
0x58: {  	_ =	shalt  }
0x59: {  	_ =	shalt  }
0x5a: {  	_ =	shalt  }
0x5b: {  	_ =	shalt  }
0x5c: {  	_ =	shalt  }
0x5d: {  	_ =	shalt  }
0x5e: {  	_ =	shalt  }
0x5f: {  	_ =	shalt  }
0x60: {  	_ =	shalt  }
0x61: {  	_ =	shalt  }
0x62: {  	_ =	shalt  }
0x63: {  	_ =	shalt  }
0x64: {  	_ =	shalt  }
0x65: {  	_ =	shalt  }
0x66: {  	_ =	shalt  }
0x67: {  	_ =	shalt  }
0x68: {  	_ =	shalt  }
0x69: {  	_ =	shalt  }
0x6a: {  	_ =	shalt  }
0x6b: {  	_ =	shalt  }
0x6c: {  	_ =	shalt  }
0x6d: {  	_ =	shalt  }
0x6e: {  	_ =	shalt  }
0x6f: {  	_ =	shalt  }
0x70: {  	_ =	shalt  }
0x71: {  	_ =	shalt  }
0x72: {  	_ =	shalt  }
0x73: {  	_ =	shalt  }
0x74: {  	_ =	shalt  }
0x75: {  	_ =	shalt  }
0x76: {  	_ =	shalt  }
0x77: {  	_ =	shalt  }
0x78: {  	_ =	shalt  }
0x79: {  	_ =	shalt  }
0x7a: {  	_ =	shalt  }
0x7b: {  	_ =	shalt  }
0x7c: {  	_ =	shalt  }
0x7d: {  	_ =	shalt  }
0x7e: {  	_ =	shalt  }
0x7f: {  	_ =	shalt  }
0x80: {  	_ =	shalt  }
0x81: {  	_ =	shalt  }
0x82: {  	_ =	shalt  }
0x83: {  	_ =	shalt  }
0x84: {  	_ =	shalt  }
0x85: {  	_ =	shalt  }
0x86: {  	_ =	shalt  }
0x87: {  	_ =	shalt  }
.Lfunc_end0:
.L_simem_size_0:
called_computation_lowered:
.L_overlay_start_0:
0x88: {  	s2 =	sld [smem:$0x3FD9]  }
0x89: {  	s3 =	sld [smem:$0x3FFE];
	_ =	sdelay $0x1  }
0x8a: {  	s1 =	srdreg.scid  }
0x8b: {  	s0 =	sand.u32 $0x1, s1  }
0x8c: {  	s17 =	sshll.u32 s0, $0xA;
	s2 =	sadd.s32 s3, s2  }
0x8d: {  	s2 =	sadd.s32 s2, s17  }
0x8e: {  	[smem:$0x3FB3] =	sst s2  }
0x8f: {  	_ = 	snop  }
0x90: {  	s2 =	sld [smem:$0x3FC9];
	(tm) =	ssettm $0x1  }
0x91: {  	s18 =	sld [smem:$0x3FFB];
	_ =	sdelay $0x3  }
0x92: {  	_ =	strace s18  }
0x93: {  	s3 =	sld [smem:$0x3FFC];
	_ =	sdelay $0x3  }
0x94: {  	_ =	strace s3  }
0x95: {  	s3 =	sld [smem:$0x3FFD];
	_ =	sdelay $0x3  }
0x96: {  	_ =	strace s3  }
0x97: {  	_ =	strace $0x8FFFFFFF  }
0x98: {  	s19 =	sld [smem:$0x3FDB];
	_ =	sdelay $0x1  }
0x99: {  	s4 =	simm.s32 $_scs_section_size  }
0x9a: {  	s5 =	simm.s32 $_size__tile_overlayer_lowered;
	s6 =	simm.s32 $_tile_overlayer_lowered  }
0x9b: {  	s22 =	simm.s32 $0x1BFF;
	s21 =	sshll.u32 s6, $0x1;
	s3 =	sadd.s32 s4, s19  }
0x9c: {  	s7 =	simm.s32 $0x0;
	s20 =	sshll.u32 s5, $0x1;
	s5 =	sadd.s32 s21, s3  }
0x9d: {  	[timem:s7], [sflag:s22] =	dma.local [hbm:s5], s20  }
0x9e: {  	_ =	swait.ge [sflag:s22], s20  }
0x9f: {  	s4 =	ssub.s32 $0x0, s20;
	[sflag:s22] =	ssyncset.done $0x0  }
0xa0: {  	[sflag:s22] =	ssyncadd.s32 s4;
	_ =	sdelay $0x1  }
0xa1: {  	s23 =	simm.s32 $0x1B8B  }
0xa2: {  	_ =	swait.ge [sflag:s23], $0x1  }
0xa3: {  	[sflag:s23] =	ssyncset.done $0x0  }
0xa4: {  	s25 =	simm.s32 $0x1B8E;
	s24 =	sld [smem:$0x3FFE];
	[sflag:s23] =	ssyncadd.s32 $0xFFFFFFFF  }
0xa5: {  	s26 =	simm.s32 $execute0_lowered;
	[smem:$0x3FD2] =	sst s25  }
0xa6: {  	s5 =	sshll.u32 s26, $0x1;
	_ =	strace $0x80000046;
	[dreg:$0x1] =	wrdreg $0xFFFFFFFF  }
0xa7: {  	s28 =	simm.s32 $_size_execute0_lowered;
	s3 =	sadd.s32 s3, s5;
	[dreg:$0x0] =	wrdreg $0x0  }
0xa8: {  	s5 =	sshll.u32 s28, $0x1;
	[dreg:$0x2] =	wrdreg s3  }
0xa9: {  	[dreg:$0x3] =	wrdreg s5  }
0xaa: {  	[dreg:$0x4] =	wrdreg $0xC0  }
0xab: {  	_ =	task [dreg:s7], $0x5FFFF  }
0xac: {  	[dreg:$0x1] =	wrdreg $0xFFFFFFFF  }
0xad: {  	[dreg:$0x0] =	wrdreg $0x60  }
0xae: {  	[dreg:$0x2] =	wrdreg s2  }
0xaf: {  	[dreg:$0x3] =	wrdreg s24  }
0xb0: {  	[dreg:$0x4] =	wrdreg $0xB0000  }
0xb1: {  	[dreg:$0x5] =	wrdreg $0x9  }
0xb2: {  	_ =	task.clear_ibuf [dreg:s7], $0x6FFFF;
	_ =	strace $0x90000046  }
0xb3: {  	s29 =	simm.s32 $0x9;
	_ =	strace $0x80000048  }
0xb4: {  	_ =	swait.ge [sflag:s29], $0x1  }
0xb5: {  	[sflag:s29] =	ssyncadd.s32 $0xFFFFFFFF  }
0xb6: {  	_ =	strace $0x90000048  }
0xb7: {  	_ =	sfence  }
0xb8: {  	s30 =	sld [smem:$0x0];
	_ =	sdelay $0x2  }
0xb9: {  	s31 =	sshll.u32 s1, $0xD;
	s1 =	sshrl.u32 s1, $0x2  }
0xba: {  	s3 =	sand.u32 $0x4000, s31;
	s1 =	sadd.s32 s1, s30  }
0xbb: {  	s0 =	sor.u32 s3, s0;
	s1 =	sshll.u32 s1, $0x11  }
0xbc: {  	s0 =	sor.u32 s1, s0  }
0xbd: {  	s0 =	sadd.s32 $0x8F2B, s0  }
0xbe: {  	[sflag:s0] =	ssyncadd.remote.s32 $0x1  }
0xbf: {  	_ =	sfence.sel $0xFFFF  }
0xc0: {  	[dreg:$0x0] =	wrdreg $0xFFFFFFFF;
	(pc) =	sbr.abs _section_cstart, $3  }
0xc1: {  	[dreg:$0x1] =	wrdreg $0xFFFFFFFF  }
0xc2: {  	_ =	task.clear_ibuf [dreg:s7], $0x2FFFF;
	_ =	strace $0x9FFFFFFF  }
0xc3: {  	(tm) =	ssettm $0x7FFFFFFF  }
tec
execute0_lowered:
.L_overlay_start_1:
0x0: {  	(tag) =	ssettag $0x1  }
0x1: {  	s0 =	srdreg.scid;
	s1 =	rddreg [dreg:$0x0]  }
0x2: {  	s5 =	rddreg [dreg:$0x1];
	s29 =	stileid.u32  }
0x3: {  	s3 =	rddreg [dreg:$0x2];
	s4 =	simm.s32 $0x0;
	s13 =	simm.s32 $0x6BC00  }
0x4: {  	s14 =	simm.s32 $0x2400;
	s15 =	simm.s32 $0x3;
	s16 =	simm.s32 $0x80  }
0x5: {  	s17 =	simm.s32 $0x3000;
	s18 =	simm.s32 $0x7000;
	s21 =	simm.s32 $0x5  }
0x6: {  	s22 =	simm.s32 $0x0;
	s8 =	sand.u32 $0x1, s0;
	s7 =	smul.u32 $0x2780, s29  }
0x7: {  	[smem:$0x7FF] =	sst s4;
	s31 =	smul.u32 $0x4F000, s29;
	s19 =	sshll.u32 s29, $0x6  }
0x8: {  	s2 =	sshll.u32 s8, $0x4;
	s9 =	ssub.s32 $0x2, s8;
	_ =	strace $0x80000047  }
0x9: {  	p0 =	seq.s32 s8, $0x1;
	s19 =	sor.u32 $0x1C05, s19;
	s6 =	sor.u32 s29, s2  }
0xa: {  	s30 =	sshrl.u32 s9, $0x1;
	s11 =	sadd.s32 s7, s5;
	s13 =	simm.s32 @!p0 $0x44400  }
0xb: {  	s6 =	smul.u32 $0x600, s6;
	s12 =	ssub.s32 s9, s30;
	s9 =	sshrl.u32 s31, $0x2  }
0xc: {  	s20 =	sadd.s32 s9, s3;
	s9 =	sadd.s32 $0x1CC00, s11;
	s11 =	sadd.s32 s13, s11  }
0xd: {  	s13 =	simm.s32 $0xC00;
	s10 =	sadd.s32 s6, s5;
	s20 =	sshrl.u32 s20, $0x3  }
0xe: {  	s5 =	sadd.s32 $0x4C00, s10;
	s6 =	sadd.s32 $0x10C00, s10;
	s7 =	sadd.s32 $0x4D80, s10  }
0xf: {  	s8 =	sadd.s32 $0x10D80, s10;
	s10 =	smax.u32 s12, $0x1;
	s12 =	simm.s32 $0x1800  }
.LBB2_1:
0x10: {  	[tilespmem:s4], [sflag:$0x3] =	stream.linear.gather [hbm4b:s5+s4], $0xA00, $0x38;
	[tilespmem:$0x1EC00] =	vst v63  }
0x11: {  	_ = 	snop  }
0x12: {  	[tilespmem:s12], [sflag:$0x3] =	stream.linear.gather [hbm4b:s6+s4], $0xA00, $0x38;
	[tilespmem:$0x1EC00] =	vst v63  }
0x13: {  	_ = 	snop  }
0x14: {  	[tilespmem:s13], [sflag:$0x4] =	stream.linear.gather [hbm4b:s7+s4], $0xA00, $0x38;
	[tilespmem:$0x1EC00] =	vst v63  }
0x15: {  	_ = 	snop  }
0x16: {  	[tilespmem:s14], [sflag:$0x4] =	stream.linear.gather [hbm4b:s8+s4], $0xA00, $0x38;
	[tilespmem:$0x1EC00] =	vst v63  }
0x17: {  	_ =	swait.ge [sflag:s15], $0xA00  }
0x18: {  	[sflag:s15] =	ssyncset.done $0x0  }
0x19: {  	p0 =	por $0x0, $0x0;
	[sflag:s15] =	ssyncadd.s32 $0xFFFFF600  }
0x1a: {  	s23 =	simm.s32 @!p0 $0x2;
	_ =	swait.ge [sflag:s15], $0xA00  }
0x1b: {  	s23 =	sand.u32 @!p0 $0xFF, s23;
	[sflag:s15] =	ssyncset.done $0x0  }
0x1c: {  	s23 =	smul.u32 @!p0 $0xCD, s23;
	[sflag:s15] =	ssyncadd.s32 $0xFFFFF600  }
0x1d: {  	[tilespmem:s17], [sflag:$0x1] =	stream.indirect.gather [hbm4b:s1+s16], $0x80, s4, s16, $0xb8;
	[tilespmem:$0x1EC00] =	vst v63  }
0x1e: {  	s23 =	sshrl.u32 @!p0 s23, $0xC  }
0x1f: {  	[tilespmem:s18], [sflag:$0x2] =	stream.indirect.gather [hbm4b:s1+s16], $0x80, s16, s16, $0xb8;
	[tilespmem:$0x1EC00] =	vst v63  }
0x20: {  	[spmem:s20], [sflag:s19] =	dma.local [hbm:s9], $0x2780  }
0x21: {  	s24 =	smul.u32 @!p0 $0x14, s23;
	_ =	swait.ge [sflag:s21], $0x2780  }
0x22: {  	s25 =	sand.u32 $0x1, s4;
	[sflag:s21] =	ssyncset.done $0x0  }
0x23: {  	s29 =	smul.u32 $0xCD, s4;
	s24 =	ssub.s32 @!p0 $0x2, s24;
	[sflag:s21] =	ssyncadd.s32 $0xFFFFD880  }
0x24: {  	s26 =	sadd.s32 $0x1, s25;
	s24 =	sand.u32 @!p0 $0xFF, s24;
	[bflag:$0x0] =	sbarrier.arrive $0xFFFF  }
0x25: {  	s23 =	sand.u32 @!p0 $0x1, s23;
	p1 =	sne.s32 @!p0 s24, $0x0;
	_ =	swait.ge [sflag:s26], $0x4000  }
0x26: {  	s28 =	smul.u32 @!p0 $0x3000, s23;
	p1 =	por p1, p0;
	[sflag:s26] =	ssyncset.done $0x0  }
0x27: {  	s29 =	sshrl.u32 s29, $0xC;
	s23 =	sadd.s32 @!p1 $0x3, s23;
	[sflag:s26] =	ssyncadd.s32 $0xFFFFC000  }
0x28: {  	s28 =	sshrl.u32 @!p0 s28, $0x2;
	s24 =	sshll.u32 @!p0 s24, $0x7;
	_ =	swait.ge @!p1 [sflag:s23], $0xA00  }
0x29: {  	s24 =	sadd.s32 @!p0 s24, s28;
	s28 =	sand.u32 $0xF, s29;
	[sflag:s23] =	ssyncset.done @!p1 $0x0  }
0x2a: {  	s25 =	sshll.u32 s25, $0xE;
	s29 =	smul.u32 $0x14, s28;
	[sflag:s23] =	ssyncadd.s32 @!p1 $0xFFFFF600  }
0x2b: {  	p3 =	por $0x1, $0x1;
	s25 =	sor.u32 $0x3000, s25;
	_ =	swait.ge @!p1 [sflag:s23], $0xA00  }
0x2c: {  	s30 =	sand.u32 $0x1, s28;
	s29 =	ssub.s32 $0x0, s29;
	[sflag:s23] =	ssyncset.done @!p1 $0x0  }
0x2d: {  	p2 =	seq.s32 s30, $0x1;
	[sflag:s23] =	ssyncadd.s32 @!p1 $0xFFFFF600;
	s23 =	sand.u32 @!p3 $0xFF, s29  }
0x2e: {  	s30 =	simm.s32 @!p0 $0x80;
	s29 =	sand.u32 $0xFF, s29;
	p1 =	sne.s32 @!p3 s23, $0x0  }
0x2f: {  	[tilespmem:s25], [sflag:s26] =	stream.indirect.gather @!p0 [hbm4b:s1+s30], $0x80, s24, s30, $0xb8;
	[tilespmem:$0x1EC00] =	vst v63  }
0x30: {  	s23 =	simm.s32 $0xC00;
	s29 =	sshll.u32 s29, $0x7;
	p1 =	por p1, p3  }
0x31: {  	p0 =	por $0x1, $0x1;
	s23 =	simm.s32 @!p2 $0x0;
	s26 =	sadd.s32 @!p1 $0x1, s28  }
0x32: {  	s31 =	sadd.s32 s29, s23;
	s23 =	simm.s32 $0x1;
	s30 =	smul.u32 @!p1 $0x180, s26  }
.Ltmp0:
0x33: {  	s24 =	sadd.s32 $0x1800, s31;
	s29 =	sand.u32 @!p1 $0x1, s26;
	(pc) =	sbr.rel @!p0 .LBB2_3-.Ltmp0, $4  }
0x34: {  	[spmem:s3] =	stream.indirect.scatter.add.f32 [tilespmem:s25], [sflag:$0x5], $0x80, s24, s16, $0xb8;
	[tilespmem:$0x1EC00] =	vst v63  }
0x35: {  	s26 =	smul.u32 @!p1 $0xC00, s29;
	s24 =	simm.s32 @!p1 $0x0;
	_ =	swait.ge [sflag:s21], $0x4000  }
0x36: {  	s29 =	sadd.s32 @!p1 $0x3, s29;
	s28 =	sadd.s32 @!p1 s5, s30;
	[sflag:s21] =	ssyncset.done $0x0  }
0x37: {  	s25 =	sadd.s32 @!p1 s6, s30;
	s30 =	sadd.s32 @!p1 $0x1800, s26;
	[sflag:s21] =	ssyncadd.s32 $0xFFFFC000  }
.LBB2_2:
0x38: {  	[tilespmem:s26], [sflag:s29] =	stream.linear.gather @!p1 [hbm4b:s28+s24], $0xA00, $0x38;
	[tilespmem:$0x1EC00] =	vst v63  }
0x39: {  	p0 =	sgt.u32 s23, $0x4D  }
0x3a: {  	s26 =	sadd.s32 @!p0 $0x2, s23  }
0x3b: {  	s28 =	sand.u32 @!p0 $0xFF, s26  }
0x3c: {  	s28 =	smul.u32 @!p0 $0xCD, s28  }
0x3d: {  	[tilespmem:s30], [sflag:s29] =	stream.linear.gather @!p1 [hbm4b:s25+s24], $0xA00, $0x38;
	[tilespmem:$0x1EC00] =	vst v63  }
0x3e: {  	s31 =	sadd.s32 $0xFFFFFFEC, s23;
	s24 =	smul.u32 $0xCD, s23;
	s25 =	sshrl.u32 @!p0 s28, $0xC  }
0x3f: {  	s2 =	sand.u32 $0x1, s23;
	s28 =	sand.u32 @!p0 $0x1, s25;
	s25 =	smul.u32 @!p0 $0x14, s25  }
0x40: {  	s30 =	simm.s32 @!p0 $0x80;
	p1 =	sgt.u32 s31, $0x27;
	s29 =	smul.u32 @!p0 $0x3000, s28  }
0x41: {  	s24 =	sshrl.u32 s24, $0xC;
	s25 =	ssub.s32 @!p0 s26, s25;
	s26 =	sadd.s32 $0x1, s2  }
0x42: {  	s24 =	sand.u32 $0xF, s24;
	s25 =	sand.u32 @!p0 $0xFF, s25;
	s29 =	sshrl.u32 @!p0 s29, $0x2  }
0x43: {  	p2 =	sne.s32 @!p0 s25, $0x0;
	s25 =	sshll.u32 @!p0 s25, $0x7;
	_ =	swait.ge [sflag:s26], $0x4000  }
0x44: {  	p2 =	por p2, p0;
	s25 =	sadd.s32 @!p0 s25, s29;
	[sflag:s26] =	ssyncset.done $0x0  }
0x45: {  	s2 =	sshll.u32 s2, $0xE;
	s28 =	sadd.s32 @!p2 $0x3, s28;
	[sflag:s26] =	ssyncadd.s32 $0xFFFFC000  }
0x46: {  	s0 =	sand.u32 $0x1, s24;
	s29 =	smul.u32 $0x14, s24;
	_ =	swait.ge @!p2 [sflag:s28], $0xA00  }
0x47: {  	s2 =	sor.u32 $0x3000, s2;
	p3 =	seq.s32 s0, $0x1;
	[sflag:s28] =	ssyncset.done @!p2 $0x0  }
0x48: {  	s0 =	ssub.s32 s23, s29;
	s23 =	simm.s32 $0xC00;
	[sflag:s28] =	ssyncadd.s32 @!p2 $0xFFFFF600  }
0x49: {  	s23 =	simm.s32 @!p3 $0x0;
	_ =	swait.ge @!p2 [sflag:s28], $0xA00  }
0x4a: {  	s29 =	sand.u32 $0xFF, s0;
	s0 =	sand.u32 @!p1 $0xFF, s0;
	[sflag:s28] =	ssyncset.done @!p2 $0x0  }
0x4b: {  	[sflag:s28] =	ssyncadd.s32 @!p2 $0xFFFFF600;
	s28 =	sshll.u32 s29, $0x7;
	p2 =	sne.s32 @!p1 s0, $0x0  }
0x4c: {  	[tilespmem:s2], [sflag:s26] =	stream.indirect.gather @!p0 [hbm4b:s1+s30], $0x80, s25, s30, $0xb8;
	[tilespmem:$0x1EC00] =	vst v63  }
0x4d: {  	p1 =	por p2, p1  }
0x4e: {  	s0 =	sadd.s32 s28, s23;
	s23 =	sadd.s32 $0x15, s31;
	s24 =	sadd.s32 @!p1 $0x1, s24  }
0x4f: {  	s0 =	sadd.s32 $0x1800, s0;
	p0 =	sne.s32 s23, $0x50;
	s25 =	smul.u32 @!p1 $0x180, s24  }
.Ltmp1:
0x50: {  	s29 =	sand.u32 @!p1 $0x1, s24;
	(pc) =	sbr.rel @p0 .LBB2_2-.Ltmp1, $4  }
0x51: {  	[spmem:s3] =	stream.indirect.scatter.add.f32 [tilespmem:s2], [sflag:$0x5], $0x80, s0, s16, $0xb8;
	[tilespmem:$0x1EC00] =	vst v63  }
0x52: {  	s26 =	smul.u32 @!p1 $0xC00, s29;
	s28 =	sadd.s32 @!p1 s5, s25;
	_ =	swait.ge [sflag:s21], $0x4000  }
0x53: {  	s24 =	simm.s32 @!p1 $0x0;
	s25 =	sadd.s32 @!p1 s6, s25;
	[sflag:s21] =	ssyncset.done $0x0  }
0x54: {  	s29 =	sadd.s32 @!p1 $0x3, s29;
	s30 =	sadd.s32 @!p1 $0x1800, s26;
	[sflag:s21] =	ssyncadd.s32 $0xFFFFC000  }
.LBB2_3:
0x55: {  	[tilespmem:s26], [sflag:s29] =	stream.linear.gather @!p1 [hbm4b:s28+s24], $0xA00, $0x38;
	[tilespmem:$0x1EC00] =	vst v63  }
0x56: {  	s22 =	sadd.s32 $0x1, s22  }
0x57: {  	p0 =	sne.s32 s22, s10  }
0x58: {  	[tilespmem:s30], [sflag:s29] =	stream.linear.gather @!p1 [hbm4b:s25+s24], $0xA00, $0x38;
	[tilespmem:$0x1EC00] =	vst v63  }
.Ltmp2:
0x59: {  	[bflag:$0x0] =	sbarrier.arrive $0xFFFF;
	(pc) =	sbr.rel @p0 .LBB2_1-.Ltmp2, $4  }
0x5a: {  	[hbm:s11], [sflag:s19] =	dma.local [spmem:s20], $0x2780  }
0x5b: {  	_ =	swait.ge [sflag:s21], $0x2780  }
0x5c: {  	[sflag:s21] =	ssyncset.done $0x0  }
0x5d: {  	[sflag:s21] =	ssyncadd.s32 $0xFFFFD880  }
0x5e: {  	_ =	sfence.sel $0x180000  }
0x5f: {  	[bflag:$0x0] =	sbarrier.arrive $0xFFFF  }
0x60: {  	_ =	strace $0x90000047  }
0x61: {  	s0 =	stileid.u32;
	[bflag:$0x2] =	sbarrier.arrive $0xFFFF  }
0x62: {  	p0 =	sne.s32 s0, $0x0;
	s0 =	rddreg [dreg:$0x3]  }
0x63: {  	s0 =	sadd.s32 @!p0 $0x100000, s0  }
0x64: {  	[sflag:s0] =	ssyncadd.tile.s32 @!p0 $0x1;
	_ =	shalt  }
.Lfunc_end2:
_tile_overlayer_lowered:
.L_overlay_start_2:
0x65: {  	(tag) =	ssettag $0x2  }
0x66: {  	s0 =	rddreg [dreg:$0x0];
	s2 =	stileid.u32  }
0x67: {  	s1 =	rddreg [dreg:$0x1];
	p0 =	sne.s32 s2, $0x0  }
0x68: {  	s3 =	rddreg [dreg:$0x2];
	[bflag:$0x3] =	sbarrier.arrive $0xFFFF;
	s2 =	simm.s32 @!p0 $0x1C05  }
0x69: {  	[timem:s3], [sflag:s2] =	dma.local @!p0 [hbm:s0], s1  }
0x6a: {  	s0 =	simm.s32 @!p0 $0x5  }
0x6b: {  	_ =	swait.ge @!p0 [sflag:s0], s1  }
0x6c: {  	s1 =	ssub.s32 @!p0 $0x0, s1;
	[sflag:s0] =	ssyncset.done @!p0 $0x0  }
0x6d: {  	[sflag:s0] =	ssyncadd.s32 @!p0 s1  }
0x6e: {  	[bflag:$0x3] =	sbarrier.arrive $0xFFFF  }
0x6f: {  	_ =	shalt  }

</sc_bundles>
